<compile_context>
chip_gen: v7x
topology: tpu7x:2x2x1
jax: 0.10.2.dev20260603
libtpu: 0.0.44.dev20260713+nightly
codegen_flags: <defaults>
</compile_context>

<pallas_src>
import functools
import math

import jax
import jax.numpy as jnp
from jax import lax
from jax.experimental import pallas as pl
from jax.experimental.pallas import tpu as pltpu
from jax.experimental.pallas import tpu_sc as plsc

_SQRT3 = math.sqrt(3.0)
_SH_SCALE = math.sqrt(5.0 / (4.0 * math.pi))

_EDGE_BLK = 6400
_CHUNK = 128
_NW = 32
_GRP = 4


def _edge_feats_body(x_ref, v_ref, w1_ref, b1_ref, w2_ref, b2_ref, o_ref):
    x = x_ref[...].astype(jnp.bfloat16)
    h2 = jnp.dot(x, w1_ref[...], preferred_element_type=jnp.float32) + b1_ref[...]
    a = h2 * (1.0 + jnp.tanh(h2))
    si = jnp.dot(a.astype(jnp.bfloat16), w2_ref[...],
                 preferred_element_type=jnp.float32) + b2_ref[...]
    siT = si.T
    sT = siT[0:1, :]
    iT = siT[1:2, :]
    v = v_ref[...]
    vx, vy, vz = v[0:1, :], v[1:2, :], v[2:3, :]
    nrm = jnp.sqrt(vx * vx + vy * vy + vz * vz)
    inv = 1.0 / jnp.maximum(nrm, 1e-12)
    nx, ny, nz = vx * inv, vy * inv, vz * inv
    sc = _SH_SCALE * iT
    sh0 = (_SQRT3 * nx * nz) * sc
    sh1 = (_SQRT3 * nx * ny) * sc
    sh2 = (ny * ny - 0.5 * (nx * nx + nz * nz)) * sc
    sh3 = (_SQRT3 * ny * nz) * sc
    sh4 = (0.5 * _SQRT3 * (nz * nz - nx * nx)) * sc
    ones = jnp.ones_like(sT)
    zeros = jnp.zeros_like(sT)
    rows = jnp.concatenate([sT, sh0, sh1, sh2, sh3, sh4, ones, zeros], axis=0)
    o_ref[...] = rows.T


def _edge_feats(x_edge, ev_t, w1, b1, w2, b2):
    e, emb = x_edge.shape
    grid = e // _EDGE_BLK
    return pl.pallas_call(
        _edge_feats_body,
        grid=(grid,),
        in_specs=[
            pl.BlockSpec((_EDGE_BLK, emb), lambda i: (i, 0)),
            pl.BlockSpec((3, _EDGE_BLK), lambda i: (0, i)),
            pl.BlockSpec(w1.shape, lambda i: (0, 0)),
            pl.BlockSpec(b1.shape, lambda i: (0, 0)),
            pl.BlockSpec(w2.shape, lambda i: (0, 0)),
            pl.BlockSpec(b2.shape, lambda i: (0, 0)),
        ],
        out_specs=pl.BlockSpec((_EDGE_BLK, 8), lambda i: (i, 0)),
        out_shape=jax.ShapeDtypeStruct((e, 8), jnp.float32),
        compiler_params=pltpu.CompilerParams(
            dimension_semantics=("arbitrary",)),
    )(x_edge, ev_t, w1, b1, w2, b2)


def _node_scatter(feats, idx_flat, zeros_init, n_nodes):
    e = feats.shape[0]
    nchunks = e // _CHUNK
    iters = (nchunks + _NW - 1) // _NW
    rounds = iters // _GRP
    rows_per_tile = n_nodes // 16
    nslot = 2 * _GRP

    def body(feats_hbm, idx_hbm, zeros_hbm, out_hbm, *refs):
        ib = refs[0:nslot]
        fb = refs[nslot:2 * nslot]
        shared = refs[2 * nslot]
        dsem = refs[2 * nslot + 1:3 * nslot + 1]
        ssem = refs[3 * nslot + 1:4 * nslot + 1]
        c = lax.axis_index("c")
        s = lax.axis_index("s")
        w = s * 2 + c
        base = w * iters
        r0 = s * rows_per_tile

        def start_dmas(j, k):
            @pl.when(base + j < nchunks)
            def _():
                cid = base + j
                pltpu.async_copy(idx_hbm.at[pl.ds(cid * _CHUNK, _CHUNK)],
                                 ib[k], dsem[k])
                pltpu.async_copy(feats_hbm.at[pl.ds(cid * _CHUNK, _CHUNK)],
                                 fb[k], dsem[k])

        def wait_dmas_and_scatter(j, k):
            @pl.when(base + j < nchunks)
            def _():
                cid = base + j
                pltpu.make_async_copy(idx_hbm.at[pl.ds(cid * _CHUNK, _CHUNK)],
                                      ib[k], dsem[k]).wait()
                pltpu.make_async_copy(feats_hbm.at[pl.ds(cid * _CHUNK, _CHUNK)],
                                      fb[k], dsem[k]).wait()
                pltpu.async_copy(fb[k], shared.at[ib[k]], ssem[k], add=True)

        def wait_scatter(j, k):
            @pl.when(base + j < nchunks)
            def _():
                pltpu.make_async_copy(fb[k], shared.at[ib[k]], ssem[k]).wait()

        pltpu.sync_copy(zeros_hbm.at[pl.ds(r0, rows_per_tile)],
                        shared.at[pl.ds(r0, rows_per_tile)])
        for q in range(_GRP):
            start_dmas(q, q)
        plsc.subcore_barrier()

        for r in range(rounds):
            g = r % 2
            og = 1 - g
            if r > 0:
                for q in range(_GRP):
                    wait_scatter(_GRP * (r - 1) + q, _GRP * og + q)
            if r < rounds - 1:
                for q in range(_GRP):
                    start_dmas(_GRP * (r + 1) + q, _GRP * og + q)
            for q in range(_GRP):
                wait_dmas_and_scatter(_GRP * r + q, _GRP * g + q)
        g_last = (rounds - 1) % 2
        for q in range(_GRP):
            wait_scatter(_GRP * (rounds - 1) + q, _GRP * g_last + q)
        plsc.subcore_barrier()
        pltpu.sync_copy(shared.at[pl.ds(r0, rows_per_tile)],
                        out_hbm.at[c, pl.ds(r0, rows_per_tile)])

    mesh = plsc.VectorSubcoreMesh(core_axis_name="c", subcore_axis_name="s",
                                  num_cores=2, num_subcores=16)
    f = pl.kernel(
        body,
        out_type=jax.ShapeDtypeStruct((2, n_nodes, 8), jnp.float32),
        mesh=mesh,
        compiler_params=pltpu.CompilerParams(
            needs_layout_passes=False, use_tc_tiling_on_sc=False),
        scratch_types=(
            [pltpu.VMEM((_CHUNK,), jnp.int32) for _ in range(nslot)]
            + [pltpu.VMEM((_CHUNK, 8), jnp.float32) for _ in range(nslot)]
            + [pltpu.VMEM_SHARED((n_nodes, 8), jnp.float32)]
            + [pltpu.SemaphoreType.DMA for _ in range(2 * nslot)]
        ),
    )
    return f(feats, idx_flat, zeros_init)


def _finish_body(p_ref, bi_ref, o_ref, *, n_valid, nb):
    p = p_ref[...]
    ssum = (p[0] + p[1])[:n_valid]
    cnt = ssum[:, 6:7]
    md = ssum / jnp.maximum(cnt, 1.0)
    lane = lax.broadcasted_iota(jnp.int32, md.shape, 1)
    m = jnp.where(lane == 7, 1.0, md)
    bi = bi_ref[...]
    grow = lax.broadcasted_iota(jnp.int32, (nb, n_valid), 0)
    onehot_t = (bi == grow).astype(jnp.float32)
    gs = jnp.dot(onehot_t, m, preferred_element_type=jnp.float32)
    ncnt = gs[:, 7:8]
    o_ref[...] = gs / jnp.maximum(ncnt, 1.0)


def _finish(partials, batch_idx2d, n_valid, nb):
    return pl.pallas_call(
        functools.partial(_finish_body, n_valid=n_valid, nb=nb),
        out_shape=jax.ShapeDtypeStruct((nb, 8), jnp.float32),
    )(partials, batch_idx2d)


def kernel(x_edge, edge_vec, idx_t, batch_idx, batch_size, sw1, sb1, sw2,
           sb2, iw1, ib1, iw2, ib2):
    e = x_edge.shape[0]
    n_nodes = batch_idx.shape[0]
    nb = 64

    n_pad = ((n_nodes + 16 * 8 - 1) // (16 * 8)) * (16 * 8)

    w1 = (0.5 * jnp.concatenate([sw1.T, iw1.T], axis=1)).astype(jnp.bfloat16)
    b1 = (0.5 * jnp.concatenate([sb1, ib1])).reshape(1, -1)
    emb = sw1.shape[0]
    w2 = jnp.zeros((2 * emb, 2), jnp.float32)
    w2 = w2.at[:emb, 0].set(sw2[0]).at[emb:, 1].set(iw2[0]).astype(jnp.bfloat16)
    b2 = jnp.stack([sb2[0], ib2[0]]).reshape(1, 2)

    feats = _edge_feats(x_edge, edge_vec.T, w1, b1, w2, b2)
    zeros_init = jnp.zeros((n_pad, 8), jnp.float32)
    partials = _node_scatter(feats, idx_t.astype(jnp.int32), zeros_init, n_pad)
    out8 = _finish(partials, batch_idx.astype(jnp.int32).reshape(1, n_nodes),
                   n_nodes, nb)
    return out8[:, 0], out8[:, 1:6]

# --- scband reference (transcript-rebuilt; emitter-appended) ---
"""Pipeline reference for scband-rank2-decomposition-edge-block-66005057405128 (READ-ONLY COPY).

The authoritative reference and input builder live on the scoring server;
editing this copy changes nothing except your own understanding.
"""

import jax, jax.numpy as jnp
import numpy as np

EMB = 256
E = 160000
N = 10000
B = 64


def _sph2(vec):
    # e3nn o3.spherical_harmonics(2, vec, normalize=True, normalization='integral')
    n = vec / jnp.clip(jnp.linalg.norm(vec, axis=-1, keepdims=True), 1e-12, None)
    x, y, z = n[:, 0], n[:, 1], n[:, 2]
    s3 = jnp.sqrt(3.0)
    sh0 = s3 * x * z
    sh1 = s3 * x * y
    sh2 = y ** 2 - 0.5 * (x ** 2 + z ** 2)
    sh3 = s3 * y * z
    sh4 = (s3 / 2.0) * (z ** 2 - x ** 2)
    sh = jnp.stack([sh0, sh1, sh2, sh3, sh4], axis=-1)
    return sh * jnp.sqrt(5.0 / (4.0 * jnp.pi))


def _scatter_mean(vals, idx, size):
    sums = jax.ops.segment_sum(vals, idx, num_segments=size)
    ones = jnp.ones((vals.shape[0],) + (1,) * (vals.ndim - 1), vals.dtype)
    counts = jax.ops.segment_sum(ones, idx, num_segments=size)
    return sums / jnp.clip(counts, 1.0, None)


def setup_inputs(seed: int = 0) -> dict:
    key = jax.random.key(seed)
    ks = jax.random.split(key, 12)
    x_edge = jax.random.normal(ks[0], (E, EMB), dtype=jnp.float32)
    edge_vec = jax.random.normal(ks[1], (E, 3), dtype=jnp.float32)
    idx_t = jax.random.randint(ks[2], (E,), 0, N, dtype=jnp.int64 if jax.config.jax_enable_x64 else jnp.int32)
    batch_idx = jnp.sort(jax.random.randint(ks[3], (N,), 0, B, dtype=jnp.int64 if jax.config.jax_enable_x64 else jnp.int32))
    k1 = 1.0 / np.sqrt(EMB)
    sw1 = jax.random.uniform(ks[4], (EMB, EMB), jnp.float32, -k1, k1)
    sb1 = jax.random.uniform(ks[5], (EMB,), jnp.float32, -k1, k1)
    sw2 = jax.random.uniform(ks[6], (1, EMB), jnp.float32, -k1, k1)
    sb2 = jax.random.uniform(ks[7], (1,), jnp.float32, -k1, k1)
    iw1 = jax.random.uniform(ks[8], (EMB, EMB), jnp.float32, -k1, k1)
    ib1 = jax.random.uniform(ks[9], (EMB,), jnp.float32, -k1, k1)
    iw2 = jax.random.uniform(ks[10], (1, EMB), jnp.float32, -k1, k1)
    ib2 = jax.random.uniform(ks[11], (1,), jnp.float32, -k1, k1)
    return {"x_edge": x_edge, "edge_vec": edge_vec, "idx_t": idx_t, "batch_idx": batch_idx,
            "batch_size": B, "sw1": sw1, "sb1": sb1, "sw2": sw2, "sb2": sb2,
            "iw1": iw1, "ib1": ib1, "iw2": iw2, "ib2": ib2}


def reference(x_edge, edge_vec, idx_t, batch_idx, batch_size, sw1, sb1, sw2, sb2, iw1, ib1, iw2, ib2):
    sphere_irrep2 = jax.lax.stop_gradient(_sph2(edge_vec))  # [E, 5], detached as in torch
    # edge_level=True path: per-edge MLPs (Linear->SiLU->Linear)
    edge_scalar = jax.nn.silu(x_edge @ sw1.T + sb1) @ sw2.T + sb2  # [E, 1]
    edge_irrep2 = jax.nn.silu(x_edge @ iw1.T + ib1) @ iw2.T + ib2  # [E, 1]
    edge_irrep2 = sphere_irrep2[:, :, None] * edge_irrep2[:, None, :]  # [E, 5, 1]
    n_nodes = batch_idx.shape[0]
    node_scalar = _scatter_mean(edge_scalar, idx_t, n_nodes)  # [N, 1]
    node_irrep2 = _scatter_mean(edge_irrep2, idx_t, n_nodes)  # [N, 5, 1]
    # extensive=False: per-graph mean reduction
    batch_idx = batch_idx + jnp.asarray(batch_size, batch_idx.dtype) * 0
    irrep2 = _scatter_mean(node_irrep2.reshape(-1, 5), batch_idx, B)  # [B, 5]
    scalar = _scatter_mean(node_scalar.reshape(-1), batch_idx, B)  # [B]
    return (scalar, irrep2)


if False:  # reference __main__ guard neutralized (emitter)
    out = reference(**setup_inputs())
    print(out[0].shape, out[1].shape)

if __name__ == "__main__":
    import jax
    _d = setup_inputs()
    print(jax.jit(kernel)(*tuple(_d.values())))

</pallas_src>

<mosaic_0001>
#map = affine_map<(d0, d1) -> (0, 0)>
#map1 = affine_map<(d0, d1) -> (0)>
#map2 = affine_map<(d0, d1) -> (0, 0, 0)>
module attributes {stable_mosaic.version = 14 : i64} {
  func.func @body(%arg0: i32, %arg1: i32, %arg2: memref<160000x8xf32, #tpu.memory_space<hbm>>, %arg3: memref<160000xi32, #tpu.memory_space<hbm>>, %arg4: memref<10112x8xf32, #tpu.memory_space<hbm>>, %arg5: memref<2x10112x8xf32, #tpu.memory_space<hbm>>, %arg6: memref<128xi32, #tpu.memory_space<vmem>>, %arg7: memref<128xi32, #tpu.memory_space<vmem>>, %arg8: memref<128xi32, #tpu.memory_space<vmem>>, %arg9: memref<128xi32, #tpu.memory_space<vmem>>, %arg10: memref<128xi32, #tpu.memory_space<vmem>>, %arg11: memref<128xi32, #tpu.memory_space<vmem>>, %arg12: memref<128xi32, #tpu.memory_space<vmem>>, %arg13: memref<128xi32, #tpu.memory_space<vmem>>, %arg14: memref<128x8xf32, #tpu.memory_space<vmem>>, %arg15: memref<128x8xf32, #tpu.memory_space<vmem>>, %arg16: memref<128x8xf32, #tpu.memory_space<vmem>>, %arg17: memref<128x8xf32, #tpu.memory_space<vmem>>, %arg18: memref<128x8xf32, #tpu.memory_space<vmem>>, %arg19: memref<128x8xf32, #tpu.memory_space<vmem>>, %arg20: memref<128x8xf32, #tpu.memory_space<vmem>>, %arg21: memref<128x8xf32, #tpu.memory_space<vmem>>, %arg22: memref<10112x8xf32, #tpu.memory_space<vmem_shared>>, %arg23: memref<!tpu.dma_semaphore, #tpu.memory_space<semaphore_mem>>, %arg24: memref<!tpu.dma_semaphore, #tpu.memory_space<semaphore_mem>>, %arg25: memref<!tpu.dma_semaphore, #tpu.memory_space<semaphore_mem>>, %arg26: memref<!tpu.dma_semaphore, #tpu.memory_space<semaphore_mem>>, %arg27: memref<!tpu.dma_semaphore, #tpu.memory_space<semaphore_mem>>, %arg28: memref<!tpu.dma_semaphore, #tpu.memory_space<semaphore_mem>>, %arg29: memref<!tpu.dma_semaphore, #tpu.memory_space<semaphore_mem>>, %arg30: memref<!tpu.dma_semaphore, #tpu.memory_space<semaphore_mem>>, %arg31: memref<!tpu.dma_semaphore, #tpu.memory_space<semaphore_mem>>, %arg32: memref<!tpu.dma_semaphore, #tpu.memory_space<semaphore_mem>>, %arg33: memref<!tpu.dma_semaphore, #tpu.memory_space<semaphore_mem>>, %arg34: memref<!tpu.dma_semaphore, #tpu.memory_space<semaphore_mem>>, %arg35: memref<!tpu.dma_semaphore, #tpu.memory_space<semaphore_mem>>, %arg36: memref<!tpu.dma_semaphore, #tpu.memory_space<semaphore_mem>>, %arg37: memref<!tpu.dma_semaphore, #tpu.memory_space<semaphore_mem>>, %arg38: memref<!tpu.dma_semaphore, #tpu.memory_space<semaphore_mem>>) attributes {dimension_semantics = [#tpu.dimension_semantics<core_parallel>, #tpu.dimension_semantics<subcore_parallel>], iteration_bounds = array<i64: 2, 16>, scalar_prefetch = 0 : i64, scratch_operands = 33 : i64, tpu.core_type = #tpu.core_type<sc_vector_subcore>, window_params = [{transform_indices = #map}, {transform_indices = #map1}, {transform_indices = #map}, {transform_indices = #map2}]} {
    %mul3A = arith.constant 2 : i32
    %mul3A_0 = arith.muli %arg1, %mul3A : i32
    %add3A = arith.addi %mul3A_0, %arg0 : i32
    %mul3A_1 = arith.constant 40 : i32
    %mul3A_2 = arith.muli %add3A, %mul3A_1 : i32
    %mul3A_3 = arith.constant 632 : i32
    %mul3A_4 = arith.muli %arg1, %mul3A_3 : i32
    "tpu.region"() ({
      %run_scoped3A = tpu.sem_alloc : memref<!tpu.dma_semaphore, #tpu.memory_space<semaphore_mem>>
      %dma_start3A = arith.constant 0 : i32
      %dma_start3A_843 = tpu.memref_slice %arg22[%mul3A_4, %dma_start3A] : memref<10112x8xf32, #tpu.memory_space<vmem_shared>> -> memref<632x8xf32, #tpu.memory_space<vmem_shared>>
      %dma_start3A_844 = arith.constant 0 : i32
      %dma_start3A_845 = tpu.memref_slice %arg4[%mul3A_4, %dma_start3A_844] : memref<10112x8xf32, #tpu.memory_space<hbm>> -> memref<632x8xf32, #tpu.memory_space<hbm>>
      tpu.enqueue_dma source(%dma_start3A_845 : memref<632x8xf32, #tpu.memory_space<hbm>>) target(%dma_start3A_843 : memref<632x8xf32, #tpu.memory_space<vmem_shared>>) target_semaphore(%run_scoped3A : memref<!tpu.dma_semaphore, #tpu.memory_space<semaphore_mem>>)
      %dma_wait3A = arith.constant 0 : i32
      %dma_wait3A_846 = tpu.memref_slice %arg22[%mul3A_4, %dma_wait3A] : memref<10112x8xf32, #tpu.memory_space<vmem_shared>> -> memref<632x8xf32, #tpu.memory_space<vmem_shared>>
      %dma_wait3A_847 = arith.constant 0 : i32
      %dma_wait3A_848 = tpu.memref_slice %arg4[%mul3A_4, %dma_wait3A_847] : memref<10112x8xf32, #tpu.memory_space<hbm>> -> memref<632x8xf32, #tpu.memory_space<hbm>>
      tpu.wait_dma2 semaphore(%run_scoped3A : memref<!tpu.dma_semaphore, #tpu.memory_space<semaphore_mem>>) src(%dma_wait3A_848 : memref<632x8xf32, #tpu.memory_space<hbm>>) dst(%dma_wait3A_846 : memref<632x8xf32, #tpu.memory_space<vmem_shared>>)
      tpu.yield
    }) : () -> ()
    %add3A_5 = arith.constant 0 : i32
    %add3A_6 = arith.addi %mul3A_2, %add3A_5 : i32
    %lt3A = arith.constant 1250 : i32
    %lt3A_7 = arith.cmpi slt, %add3A_6, %lt3A : i32
    %convert_element_type3A = arith.extui %lt3A_7 : i1 to i32
    %cond3A = arith.constant 0 : i32
    %cond3A_8 = arith.cmpi ne, %convert_element_type3A, %cond3A : i32
    scf.if %cond3A_8 {
      %add3A_843 = arith.constant 0 : i32
      %add3A_844 = arith.addi %mul3A_2, %add3A_843 : i32
      %mul3A_845 = arith.constant 128 : i32
      %mul3A_846 = arith.muli %add3A_844, %mul3A_845 : i32
      %dma_start3A = tpu.memref_slice %arg3[%mul3A_846] : memref<160000xi32, #tpu.memory_space<hbm>> -> memref<128xi32, #tpu.memory_space<hbm>>
      %dma_start3A_847 = tpu.memref_slice %arg3[%mul3A_846] : memref<160000xi32, #tpu.memory_space<hbm>> -> memref<128xi32, #tpu.memory_space<hbm>>
      tpu.enqueue_dma source(%dma_start3A_847 : memref<128xi32, #tpu.memory_space<hbm>>) target(%arg6 : memref<128xi32, #tpu.memory_space<vmem>>) target_semaphore(%arg23 : memref<!tpu.dma_semaphore, #tpu.memory_space<semaphore_mem>>)
      %mul3A_848 = arith.constant 128 : i32
      %mul3A_849 = arith.muli %add3A_844, %mul3A_848 : i32
      %dma_start3A_850 = arith.constant 0 : i32
      %dma_start3A_851 = tpu.memref_slice %arg2[%mul3A_849, %dma_start3A_850] : memref<160000x8xf32, #tpu.memory_space<hbm>> -> memref<128x8xf32, #tpu.memory_space<hbm>>
      %dma_start3A_852 = arith.constant 0 : i32
      %dma_start3A_853 = tpu.memref_slice %arg2[%mul3A_849, %dma_start3A_852] : memref<160000x8xf32, #tpu.memory_space<hbm>> -> memref<128x8xf32, #tpu.memory_space<hbm>>
      tpu.enqueue_dma source(%dma_start3A_853 : memref<128x8xf32, #tpu.memory_space<hbm>>) target(%arg14 : memref<128x8xf32, #tpu.memory_space<vmem>>) target_semaphore(%arg23 : memref<!tpu.dma_semaphore, #tpu.memory_space<semaphore_mem>>)
    } else {
    }
    %add3A_9 = arith.constant 1 : i32
    %add3A_10 = arith.addi %mul3A_2, %add3A_9 : i32
    %lt3A_11 = arith.constant 1250 : i32
    %lt3A_12 = arith.cmpi slt, %add3A_10, %lt3A_11 : i32
    %convert_element_type3A_13 = arith.extui %lt3A_12 : i1 to i32
    %cond3A_14 = arith.constant 0 : i32
    %cond3A_15 = arith.cmpi ne, %convert_element_type3A_13, %cond3A_14 : i32
    scf.if %cond3A_15 {
      %add3A_843 = arith.constant 1 : i32
      %add3A_844 = arith.addi %mul3A_2, %add3A_843 : i32
      %mul3A_845 = arith.constant 128 : i32
      %mul3A_846 = arith.muli %add3A_844, %mul3A_845 : i32
      %dma_start3A = tpu.memref_slice %arg3[%mul3A_846] : memref<160000xi32, #tpu.memory_space<hbm>> -> memref<128xi32, #tpu.memory_space<hbm>>
      %dma_start3A_847 = tpu.memref_slice %arg3[%mul3A_846] : memref<160000xi32, #tpu.memory_space<hbm>> -> memref<128xi32, #tpu.memory_space<hbm>>
      tpu.enqueue_dma source(%dma_start3A_847 : memref<128xi32, #tpu.memory_space<hbm>>) target(%arg7 : memref<128xi32, #tpu.memory_space<vmem>>) target_semaphore(%arg24 : memref<!tpu.dma_semaphore, #tpu.memory_space<semaphore_mem>>)
      %mul3A_848 = arith.constant 128 : i32
      %mul3A_849 = arith.muli %add3A_844, %mul3A_848 : i32
      %dma_start3A_850 = arith.constant 0 : i32
      %dma_start3A_851 = tpu.memref_slice %arg2[%mul3A_849, %dma_start3A_850] : memref<160000x8xf32, #tpu.memory_space<hbm>> -> memref<128x8xf32, #tpu.memory_space<hbm>>
      %dma_start3A_852 = arith.constant 0 : i32
      %dma_start3A_853 = tpu.memref_slice %arg2[%mul3A_849, %dma_start3A_852] : memref<160000x8xf32, #tpu.memory_space<hbm>> -> memref<128x8xf32, #tpu.memory_space<hbm>>
      tpu.enqueue_dma source(%dma_start3A_853 : memref<128x8xf32, #tpu.memory_space<hbm>>) target(%arg15 : memref<128x8xf32, #tpu.memory_space<vmem>>) target_semaphore(%arg24 : memref<!tpu.dma_semaphore, #tpu.memory_space<semaphore_mem>>)
    } else {
    }
    %add3A_16 = arith.constant 2 : i32
    %add3A_17 = arith.addi %mul3A_2, %add3A_16 : i32
    %lt3A_18 = arith.constant 1250 : i32
    %lt3A_19 = arith.cmpi slt, %add3A_17, %lt3A_18 : i32
    %convert_element_type3A_20 = arith.extui %lt3A_19 : i1 to i32
    %cond3A_21 = arith.constant 0 : i32
    %cond3A_22 = arith.cmpi ne, %convert_element_type3A_20, %cond3A_21 : i32
    scf.if %cond3A_22 {
      %add3A_843 = arith.constant 2 : i32
      %add3A_844 = arith.addi %mul3A_2, %add3A_843 : i32
      %mul3A_845 = arith.constant 128 : i32
      %mul3A_846 = arith.muli %add3A_844, %mul3A_845 : i32
      %dma_start3A = tpu.memref_slice %arg3[%mul3A_846] : memref<160000xi32, #tpu.memory_space<hbm>> -> memref<128xi32, #tpu.memory_space<hbm>>
      %dma_start3A_847 = tpu.memref_slice %arg3[%mul3A_846] : memref<160000xi32, #tpu.memory_space<hbm>> -> memref<128xi32, #tpu.memory_space<hbm>>
      tpu.enqueue_dma source(%dma_start3A_847 : memref<128xi32, #tpu.memory_space<hbm>>) target(%arg8 : memref<128xi32, #tpu.memory_space<vmem>>) target_semaphore(%arg25 : memref<!tpu.dma_semaphore, #tpu.memory_space<semaphore_mem>>)
      %mul3A_848 = arith.constant 128 : i32
      %mul3A_849 = arith.muli %add3A_844, %mul3A_848 : i32
      %dma_start3A_850 = arith.constant 0 : i32
      %dma_start3A_851 = tpu.memref_slice %arg2[%mul3A_849, %dma_start3A_850] : memref<160000x8xf32, #tpu.memory_space<hbm>> -> memref<128x8xf32, #tpu.memory_space<hbm>>
      %dma_start3A_852 = arith.constant 0 : i32
      %dma_start3A_853 = tpu.memref_slice %arg2[%mul3A_849, %dma_start3A_852] : memref<160000x8xf32, #tpu.memory_space<hbm>> -> memref<128x8xf32, #tpu.memory_space<hbm>>
      tpu.enqueue_dma source(%dma_start3A_853 : memref<128x8xf32, #tpu.memory_space<hbm>>) target(%arg16 : memref<128x8xf32, #tpu.memory_space<vmem>>) target_semaphore(%arg25 : memref<!tpu.dma_semaphore, #tpu.memory_space<semaphore_mem>>)
    } else {
    }
    %add3A_23 = arith.constant 3 : i32
    %add3A_24 = arith.addi %mul3A_2, %add3A_23 : i32
    %lt3A_25 = arith.constant 1250 : i32
    %lt3A_26 = arith.cmpi slt, %add3A_24, %lt3A_25 : i32
    %convert_element_type3A_27 = arith.extui %lt3A_26 : i1 to i32
    %cond3A_28 = arith.constant 0 : i32
    %cond3A_29 = arith.cmpi ne, %convert_element_type3A_27, %cond3A_28 : i32
    scf.if %cond3A_29 {
      %add3A_843 = arith.constant 3 : i32
      %add3A_844 = arith.addi %mul3A_2, %add3A_843 : i32
      %mul3A_845 = arith.constant 128 : i32
      %mul3A_846 = arith.muli %add3A_844, %mul3A_845 : i32
      %dma_start3A = tpu.memref_slice %arg3[%mul3A_846] : memref<160000xi32, #tpu.memory_space<hbm>> -> memref<128xi32, #tpu.memory_space<hbm>>
      %dma_start3A_847 = tpu.memref_slice %arg3[%mul3A_846] : memref<160000xi32, #tpu.memory_space<hbm>> -> memref<128xi32, #tpu.memory_space<hbm>>
      tpu.enqueue_dma source(%dma_start3A_847 : memref<128xi32, #tpu.memory_space<hbm>>) target(%arg9 : memref<128xi32, #tpu.memory_space<vmem>>) target_semaphore(%arg26 : memref<!tpu.dma_semaphore, #tpu.memory_space<semaphore_mem>>)
      %mul3A_848 = arith.constant 128 : i32
      %mul3A_849 = arith.muli %add3A_844, %mul3A_848 : i32
      %dma_start3A_850 = arith.constant 0 : i32
      %dma_start3A_851 = tpu.memref_slice %arg2[%mul3A_849, %dma_start3A_850] : memref<160000x8xf32, #tpu.memory_space<hbm>> -> memref<128x8xf32, #tpu.memory_space<hbm>>
      %dma_start3A_852 = arith.constant 0 : i32
      %dma_start3A_853 = tpu.memref_slice %arg2[%mul3A_849, %dma_start3A_852] : memref<160000x8xf32, #tpu.memory_space<hbm>> -> memref<128x8xf32, #tpu.memory_space<hbm>>
      tpu.enqueue_dma source(%dma_start3A_853 : memref<128x8xf32, #tpu.memory_space<hbm>>) target(%arg17 : memref<128x8xf32, #tpu.memory_space<vmem>>) target_semaphore(%arg26 : memref<!tpu.dma_semaphore, #tpu.memory_space<semaphore_mem>>)
    } else {
    }
    %barrier3A = arith.constant 0 : index
    tpu.barrier barrier_id(%barrier3A)
    %add3A_30 = arith.constant 4 : i32
    %add3A_31 = arith.addi %mul3A_2, %add3A_30 : i32
    %lt3A_32 = arith.constant 1250 : i32
    %lt3A_33 = arith.cmpi slt, %add3A_31, %lt3A_32 : i32
    %convert_element_type3A_34 = arith.extui %lt3A_33 : i1 to i32
    %cond3A_35 = arith.constant 0 : i32
    %cond3A_36 = arith.cmpi ne, %convert_element_type3A_34, %cond3A_35 : i32
    scf.if %cond3A_36 {
      %add3A_843 = arith.constant 4 : i32
      %add3A_844 = arith.addi %mul3A_2, %add3A_843 : i32
      %mul3A_845 = arith.constant 128 : i32
      %mul3A_846 = arith.muli %add3A_844, %mul3A_845 : i32
      %dma_start3A = tpu.memref_slice %arg3[%mul3A_846] : memref<160000xi32, #tpu.memory_space<hbm>> -> memref<128xi32, #tpu.memory_space<hbm>>
      %dma_start3A_847 = tpu.memref_slice %arg3[%mul3A_846] : memref<160000xi32, #tpu.memory_space<hbm>> -> memref<128xi32, #tpu.memory_space<hbm>>
      tpu.enqueue_dma source(%dma_start3A_847 : memref<128xi32, #tpu.memory_space<hbm>>) target(%arg10 : memref<128xi32, #tpu.memory_space<vmem>>) target_semaphore(%arg27 : memref<!tpu.dma_semaphore, #tpu.memory_space<semaphore_mem>>)
      %mul3A_848 = arith.constant 128 : i32
      %mul3A_849 = arith.muli %add3A_844, %mul3A_848 : i32
      %dma_start3A_850 = arith.constant 0 : i32
      %dma_start3A_851 = tpu.memref_slice %arg2[%mul3A_849, %dma_start3A_850] : memref<160000x8xf32, #tpu.memory_space<hbm>> -> memref<128x8xf32, #tpu.memory_space<hbm>>
      %dma_start3A_852 = arith.constant 0 : i32
      %dma_start3A_853 = tpu.memref_slice %arg2[%mul3A_849, %dma_start3A_852] : memref<160000x8xf32, #tpu.memory_space<hbm>> -> memref<128x8xf32, #tpu.memory_space<hbm>>
      tpu.enqueue_dma source(%dma_start3A_853 : memref<128x8xf32, #tpu.memory_space<hbm>>) target(%arg18 : memref<128x8xf32, #tpu.memory_space<vmem>>) target_semaphore(%arg27 : memref<!tpu.dma_semaphore, #tpu.memory_space<semaphore_mem>>)
    } else {
    }
    %add3A_37 = arith.constant 5 : i32
    %add3A_38 = arith.addi %mul3A_2, %add3A_37 : i32
    %lt3A_39 = arith.constant 1250 : i32
    %lt3A_40 = arith.cmpi slt, %add3A_38, %lt3A_39 : i32
    %convert_element_type3A_41 = arith.extui %lt3A_40 : i1 to i32
    %cond3A_42 = arith.constant 0 : i32
    %cond3A_43 = arith.cmpi ne, %convert_element_type3A_41, %cond3A_42 : i32
    scf.if %cond3A_43 {
      %add3A_843 = arith.constant 5 : i32
      %add3A_844 = arith.addi %mul3A_2, %add3A_843 : i32
      %mul3A_845 = arith.constant 128 : i32
      %mul3A_846 = arith.muli %add3A_844, %mul3A_845 : i32
      %dma_start3A = tpu.memref_slice %arg3[%mul3A_846] : memref<160000xi32, #tpu.memory_space<hbm>> -> memref<128xi32, #tpu.memory_space<hbm>>
      %dma_start3A_847 = tpu.memref_slice %arg3[%mul3A_846] : memref<160000xi32, #tpu.memory_space<hbm>> -> memref<128xi32, #tpu.memory_space<hbm>>
      tpu.enqueue_dma source(%dma_start3A_847 : memref<128xi32, #tpu.memory_space<hbm>>) target(%arg11 : memref<128xi32, #tpu.memory_space<vmem>>) target_semaphore(%arg28 : memref<!tpu.dma_semaphore, #tpu.memory_space<semaphore_mem>>)
      %mul3A_848 = arith.constant 128 : i32
      %mul3A_849 = arith.muli %add3A_844, %mul3A_848 : i32
      %dma_start3A_850 = arith.constant 0 : i32
      %dma_start3A_851 = tpu.memref_slice %arg2[%mul3A_849, %dma_start3A_850] : memref<160000x8xf32, #tpu.memory_space<hbm>> -> memref<128x8xf32, #tpu.memory_space<hbm>>
      %dma_start3A_852 = arith.constant 0 : i32
      %dma_start3A_853 = tpu.memref_slice %arg2[%mul3A_849, %dma_start3A_852] : memref<160000x8xf32, #tpu.memory_space<hbm>> -> memref<128x8xf32, #tpu.memory_space<hbm>>
      tpu.enqueue_dma source(%dma_start3A_853 : memref<128x8xf32, #tpu.memory_space<hbm>>) target(%arg19 : memref<128x8xf32, #tpu.memory_space<vmem>>) target_semaphore(%arg28 : memref<!tpu.dma_semaphore, #tpu.memory_space<semaphore_mem>>)
    } else {
    }
    %add3A_44 = arith.constant 6 : i32
    %add3A_45 = arith.addi %mul3A_2, %add3A_44 : i32
    %lt3A_46 = arith.constant 1250 : i32
    %lt3A_47 = arith.cmpi slt, %add3A_45, %lt3A_46 : i32
    %convert_element_type3A_48 = arith.extui %lt3A_47 : i1 to i32
    %cond3A_49 = arith.constant 0 : i32
    %cond3A_50 = arith.cmpi ne, %convert_element_type3A_48, %cond3A_49 : i32
    scf.if %cond3A_50 {
      %add3A_843 = arith.constant 6 : i32
      %add3A_844 = arith.addi %mul3A_2, %add3A_843 : i32
      %mul3A_845 = arith.constant 128 : i32
      %mul3A_846 = arith.muli %add3A_844, %mul3A_845 : i32
      %dma_start3A = tpu.memref_slice %arg3[%mul3A_846] : memref<160000xi32, #tpu.memory_space<hbm>> -> memref<128xi32, #tpu.memory_space<hbm>>
      %dma_start3A_847 = tpu.memref_slice %arg3[%mul3A_846] : memref<160000xi32, #tpu.memory_space<hbm>> -> memref<128xi32, #tpu.memory_space<hbm>>
      tpu.enqueue_dma source(%dma_start3A_847 : memref<128xi32, #tpu.memory_space<hbm>>) target(%arg12 : memref<128xi32, #tpu.memory_space<vmem>>) target_semaphore(%arg29 : memref<!tpu.dma_semaphore, #tpu.memory_space<semaphore_mem>>)
      %mul3A_848 = arith.constant 128 : i32
      %mul3A_849 = arith.muli %add3A_844, %mul3A_848 : i32
      %dma_start3A_850 = arith.constant 0 : i32
      %dma_start3A_851 = tpu.memref_slice %arg2[%mul3A_849, %dma_start3A_850] : memref<160000x8xf32, #tpu.memory_space<hbm>> -> memref<128x8xf32, #tpu.memory_space<hbm>>
      %dma_start3A_852 = arith.constant 0 : i32
      %dma_start3A_853 = tpu.memref_slice %arg2[%mul3A_849, %dma_start3A_852] : memref<160000x8xf32, #tpu.memory_space<hbm>> -> memref<128x8xf32, #tpu.memory_space<hbm>>
      tpu.enqueue_dma source(%dma_start3A_853 : memref<128x8xf32, #tpu.memory_space<hbm>>) target(%arg20 : memref<128x8xf32, #tpu.memory_space<vmem>>) target_semaphore(%arg29 : memref<!tpu.dma_semaphore, #tpu.memory_space<semaphore_mem>>)
    } else {
    }
    %add3A_51 = arith.constant 7 : i32
    %add3A_52 = arith.addi %mul3A_2, %add3A_51 : i32
    %lt3A_53 = arith.constant 1250 : i32
    %lt3A_54 = arith.cmpi slt, %add3A_52, %lt3A_53 : i32
    %convert_element_type3A_55 = arith.extui %lt3A_54 : i1 to i32
    %cond3A_56 = arith.constant 0 : i32
    %cond3A_57 = arith.cmpi ne, %convert_element_type3A_55, %cond3A_56 : i32
    scf.if %cond3A_57 {
      %add3A_843 = arith.constant 7 : i32
      %add3A_844 = arith.addi %mul3A_2, %add3A_843 : i32
      %mul3A_845 = arith.constant 128 : i32
      %mul3A_846 = arith.muli %add3A_844, %mul3A_845 : i32
      %dma_start3A = tpu.memref_slice %arg3[%mul3A_846] : memref<160000xi32, #tpu.memory_space<hbm>> -> memref<128xi32, #tpu.memory_space<hbm>>
      %dma_start3A_847 = tpu.memref_slice %arg3[%mul3A_846] : memref<160000xi32, #tpu.memory_space<hbm>> -> memref<128xi32, #tpu.memory_space<hbm>>
      tpu.enqueue_dma source(%dma_start3A_847 : memref<128xi32, #tpu.memory_space<hbm>>) target(%arg13 : memref<128xi32, #tpu.memory_space<vmem>>) target_semaphore(%arg30 : memref<!tpu.dma_semaphore, #tpu.memory_space<semaphore_mem>>)
      %mul3A_848 = arith.constant 128 : i32
      %mul3A_849 = arith.muli %add3A_844, %mul3A_848 : i32
      %dma_start3A_850 = arith.constant 0 : i32
      %dma_start3A_851 = tpu.memref_slice %arg2[%mul3A_849, %dma_start3A_850] : memref<160000x8xf32, #tpu.memory_space<hbm>> -> memref<128x8xf32, #tpu.memory_space<hbm>>
      %dma_start3A_852 = arith.constant 0 : i32
      %dma_start3A_853 = tpu.memref_slice %arg2[%mul3A_849, %dma_start3A_852] : memref<160000x8xf32, #tpu.memory_space<hbm>> -> memref<128x8xf32, #tpu.memory_space<hbm>>
      tpu.enqueue_dma source(%dma_start3A_853 : memref<128x8xf32, #tpu.memory_space<hbm>>) target(%arg21 : memref<128x8xf32, #tpu.memory_space<vmem>>) target_semaphore(%arg30 : memref<!tpu.dma_semaphore, #tpu.memory_space<semaphore_mem>>)
    } else {
    }
    %add3A_58 = arith.constant 0 : i32
    %add3A_59 = arith.addi %mul3A_2, %add3A_58 : i32
    %lt3A_60 = arith.constant 1250 : i32
    %lt3A_61 = arith.cmpi slt, %add3A_59, %lt3A_60 : i32
    %convert_element_type3A_62 = arith.extui %lt3A_61 : i1 to i32
    %cond3A_63 = arith.constant 0 : i32
    %cond3A_64 = arith.cmpi ne, %convert_element_type3A_62, %cond3A_63 : i32
    scf.if %cond3A_64 {
      %add3A_843 = arith.constant 0 : i32
      %add3A_844 = arith.addi %mul3A_2, %add3A_843 : i32
      %mul3A_845 = arith.constant 128 : i32
      %mul3A_846 = arith.muli %add3A_844, %mul3A_845 : i32
      %dma_wait3A = tpu.memref_slice %arg3[%mul3A_846] : memref<160000xi32, #tpu.memory_space<hbm>> -> memref<128xi32, #tpu.memory_space<hbm>>
      %dma_wait3A_847 = tpu.memref_slice %arg3[%mul3A_846] : memref<160000xi32, #tpu.memory_space<hbm>> -> memref<128xi32, #tpu.memory_space<hbm>>
      tpu.wait_dma2 semaphore(%arg23 : memref<!tpu.dma_semaphore, #tpu.memory_space<semaphore_mem>>) src(%dma_wait3A_847 : memref<128xi32, #tpu.memory_space<hbm>>) dst(%arg6 : memref<128xi32, #tpu.memory_space<vmem>>)
      %mul3A_848 = arith.constant 128 : i32
      %mul3A_849 = arith.muli %add3A_844, %mul3A_848 : i32
      %dma_wait3A_850 = arith.constant 0 : i32
      %dma_wait3A_851 = tpu.memref_slice %arg2[%mul3A_849, %dma_wait3A_850] : memref<160000x8xf32, #tpu.memory_space<hbm>> -> memref<128x8xf32, #tpu.memory_space<hbm>>
      %dma_wait3A_852 = arith.constant 0 : i32
      %dma_wait3A_853 = tpu.memref_slice %arg2[%mul3A_849, %dma_wait3A_852] : memref<160000x8xf32, #tpu.memory_space<hbm>> -> memref<128x8xf32, #tpu.memory_space<hbm>>
      tpu.wait_dma2 semaphore(%arg23 : memref<!tpu.dma_semaphore, #tpu.memory_space<semaphore_mem>>) src(%dma_wait3A_853 : memref<128x8xf32, #tpu.memory_space<hbm>>) dst(%arg14 : memref<128x8xf32, #tpu.memory_space<vmem>>)
      %dma_start3A = arith.constant 0 : i32
      %dma_start3A_854 = arith.constant 0 : i32
      %dma_start3A_855 = tpu.memref_slice %arg22[%dma_start3A, %dma_start3A_854] : memref<10112x8xf32, #tpu.memory_space<vmem_shared>> -> memref<10112x8xf32, #tpu.memory_space<vmem_shared>>
      tpu.enqueue_indirect_dma source(%arg14 : memref<128x8xf32, #tpu.memory_space<vmem>>) target(%dma_start3A_855 : memref<10112x8xf32, #tpu.memory_space<vmem_shared>>) offsets(%arg6 : memref<128xi32, #tpu.memory_space<vmem>>) semaphore(%arg31 : memref<!tpu.dma_semaphore, #tpu.memory_space<semaphore_mem>>) {add = true}
    } else {
    }
    %add3A_65 = arith.constant 1 : i32
    %add3A_66 = arith.addi %mul3A_2, %add3A_65 : i32
    %lt3A_67 = arith.constant 1250 : i32
    %lt3A_68 = arith.cmpi slt, %add3A_66, %lt3A_67 : i32
    %convert_element_type3A_69 = arith.extui %lt3A_68 : i1 to i32
    %cond3A_70 = arith.constant 0 : i32
    %cond3A_71 = arith.cmpi ne, %convert_element_type3A_69, %cond3A_70 : i32
    scf.if %cond3A_71 {
      %add3A_843 = arith.constant 1 : i32
      %add3A_844 = arith.addi %mul3A_2, %add3A_843 : i32
      %mul3A_845 = arith.constant 128 : i32
      %mul3A_846 = arith.muli %add3A_844, %mul3A_845 : i32
      %dma_wait3A = tpu.memref_slice %arg3[%mul3A_846] : memref<160000xi32, #tpu.memory_space<hbm>> -> memref<128xi32, #tpu.memory_space<hbm>>
      %dma_wait3A_847 = tpu.memref_slice %arg3[%mul3A_846] : memref<160000xi32, #tpu.memory_space<hbm>> -> memref<128xi32, #tpu.memory_space<hbm>>
      tpu.wait_dma2 semaphore(%arg24 : memref<!tpu.dma_semaphore, #tpu.memory_space<semaphore_mem>>) src(%dma_wait3A_847 : memref<128xi32, #tpu.memory_space<hbm>>) dst(%arg7 : memref<128xi32, #tpu.memory_space<vmem>>)
      %mul3A_848 = arith.constant 128 : i32
      %mul3A_849 = arith.muli %add3A_844, %mul3A_848 : i32
      %dma_wait3A_850 = arith.constant 0 : i32
      %dma_wait3A_851 = tpu.memref_slice %arg2[%mul3A_849, %dma_wait3A_850] : memref<160000x8xf32, #tpu.memory_space<hbm>> -> memref<128x8xf32, #tpu.memory_space<hbm>>
      %dma_wait3A_852 = arith.constant 0 : i32
      %dma_wait3A_853 = tpu.memref_slice %arg2[%mul3A_849, %dma_wait3A_852] : memref<160000x8xf32, #tpu.memory_space<hbm>> -> memref<128x8xf32, #tpu.memory_space<hbm>>
      tpu.wait_dma2 semaphore(%arg24 : memref<!tpu.dma_semaphore, #tpu.memory_space<semaphore_mem>>) src(%dma_wait3A_853 : memref<128x8xf32, #tpu.memory_space<hbm>>) dst(%arg15 : memref<128x8xf32, #tpu.memory_space<vmem>>)
      %dma_start3A = arith.constant 0 : i32
      %dma_start3A_854 = arith.constant 0 : i32
      %dma_start3A_855 = tpu.memref_slice %arg22[%dma_start3A, %dma_start3A_854] : memref<10112x8xf32, #tpu.memory_space<vmem_shared>> -> memref<10112x8xf32, #tpu.memory_space<vmem_shared>>
      tpu.enqueue_indirect_dma source(%arg15 : memref<128x8xf32, #tpu.memory_space<vmem>>) target(%dma_start3A_855 : memref<10112x8xf32, #tpu.memory_space<vmem_shared>>) offsets(%arg7 : memref<128xi32, #tpu.memory_space<vmem>>) semaphore(%arg32 : memref<!tpu.dma_semaphore, #tpu.memory_space<semaphore_mem>>) {add = true}
    } else {
    }
    %add3A_72 = arith.constant 2 : i32
    %add3A_73 = arith.addi %mul3A_2, %add3A_72 : i32
    %lt3A_74 = arith.constant 1250 : i32
    %lt3A_75 = arith.cmpi slt, %add3A_73, %lt3A_74 : i32
    %convert_element_type3A_76 = arith.extui %lt3A_75 : i1 to i32
    %cond3A_77 = arith.constant 0 : i32
    %cond3A_78 = arith.cmpi ne, %convert_element_type3A_76, %cond3A_77 : i32
    scf.if %cond3A_78 {
      %add3A_843 = arith.constant 2 : i32
      %add3A_844 = arith.addi %mul3A_2, %add3A_843 : i32
      %mul3A_845 = arith.constant 128 : i32
      %mul3A_846 = arith.muli %add3A_844, %mul3A_845 : i32
      %dma_wait3A = tpu.memref_slice %arg3[%mul3A_846] : memref<160000xi32, #tpu.memory_space<hbm>> -> memref<128xi32, #tpu.memory_space<hbm>>
      %dma_wait3A_847 = tpu.memref_slice %arg3[%mul3A_846] : memref<160000xi32, #tpu.memory_space<hbm>> -> memref<128xi32, #tpu.memory_space<hbm>>
      tpu.wait_dma2 semaphore(%arg25 : memref<!tpu.dma_semaphore, #tpu.memory_space<semaphore_mem>>) src(%dma_wait3A_847 : memref<128xi32, #tpu.memory_space<hbm>>) dst(%arg8 : memref<128xi32, #tpu.memory_space<vmem>>)
      %mul3A_848 = arith.constant 128 : i32
      %mul3A_849 = arith.muli %add3A_844, %mul3A_848 : i32
      %dma_wait3A_850 = arith.constant 0 : i32
      %dma_wait3A_851 = tpu.memref_slice %arg2[%mul3A_849, %dma_wait3A_850] : memref<160000x8xf32, #tpu.memory_space<hbm>> -> memref<128x8xf32, #tpu.memory_space<hbm>>
      %dma_wait3A_852 = arith.constant 0 : i32
      %dma_wait3A_853 = tpu.memref_slice %arg2[%mul3A_849, %dma_wait3A_852] : memref<160000x8xf32, #tpu.memory_space<hbm>> -> memref<128x8xf32, #tpu.memory_space<hbm>>
      tpu.wait_dma2 semaphore(%arg25 : memref<!tpu.dma_semaphore, #tpu.memory_space<semaphore_mem>>) src(%dma_wait3A_853 : memref<128x8xf32, #tpu.memory_space<hbm>>) dst(%arg16 : memref<128x8xf32, #tpu.memory_space<vmem>>)
      %dma_start3A = arith.constant 0 : i32
      %dma_start3A_854 = arith.constant 0 : i32
      %dma_start3A_855 = tpu.memref_slice %arg22[%dma_start3A, %dma_start3A_854] : memref<10112x8xf32, #tpu.memory_space<vmem_shared>> -> memref<10112x8xf32, #tpu.memory_space<vmem_shared>>
      tpu.enqueue_indirect_dma source(%arg16 : memref<128x8xf32, #tpu.memory_space<vmem>>) target(%dma_start3A_855 : memref<10112x8xf32, #tpu.memory_space<vmem_shared>>) offsets(%arg8 : memref<128xi32, #tpu.memory_space<vmem>>) semaphore(%arg33 : memref<!tpu.dma_semaphore, #tpu.memory_space<semaphore_mem>>) {add = true}
    } else {
    }
    %add3A_79 = arith.constant 3 : i32
    %add3A_80 = arith.addi %mul3A_2, %add3A_79 : i32
    %lt3A_81 = arith.constant 1250 : i32
    %lt3A_82 = arith.cmpi slt, %add3A_80, %lt3A_81 : i32
    %convert_element_type3A_83 = arith.extui %lt3A_82 : i1 to i32
    %cond3A_84 = arith.constant 0 : i32
    %cond3A_85 = arith.cmpi ne, %convert_element_type3A_83, %cond3A_84 : i32
    scf.if %cond3A_85 {
      %add3A_843 = arith.constant 3 : i32
      %add3A_844 = arith.addi %mul3A_2, %add3A_843 : i32
      %mul3A_845 = arith.constant 128 : i32
      %mul3A_846 = arith.muli %add3A_844, %mul3A_845 : i32
      %dma_wait3A = tpu.memref_slice %arg3[%mul3A_846] : memref<160000xi32, #tpu.memory_space<hbm>> -> memref<128xi32, #tpu.memory_space<hbm>>
      %dma_wait3A_847 = tpu.memref_slice %arg3[%mul3A_846] : memref<160000xi32, #tpu.memory_space<hbm>> -> memref<128xi32, #tpu.memory_space<hbm>>
      tpu.wait_dma2 semaphore(%arg26 : memref<!tpu.dma_semaphore, #tpu.memory_space<semaphore_mem>>) src(%dma_wait3A_847 : memref<128xi32, #tpu.memory_space<hbm>>) dst(%arg9 : memref<128xi32, #tpu.memory_space<vmem>>)
      %mul3A_848 = arith.constant 128 : i32
      %mul3A_849 = arith.muli %add3A_844, %mul3A_848 : i32
      %dma_wait3A_850 = arith.constant 0 : i32
      %dma_wait3A_851 = tpu.memref_slice %arg2[%mul3A_849, %dma_wait3A_850] : memref<160000x8xf32, #tpu.memory_space<hbm>> -> memref<128x8xf32, #tpu.memory_space<hbm>>
      %dma_wait3A_852 = arith.constant 0 : i32
      %dma_wait3A_853 = tpu.memref_slice %arg2[%mul3A_849, %dma_wait3A_852] : memref<160000x8xf32, #tpu.memory_space<hbm>> -> memref<128x8xf32, #tpu.memory_space<hbm>>
      tpu.wait_dma2 semaphore(%arg26 : memref<!tpu.dma_semaphore, #tpu.memory_space<semaphore_mem>>) src(%dma_wait3A_853 : memref<128x8xf32, #tpu.memory_space<hbm>>) dst(%arg17 : memref<128x8xf32, #tpu.memory_space<vmem>>)
      %dma_start3A = arith.constant 0 : i32
      %dma_start3A_854 = arith.constant 0 : i32
      %dma_start3A_855 = tpu.memref_slice %arg22[%dma_start3A, %dma_start3A_854] : memref<10112x8xf32, #tpu.memory_space<vmem_shared>> -> memref<10112x8xf32, #tpu.memory_space<vmem_shared>>
      tpu.enqueue_indirect_dma source(%arg17 : memref<128x8xf32, #tpu.memory_space<vmem>>) target(%dma_start3A_855 : memref<10112x8xf32, #tpu.memory_space<vmem_shared>>) offsets(%arg9 : memref<128xi32, #tpu.memory_space<vmem>>) semaphore(%arg34 : memref<!tpu.dma_semaphore, #tpu.memory_space<semaphore_mem>>) {add = true}
    } else {
    }
    %add3A_86 = arith.constant 0 : i32
    %add3A_87 = arith.addi %mul3A_2, %add3A_86 : i32
    %lt3A_88 = arith.constant 1250 : i32
    %lt3A_89 = arith.cmpi slt, %add3A_87, %lt3A_88 : i32
    %convert_element_type3A_90 = arith.extui %lt3A_89 : i1 to i32
    %cond3A_91 = arith.constant 0 : i32
    %cond3A_92 = arith.cmpi ne, %convert_element_type3A_90, %cond3A_91 : i32
    scf.if %cond3A_92 {
      %dma_wait3A = arith.constant 0 : i32
      %dma_wait3A_843 = arith.constant 0 : i32
      %dma_wait3A_844 = tpu.memref_slice %arg22[%dma_wait3A, %dma_wait3A_843] : memref<10112x8xf32, #tpu.memory_space<vmem_shared>> -> memref<10112x8xf32, #tpu.memory_space<vmem_shared>>
      tpu.wait_indirect_dma semaphore(%arg31 : memref<!tpu.dma_semaphore, #tpu.memory_space<semaphore_mem>>) src(%arg14 : memref<128x8xf32, #tpu.memory_space<vmem>>) dst(%dma_wait3A_844 : memref<10112x8xf32, #tpu.memory_space<vmem_shared>>)
    } else {
    }
    %add3A_93 = arith.constant 1 : i32
    %add3A_94 = arith.addi %mul3A_2, %add3A_93 : i32
    %lt3A_95 = arith.constant 1250 : i32
    %lt3A_96 = arith.cmpi slt, %add3A_94, %lt3A_95 : i32
    %convert_element_type3A_97 = arith.extui %lt3A_96 : i1 to i32
    %cond3A_98 = arith.constant 0 : i32
    %cond3A_99 = arith.cmpi ne, %convert_element_type3A_97, %cond3A_98 : i32
    scf.if %cond3A_99 {
      %dma_wait3A = arith.constant 0 : i32
      %dma_wait3A_843 = arith.constant 0 : i32
      %dma_wait3A_844 = tpu.memref_slice %arg22[%dma_wait3A, %dma_wait3A_843] : memref<10112x8xf32, #tpu.memory_space<vmem_shared>> -> memref<10112x8xf32, #tpu.memory_space<vmem_shared>>
      tpu.wait_indirect_dma semaphore(%arg32 : memref<!tpu.dma_semaphore, #tpu.memory_space<semaphore_mem>>) src(%arg15 : memref<128x8xf32, #tpu.memory_space<vmem>>) dst(%dma_wait3A_844 : memref<10112x8xf32, #tpu.memory_space<vmem_shared>>)
    } else {
    }
    %add3A_100 = arith.constant 2 : i32
    %add3A_101 = arith.addi %mul3A_2, %add3A_100 : i32
    %lt3A_102 = arith.constant 1250 : i32
    %lt3A_103 = arith.cmpi slt, %add3A_101, %lt3A_102 : i32
    %convert_element_type3A_104 = arith.extui %lt3A_103 : i1 to i32
    %cond3A_105 = arith.constant 0 : i32
    %cond3A_106 = arith.cmpi ne, %convert_element_type3A_104, %cond3A_105 : i32
    scf.if %cond3A_106 {
      %dma_wait3A = arith.constant 0 : i32
      %dma_wait3A_843 = arith.constant 0 : i32
      %dma_wait3A_844 = tpu.memref_slice %arg22[%dma_wait3A, %dma_wait3A_843] : memref<10112x8xf32, #tpu.memory_space<vmem_shared>> -> memref<10112x8xf32, #tpu.memory_space<vmem_shared>>
      tpu.wait_indirect_dma semaphore(%arg33 : memref<!tpu.dma_semaphore, #tpu.memory_space<semaphore_mem>>) src(%arg16 : memref<128x8xf32, #tpu.memory_space<vmem>>) dst(%dma_wait3A_844 : memref<10112x8xf32, #tpu.memory_space<vmem_shared>>)
    } else {
    }
    %add3A_107 = arith.constant 3 : i32
    %add3A_108 = arith.addi %mul3A_2, %add3A_107 : i32
    %lt3A_109 = arith.constant 1250 : i32
    %lt3A_110 = arith.cmpi slt, %add3A_108, %lt3A_109 : i32
    %convert_element_type3A_111 = arith.extui %lt3A_110 : i1 to i32
    %cond3A_112 = arith.constant 0 : i32
    %cond3A_113 = arith.cmpi ne, %convert_element_type3A_111, %cond3A_112 : i32
    scf.if %cond3A_113 {
      %dma_wait3A = arith.constant 0 : i32
      %dma_wait3A_843 = arith.constant 0 : i32
      %dma_wait3A_844 = tpu.memref_slice %arg22[%dma_wait3A, %dma_wait3A_843] : memref<10112x8xf32, #tpu.memory_space<vmem_shared>> -> memref<10112x8xf32, #tpu.memory_space<vmem_shared>>
      tpu.wait_indirect_dma semaphore(%arg34 : memref<!tpu.dma_semaphore, #tpu.memory_space<semaphore_mem>>) src(%arg17 : memref<128x8xf32, #tpu.memory_space<vmem>>) dst(%dma_wait3A_844 : memref<10112x8xf32, #tpu.memory_space<vmem_shared>>)
    } else {
    }
    %add3A_114 = arith.constant 8 : i32
    %add3A_115 = arith.addi %mul3A_2, %add3A_114 : i32
    %lt3A_116 = arith.constant 1250 : i32
    %lt3A_117 = arith.cmpi slt, %add3A_115, %lt3A_116 : i32
    %convert_element_type3A_118 = arith.extui %lt3A_117 : i1 to i32
    %cond3A_119 = arith.constant 0 : i32
    %cond3A_120 = arith.cmpi ne, %convert_element_type3A_118, %cond3A_119 : i32
    scf.if %cond3A_120 {
      %add3A_843 = arith.constant 8 : i32
      %add3A_844 = arith.addi %mul3A_2, %add3A_843 : i32
      %mul3A_845 = arith.constant 128 : i32
      %mul3A_846 = arith.muli %add3A_844, %mul3A_845 : i32
      %dma_start3A = tpu.memref_slice %arg3[%mul3A_846] : memref<160000xi32, #tpu.memory_space<hbm>> -> memref<128xi32, #tpu.memory_space<hbm>>
      %dma_start3A_847 = tpu.memref_slice %arg3[%mul3A_846] : memref<160000xi32, #tpu.memory_space<hbm>> -> memref<128xi32, #tpu.memory_space<hbm>>
      tpu.enqueue_dma source(%dma_start3A_847 : memref<128xi32, #tpu.memory_space<hbm>>) target(%arg6 : memref<128xi32, #tpu.memory_space<vmem>>) target_semaphore(%arg23 : memref<!tpu.dma_semaphore, #tpu.memory_space<semaphore_mem>>)
      %mul3A_848 = arith.constant 128 : i32
      %mul3A_849 = arith.muli %add3A_844, %mul3A_848 : i32
      %dma_start3A_850 = arith.constant 0 : i32
      %dma_start3A_851 = tpu.memref_slice %arg2[%mul3A_849, %dma_start3A_850] : memref<160000x8xf32, #tpu.memory_space<hbm>> -> memref<128x8xf32, #tpu.memory_space<hbm>>
      %dma_start3A_852 = arith.constant 0 : i32
      %dma_start3A_853 = tpu.memref_slice %arg2[%mul3A_849, %dma_start3A_852] : memref<160000x8xf32, #tpu.memory_space<hbm>> -> memref<128x8xf32, #tpu.memory_space<hbm>>
      tpu.enqueue_dma source(%dma_start3A_853 : memref<128x8xf32, #tpu.memory_space<hbm>>) target(%arg14 : memref<128x8xf32, #tpu.memory_space<vmem>>) target_semaphore(%arg23 : memref<!tpu.dma_semaphore, #tpu.memory_space<semaphore_mem>>)
    } else {
    }
    %add3A_121 = arith.constant 9 : i32
    %add3A_122 = arith.addi %mul3A_2, %add3A_121 : i32
    %lt3A_123 = arith.constant 1250 : i32
    %lt3A_124 = arith.cmpi slt, %add3A_122, %lt3A_123 : i32
    %convert_element_type3A_125 = arith.extui %lt3A_124 : i1 to i32
    %cond3A_126 = arith.constant 0 : i32
    %cond3A_127 = arith.cmpi ne, %convert_element_type3A_125, %cond3A_126 : i32
    scf.if %cond3A_127 {
      %add3A_843 = arith.constant 9 : i32
      %add3A_844 = arith.addi %mul3A_2, %add3A_843 : i32
      %mul3A_845 = arith.constant 128 : i32
      %mul3A_846 = arith.muli %add3A_844, %mul3A_845 : i32
      %dma_start3A = tpu.memref_slice %arg3[%mul3A_846] : memref<160000xi32, #tpu.memory_space<hbm>> -> memref<128xi32, #tpu.memory_space<hbm>>
      %dma_start3A_847 = tpu.memref_slice %arg3[%mul3A_846] : memref<160000xi32, #tpu.memory_space<hbm>> -> memref<128xi32, #tpu.memory_space<hbm>>
      tpu.enqueue_dma source(%dma_start3A_847 : memref<128xi32, #tpu.memory_space<hbm>>) target(%arg7 : memref<128xi32, #tpu.memory_space<vmem>>) target_semaphore(%arg24 : memref<!tpu.dma_semaphore, #tpu.memory_space<semaphore_mem>>)
      %mul3A_848 = arith.constant 128 : i32
      %mul3A_849 = arith.muli %add3A_844, %mul3A_848 : i32
      %dma_start3A_850 = arith.constant 0 : i32
      %dma_start3A_851 = tpu.memref_slice %arg2[%mul3A_849, %dma_start3A_850] : memref<160000x8xf32, #tpu.memory_space<hbm>> -> memref<128x8xf32, #tpu.memory_space<hbm>>
      %dma_start3A_852 = arith.constant 0 : i32
      %dma_start3A_853 = tpu.memref_slice %arg2[%mul3A_849, %dma_start3A_852] : memref<160000x8xf32, #tpu.memory_space<hbm>> -> memref<128x8xf32, #tpu.memory_space<hbm>>
      tpu.enqueue_dma source(%dma_start3A_853 : memref<128x8xf32, #tpu.memory_space<hbm>>) target(%arg15 : memref<128x8xf32, #tpu.memory_space<vmem>>) target_semaphore(%arg24 : memref<!tpu.dma_semaphore, #tpu.memory_space<semaphore_mem>>)
    } else {
    }
    %add3A_128 = arith.constant 10 : i32
    %add3A_129 = arith.addi %mul3A_2, %add3A_128 : i32
    %lt3A_130 = arith.constant 1250 : i32
    %lt3A_131 = arith.cmpi slt, %add3A_129, %lt3A_130 : i32
    %convert_element_type3A_132 = arith.extui %lt3A_131 : i1 to i32
    %cond3A_133 = arith.constant 0 : i32
    %cond3A_134 = arith.cmpi ne, %convert_element_type3A_132, %cond3A_133 : i32
    scf.if %cond3A_134 {
      %add3A_843 = arith.constant 10 : i32
      %add3A_844 = arith.addi %mul3A_2, %add3A_843 : i32
      %mul3A_845 = arith.constant 128 : i32
      %mul3A_846 = arith.muli %add3A_844, %mul3A_845 : i32
      %dma_start3A = tpu.memref_slice %arg3[%mul3A_846] : memref<160000xi32, #tpu.memory_space<hbm>> -> memref<128xi32, #tpu.memory_space<hbm>>
      %dma_start3A_847 = tpu.memref_slice %arg3[%mul3A_846] : memref<160000xi32, #tpu.memory_space<hbm>> -> memref<128xi32, #tpu.memory_space<hbm>>
      tpu.enqueue_dma source(%dma_start3A_847 : memref<128xi32, #tpu.memory_space<hbm>>) target(%arg8 : memref<128xi32, #tpu.memory_space<vmem>>) target_semaphore(%arg25 : memref<!tpu.dma_semaphore, #tpu.memory_space<semaphore_mem>>)
      %mul3A_848 = arith.constant 128 : i32
      %mul3A_849 = arith.muli %add3A_844, %mul3A_848 : i32
      %dma_start3A_850 = arith.constant 0 : i32
      %dma_start3A_851 = tpu.memref_slice %arg2[%mul3A_849, %dma_start3A_850] : memref<160000x8xf32, #tpu.memory_space<hbm>> -> memref<128x8xf32, #tpu.memory_space<hbm>>
      %dma_start3A_852 = arith.constant 0 : i32
      %dma_start3A_853 = tpu.memref_slice %arg2[%mul3A_849, %dma_start3A_852] : memref<160000x8xf32, #tpu.memory_space<hbm>> -> memref<128x8xf32, #tpu.memory_space<hbm>>
      tpu.enqueue_dma source(%dma_start3A_853 : memref<128x8xf32, #tpu.memory_space<hbm>>) target(%arg16 : memref<128x8xf32, #tpu.memory_space<vmem>>) target_semaphore(%arg25 : memref<!tpu.dma_semaphore, #tpu.memory_space<semaphore_mem>>)
    } else {
    }
    %add3A_135 = arith.constant 11 : i32
    %add3A_136 = arith.addi %mul3A_2, %add3A_135 : i32
    %lt3A_137 = arith.constant 1250 : i32
    %lt3A_138 = arith.cmpi slt, %add3A_136, %lt3A_137 : i32
    %convert_element_type3A_139 = arith.extui %lt3A_138 : i1 to i32
    %cond3A_140 = arith.constant 0 : i32
    %cond3A_141 = arith.cmpi ne, %convert_element_type3A_139, %cond3A_140 : i32
    scf.if %cond3A_141 {
      %add3A_843 = arith.constant 11 : i32
      %add3A_844 = arith.addi %mul3A_2, %add3A_843 : i32
      %mul3A_845 = arith.constant 128 : i32
      %mul3A_846 = arith.muli %add3A_844, %mul3A_845 : i32
      %dma_start3A = tpu.memref_slice %arg3[%mul3A_846] : memref<160000xi32, #tpu.memory_space<hbm>> -> memref<128xi32, #tpu.memory_space<hbm>>
      %dma_start3A_847 = tpu.memref_slice %arg3[%mul3A_846] : memref<160000xi32, #tpu.memory_space<hbm>> -> memref<128xi32, #tpu.memory_space<hbm>>
      tpu.enqueue_dma source(%dma_start3A_847 : memref<128xi32, #tpu.memory_space<hbm>>) target(%arg9 : memref<128xi32, #tpu.memory_space<vmem>>) target_semaphore(%arg26 : memref<!tpu.dma_semaphore, #tpu.memory_space<semaphore_mem>>)
      %mul3A_848 = arith.constant 128 : i32
      %mul3A_849 = arith.muli %add3A_844, %mul3A_848 : i32
      %dma_start3A_850 = arith.constant 0 : i32
      %dma_start3A_851 = tpu.memref_slice %arg2[%mul3A_849, %dma_start3A_850] : memref<160000x8xf32, #tpu.memory_space<hbm>> -> memref<128x8xf32, #tpu.memory_space<hbm>>
      %dma_start3A_852 = arith.constant 0 : i32
      %dma_start3A_853 = tpu.memref_slice %arg2[%mul3A_849, %dma_start3A_852] : memref<160000x8xf32, #tpu.memory_space<hbm>> -> memref<128x8xf32, #tpu.memory_space<hbm>>
      tpu.enqueue_dma source(%dma_start3A_853 : memref<128x8xf32, #tpu.memory_space<hbm>>) target(%arg17 : memref<128x8xf32, #tpu.memory_space<vmem>>) target_semaphore(%arg26 : memref<!tpu.dma_semaphore, #tpu.memory_space<semaphore_mem>>)
    } else {
    }
    %add3A_142 = arith.constant 4 : i32
    %add3A_143 = arith.addi %mul3A_2, %add3A_142 : i32
    %lt3A_144 = arith.constant 1250 : i32
    %lt3A_145 = arith.cmpi slt, %add3A_143, %lt3A_144 : i32
    %convert_element_type3A_146 = arith.extui %lt3A_145 : i1 to i32
    %cond3A_147 = arith.constant 0 : i32
    %cond3A_148 = arith.cmpi ne, %convert_element_type3A_146, %cond3A_147 : i32
    scf.if %cond3A_148 {
      %add3A_843 = arith.constant 4 : i32
      %add3A_844 = arith.addi %mul3A_2, %add3A_843 : i32
      %mul3A_845 = arith.constant 128 : i32
      %mul3A_846 = arith.muli %add3A_844, %mul3A_845 : i32
      %dma_wait3A = tpu.memref_slice %arg3[%mul3A_846] : memref<160000xi32, #tpu.memory_space<hbm>> -> memref<128xi32, #tpu.memory_space<hbm>>
      %dma_wait3A_847 = tpu.memref_slice %arg3[%mul3A_846] : memref<160000xi32, #tpu.memory_space<hbm>> -> memref<128xi32, #tpu.memory_space<hbm>>
      tpu.wait_dma2 semaphore(%arg27 : memref<!tpu.dma_semaphore, #tpu.memory_space<semaphore_mem>>) src(%dma_wait3A_847 : memref<128xi32, #tpu.memory_space<hbm>>) dst(%arg10 : memref<128xi32, #tpu.memory_space<vmem>>)
      %mul3A_848 = arith.constant 128 : i32
      %mul3A_849 = arith.muli %add3A_844, %mul3A_848 : i32
      %dma_wait3A_850 = arith.constant 0 : i32
      %dma_wait3A_851 = tpu.memref_slice %arg2[%mul3A_849, %dma_wait3A_850] : memref<160000x8xf32, #tpu.memory_space<hbm>> -> memref<128x8xf32, #tpu.memory_space<hbm>>
      %dma_wait3A_852 = arith.constant 0 : i32
      %dma_wait3A_853 = tpu.memref_slice %arg2[%mul3A_849, %dma_wait3A_852] : memref<160000x8xf32, #tpu.memory_space<hbm>> -> memref<128x8xf32, #tpu.memory_space<hbm>>
      tpu.wait_dma2 semaphore(%arg27 : memref<!tpu.dma_semaphore, #tpu.memory_space<semaphore_mem>>) src(%dma_wait3A_853 : memref<128x8xf32, #tpu.memory_space<hbm>>) dst(%arg18 : memref<128x8xf32, #tpu.memory_space<vmem>>)
      %dma_start3A = arith.constant 0 : i32
      %dma_start3A_854 = arith.constant 0 : i32
      %dma_start3A_855 = tpu.memref_slice %arg22[%dma_start3A, %dma_start3A_854] : memref<10112x8xf32, #tpu.memory_space<vmem_shared>> -> memref<10112x8xf32, #tpu.memory_space<vmem_shared>>
      tpu.enqueue_indirect_dma source(%arg18 : memref<128x8xf32, #tpu.memory_space<vmem>>) target(%dma_start3A_855 : memref<10112x8xf32, #tpu.memory_space<vmem_shared>>) offsets(%arg10 : memref<128xi32, #tpu.memory_space<vmem>>) semaphore(%arg35 : memref<!tpu.dma_semaphore, #tpu.memory_space<semaphore_mem>>) {add = true}
    } else {
    }
    %add3A_149 = arith.constant 5 : i32
    %add3A_150 = arith.addi %mul3A_2, %add3A_149 : i32
    %lt3A_151 = arith.constant 1250 : i32
    %lt3A_152 = arith.cmpi slt, %add3A_150, %lt3A_151 : i32
    %convert_element_type3A_153 = arith.extui %lt3A_152 : i1 to i32
    %cond3A_154 = arith.constant 0 : i32
    %cond3A_155 = arith.cmpi ne, %convert_element_type3A_153, %cond3A_154 : i32
    scf.if %cond3A_155 {
      %add3A_843 = arith.constant 5 : i32
      %add3A_844 = arith.addi %mul3A_2, %add3A_843 : i32
      %mul3A_845 = arith.constant 128 : i32
      %mul3A_846 = arith.muli %add3A_844, %mul3A_845 : i32
      %dma_wait3A = tpu.memref_slice %arg3[%mul3A_846] : memref<160000xi32, #tpu.memory_space<hbm>> -> memref<128xi32, #tpu.memory_space<hbm>>
      %dma_wait3A_847 = tpu.memref_slice %arg3[%mul3A_846] : memref<160000xi32, #tpu.memory_space<hbm>> -> memref<128xi32, #tpu.memory_space<hbm>>
      tpu.wait_dma2 semaphore(%arg28 : memref<!tpu.dma_semaphore, #tpu.memory_space<semaphore_mem>>) src(%dma_wait3A_847 : memref<128xi32, #tpu.memory_space<hbm>>) dst(%arg11 : memref<128xi32, #tpu.memory_space<vmem>>)
      %mul3A_848 = arith.constant 128 : i32
      %mul3A_849 = arith.muli %add3A_844, %mul3A_848 : i32
      %dma_wait3A_850 = arith.constant 0 : i32
      %dma_wait3A_851 = tpu.memref_slice %arg2[%mul3A_849, %dma_wait3A_850] : memref<160000x8xf32, #tpu.memory_space<hbm>> -> memref<128x8xf32, #tpu.memory_space<hbm>>
      %dma_wait3A_852 = arith.constant 0 : i32
      %dma_wait3A_853 = tpu.memref_slice %arg2[%mul3A_849, %dma_wait3A_852] : memref<160000x8xf32, #tpu.memory_space<hbm>> -> memref<128x8xf32, #tpu.memory_space<hbm>>
      tpu.wait_dma2 semaphore(%arg28 : memref<!tpu.dma_semaphore, #tpu.memory_space<semaphore_mem>>) src(%dma_wait3A_853 : memref<128x8xf32, #tpu.memory_space<hbm>>) dst(%arg19 : memref<128x8xf32, #tpu.memory_space<vmem>>)
      %dma_start3A = arith.constant 0 : i32
      %dma_start3A_854 = arith.constant 0 : i32
      %dma_start3A_855 = tpu.memref_slice %arg22[%dma_start3A, %dma_start3A_854] : memref<10112x8xf32, #tpu.memory_space<vmem_shared>> -> memref<10112x8xf32, #tpu.memory_space<vmem_shared>>
      tpu.enqueue_indirect_dma source(%arg19 : memref<128x8xf32, #tpu.memory_space<vmem>>) target(%dma_start3A_855 : memref<10112x8xf32, #tpu.memory_space<vmem_shared>>) offsets(%arg11 : memref<128xi32, #tpu.memory_space<vmem>>) semaphore(%arg36 : memref<!tpu.dma_semaphore, #tpu.memory_space<semaphore_mem>>) {add = true}
    } else {
    }
    %add3A_156 = arith.constant 6 : i32
    %add3A_157 = arith.addi %mul3A_2, %add3A_156 : i32
    %lt3A_158 = arith.constant 1250 : i32
    %lt3A_159 = arith.cmpi slt, %add3A_157, %lt3A_158 : i32
    %convert_element_type3A_160 = arith.extui %lt3A_159 : i1 to i32
    %cond3A_161 = arith.constant 0 : i32
    %cond3A_162 = arith.cmpi ne, %convert_element_type3A_160, %cond3A_161 : i32
    scf.if %cond3A_162 {
      %add3A_843 = arith.constant 6 : i32
      %add3A_844 = arith.addi %mul3A_2, %add3A_843 : i32
      %mul3A_845 = arith.constant 128 : i32
      %mul3A_846 = arith.muli %add3A_844, %mul3A_845 : i32
      %dma_wait3A = tpu.memref_slice %arg3[%mul3A_846] : memref<160000xi32, #tpu.memory_space<hbm>> -> memref<128xi32, #tpu.memory_space<hbm>>
      %dma_wait3A_847 = tpu.memref_slice %arg3[%mul3A_846] : memref<160000xi32, #tpu.memory_space<hbm>> -> memref<128xi32, #tpu.memory_space<hbm>>
      tpu.wait_dma2 semaphore(%arg29 : memref<!tpu.dma_semaphore, #tpu.memory_space<semaphore_mem>>) src(%dma_wait3A_847 : memref<128xi32, #tpu.memory_space<hbm>>) dst(%arg12 : memref<128xi32, #tpu.memory_space<vmem>>)
      %mul3A_848 = arith.constant 128 : i32
      %mul3A_849 = arith.muli %add3A_844, %mul3A_848 : i32
      %dma_wait3A_850 = arith.constant 0 : i32
      %dma_wait3A_851 = tpu.memref_slice %arg2[%mul3A_849, %dma_wait3A_850] : memref<160000x8xf32, #tpu.memory_space<hbm>> -> memref<128x8xf32, #tpu.memory_space<hbm>>
      %dma_wait3A_852 = arith.constant 0 : i32
      %dma_wait3A_853 = tpu.memref_slice %arg2[%mul3A_849, %dma_wait3A_852] : memref<160000x8xf32, #tpu.memory_space<hbm>> -> memref<128x8xf32, #tpu.memory_space<hbm>>
      tpu.wait_dma2 semaphore(%arg29 : memref<!tpu.dma_semaphore, #tpu.memory_space<semaphore_mem>>) src(%dma_wait3A_853 : memref<128x8xf32, #tpu.memory_space<hbm>>) dst(%arg20 : memref<128x8xf32, #tpu.memory_space<vmem>>)
      %dma_start3A = arith.constant 0 : i32
      %dma_start3A_854 = arith.constant 0 : i32
      %dma_start3A_855 = tpu.memref_slice %arg22[%dma_start3A, %dma_start3A_854] : memref<10112x8xf32, #tpu.memory_space<vmem_shared>> -> memref<10112x8xf32, #tpu.memory_space<vmem_shared>>
      tpu.enqueue_indirect_dma source(%arg20 : memref<128x8xf32, #tpu.memory_space<vmem>>) target(%dma_start3A_855 : memref<10112x8xf32, #tpu.memory_space<vmem_shared>>) offsets(%arg12 : memref<128xi32, #tpu.memory_space<vmem>>) semaphore(%arg37 : memref<!tpu.dma_semaphore, #tpu.memory_space<semaphore_mem>>) {add = true}
    } else {
    }
    %add3A_163 = arith.constant 7 : i32
    %add3A_164 = arith.addi %mul3A_2, %add3A_163 : i32
    %lt3A_165 = arith.constant 1250 : i32
    %lt3A_166 = arith.cmpi slt, %add3A_164, %lt3A_165 : i32
    %convert_element_type3A_167 = arith.extui %lt3A_166 : i1 to i32
    %cond3A_168 = arith.constant 0 : i32
    %cond3A_169 = arith.cmpi ne, %convert_element_type3A_167, %cond3A_168 : i32
    scf.if %cond3A_169 {
      %add3A_843 = arith.constant 7 : i32
      %add3A_844 = arith.addi %mul3A_2, %add3A_843 : i32
      %mul3A_845 = arith.constant 128 : i32
      %mul3A_846 = arith.muli %add3A_844, %mul3A_845 : i32
      %dma_wait3A = tpu.memref_slice %arg3[%mul3A_846] : memref<160000xi32, #tpu.memory_space<hbm>> -> memref<128xi32, #tpu.memory_space<hbm>>
      %dma_wait3A_847 = tpu.memref_slice %arg3[%mul3A_846] : memref<160000xi32, #tpu.memory_space<hbm>> -> memref<128xi32, #tpu.memory_space<hbm>>
      tpu.wait_dma2 semaphore(%arg30 : memref<!tpu.dma_semaphore, #tpu.memory_space<semaphore_mem>>) src(%dma_wait3A_847 : memref<128xi32, #tpu.memory_space<hbm>>) dst(%arg13 : memref<128xi32, #tpu.memory_space<vmem>>)
      %mul3A_848 = arith.constant 128 : i32
      %mul3A_849 = arith.muli %add3A_844, %mul3A_848 : i32
      %dma_wait3A_850 = arith.constant 0 : i32
      %dma_wait3A_851 = tpu.memref_slice %arg2[%mul3A_849, %dma_wait3A_850] : memref<160000x8xf32, #tpu.memory_space<hbm>> -> memref<128x8xf32, #tpu.memory_space<hbm>>
      %dma_wait3A_852 = arith.constant 0 : i32
      %dma_wait3A_853 = tpu.memref_slice %arg2[%mul3A_849, %dma_wait3A_852] : memref<160000x8xf32, #tpu.memory_space<hbm>> -> memref<128x8xf32, #tpu.memory_space<hbm>>
      tpu.wait_dma2 semaphore(%arg30 : memref<!tpu.dma_semaphore, #tpu.memory_space<semaphore_mem>>) src(%dma_wait3A_853 : memref<128x8xf32, #tpu.memory_space<hbm>>) dst(%arg21 : memref<128x8xf32, #tpu.memory_space<vmem>>)
      %dma_start3A = arith.constant 0 : i32
      %dma_start3A_854 = arith.constant 0 : i32
      %dma_start3A_855 = tpu.memref_slice %arg22[%dma_start3A, %dma_start3A_854] : memref<10112x8xf32, #tpu.memory_space<vmem_shared>> -> memref<10112x8xf32, #tpu.memory_space<vmem_shared>>
      tpu.enqueue_indirect_dma source(%arg21 : memref<128x8xf32, #tpu.memory_space<vmem>>) target(%dma_start3A_855 : memref<10112x8xf32, #tpu.memory_space<vmem_shared>>) offsets(%arg13 : memref<128xi32, #tpu.memory_space<vmem>>) semaphore(%arg38 : memref<!tpu.dma_semaphore, #tpu.memory_space<semaphore_mem>>) {add = true}
    } else {
    }
    %add3A_170 = arith.constant 4 : i32
    %add3A_171 = arith.addi %mul3A_2, %add3A_170 : i32
    %lt3A_172 = arith.constant 1250 : i32
    %lt3A_173 = arith.cmpi slt, %add3A_171, %lt3A_172 : i32
    %convert_element_type3A_174 = arith.extui %lt3A_173 : i1 to i32
    %cond3A_175 = arith.constant 0 : i32
    %cond3A_176 = arith.cmpi ne, %convert_element_type3A_174, %cond3A_175 : i32
    scf.if %cond3A_176 {
      %dma_wait3A = arith.constant 0 : i32
      %dma_wait3A_843 = arith.constant 0 : i32
      %dma_wait3A_844 = tpu.memref_slice %arg22[%dma_wait3A, %dma_wait3A_843] : memref<10112x8xf32, #tpu.memory_space<vmem_shared>> -> memref<10112x8xf32, #tpu.memory_space<vmem_shared>>
      tpu.wait_indirect_dma semaphore(%arg35 : memref<!tpu.dma_semaphore, #tpu.memory_space<semaphore_mem>>) src(%arg18 : memref<128x8xf32, #tpu.memory_space<vmem>>) dst(%dma_wait3A_844 : memref<10112x8xf32, #tpu.memory_space<vmem_shared>>)
    } else {
    }
    %add3A_177 = arith.constant 5 : i32
    %add3A_178 = arith.addi %mul3A_2, %add3A_177 : i32
    %lt3A_179 = arith.constant 1250 : i32
    %lt3A_180 = arith.cmpi slt, %add3A_178, %lt3A_179 : i32
    %convert_element_type3A_181 = arith.extui %lt3A_180 : i1 to i32
    %cond3A_182 = arith.constant 0 : i32
    %cond3A_183 = arith.cmpi ne, %convert_element_type3A_181, %cond3A_182 : i32
    scf.if %cond3A_183 {
      %dma_wait3A = arith.constant 0 : i32
      %dma_wait3A_843 = arith.constant 0 : i32
      %dma_wait3A_844 = tpu.memref_slice %arg22[%dma_wait3A, %dma_wait3A_843] : memref<10112x8xf32, #tpu.memory_space<vmem_shared>> -> memref<10112x8xf32, #tpu.memory_space<vmem_shared>>
      tpu.wait_indirect_dma semaphore(%arg36 : memref<!tpu.dma_semaphore, #tpu.memory_space<semaphore_mem>>) src(%arg19 : memref<128x8xf32, #tpu.memory_space<vmem>>) dst(%dma_wait3A_844 : memref<10112x8xf32, #tpu.memory_space<vmem_shared>>)
    } else {
    }
    %add3A_184 = arith.constant 6 : i32
    %add3A_185 = arith.addi %mul3A_2, %add3A_184 : i32
    %lt3A_186 = arith.constant 1250 : i32
    %lt3A_187 = arith.cmpi slt, %add3A_185, %lt3A_186 : i32
    %convert_element_type3A_188 = arith.extui %lt3A_187 : i1 to i32
    %cond3A_189 = arith.constant 0 : i32
    %cond3A_190 = arith.cmpi ne, %convert_element_type3A_188, %cond3A_189 : i32
    scf.if %cond3A_190 {
      %dma_wait3A = arith.constant 0 : i32
      %dma_wait3A_843 = arith.constant 0 : i32
      %dma_wait3A_844 = tpu.memref_slice %arg22[%dma_wait3A, %dma_wait3A_843] : memref<10112x8xf32, #tpu.memory_space<vmem_shared>> -> memref<10112x8xf32, #tpu.memory_space<vmem_shared>>
      tpu.wait_indirect_dma semaphore(%arg37 : memref<!tpu.dma_semaphore, #tpu.memory_space<semaphore_mem>>) src(%arg20 : memref<128x8xf32, #tpu.memory_space<vmem>>) dst(%dma_wait3A_844 : memref<10112x8xf32, #tpu.memory_space<vmem_shared>>)
    } else {
    }
    %add3A_191 = arith.constant 7 : i32
    %add3A_192 = arith.addi %mul3A_2, %add3A_191 : i32
    %lt3A_193 = arith.constant 1250 : i32
    %lt3A_194 = arith.cmpi slt, %add3A_192, %lt3A_193 : i32
    %convert_element_type3A_195 = arith.extui %lt3A_194 : i1 to i32
    %cond3A_196 = arith.constant 0 : i32
    %cond3A_197 = arith.cmpi ne, %convert_element_type3A_195, %cond3A_196 : i32
    scf.if %cond3A_197 {
      %dma_wait3A = arith.constant 0 : i32
      %dma_wait3A_843 = arith.constant 0 : i32
      %dma_wait3A_844 = tpu.memref_slice %arg22[%dma_wait3A, %dma_wait3A_843] : memref<10112x8xf32, #tpu.memory_space<vmem_shared>> -> memref<10112x8xf32, #tpu.memory_space<vmem_shared>>
      tpu.wait_indirect_dma semaphore(%arg38 : memref<!tpu.dma_semaphore, #tpu.memory_space<semaphore_mem>>) src(%arg21 : memref<128x8xf32, #tpu.memory_space<vmem>>) dst(%dma_wait3A_844 : memref<10112x8xf32, #tpu.memory_space<vmem_shared>>)
    } else {
    }
    %add3A_198 = arith.constant 12 : i32
    %add3A_199 = arith.addi %mul3A_2, %add3A_198 : i32
    %lt3A_200 = arith.constant 1250 : i32
    %lt3A_201 = arith.cmpi slt, %add3A_199, %lt3A_200 : i32
    %convert_element_type3A_202 = arith.extui %lt3A_201 : i1 to i32
    %cond3A_203 = arith.constant 0 : i32
    %cond3A_204 = arith.cmpi ne, %convert_element_type3A_202, %cond3A_203 : i32
    scf.if %cond3A_204 {
      %add3A_843 = arith.constant 12 : i32
      %add3A_844 = arith.addi %mul3A_2, %add3A_843 : i32
      %mul3A_845 = arith.constant 128 : i32
      %mul3A_846 = arith.muli %add3A_844, %mul3A_845 : i32
      %dma_start3A = tpu.memref_slice %arg3[%mul3A_846] : memref<160000xi32, #tpu.memory_space<hbm>> -> memref<128xi32, #tpu.memory_space<hbm>>
      %dma_start3A_847 = tpu.memref_slice %arg3[%mul3A_846] : memref<160000xi32, #tpu.memory_space<hbm>> -> memref<128xi32, #tpu.memory_space<hbm>>
      tpu.enqueue_dma source(%dma_start3A_847 : memref<128xi32, #tpu.memory_space<hbm>>) target(%arg10 : memref<128xi32, #tpu.memory_space<vmem>>) target_semaphore(%arg27 : memref<!tpu.dma_semaphore, #tpu.memory_space<semaphore_mem>>)
      %mul3A_848 = arith.constant 128 : i32
      %mul3A_849 = arith.muli %add3A_844, %mul3A_848 : i32
      %dma_start3A_850 = arith.constant 0 : i32
      %dma_start3A_851 = tpu.memref_slice %arg2[%mul3A_849, %dma_start3A_850] : memref<160000x8xf32, #tpu.memory_space<hbm>> -> memref<128x8xf32, #tpu.memory_space<hbm>>
      %dma_start3A_852 = arith.constant 0 : i32
      %dma_start3A_853 = tpu.memref_slice %arg2[%mul3A_849, %dma_start3A_852] : memref<160000x8xf32, #tpu.memory_space<hbm>> -> memref<128x8xf32, #tpu.memory_space<hbm>>
      tpu.enqueue_dma source(%dma_start3A_853 : memref<128x8xf32, #tpu.memory_space<hbm>>) target(%arg18 : memref<128x8xf32, #tpu.memory_space<vmem>>) target_semaphore(%arg27 : memref<!tpu.dma_semaphore, #tpu.memory_space<semaphore_mem>>)
    } else {
    }
    %add3A_205 = arith.constant 13 : i32
    %add3A_206 = arith.addi %mul3A_2, %add3A_205 : i32
    %lt3A_207 = arith.constant 1250 : i32
    %lt3A_208 = arith.cmpi slt, %add3A_206, %lt3A_207 : i32
    %convert_element_type3A_209 = arith.extui %lt3A_208 : i1 to i32
    %cond3A_210 = arith.constant 0 : i32
    %cond3A_211 = arith.cmpi ne, %convert_element_type3A_209, %cond3A_210 : i32
    scf.if %cond3A_211 {
      %add3A_843 = arith.constant 13 : i32
      %add3A_844 = arith.addi %mul3A_2, %add3A_843 : i32
      %mul3A_845 = arith.constant 128 : i32
      %mul3A_846 = arith.muli %add3A_844, %mul3A_845 : i32
      %dma_start3A = tpu.memref_slice %arg3[%mul3A_846] : memref<160000xi32, #tpu.memory_space<hbm>> -> memref<128xi32, #tpu.memory_space<hbm>>
      %dma_start3A_847 = tpu.memref_slice %arg3[%mul3A_846] : memref<160000xi32, #tpu.memory_space<hbm>> -> memref<128xi32, #tpu.memory_space<hbm>>
      tpu.enqueue_dma source(%dma_start3A_847 : memref<128xi32, #tpu.memory_space<hbm>>) target(%arg11 : memref<128xi32, #tpu.memory_space<vmem>>) target_semaphore(%arg28 : memref<!tpu.dma_semaphore, #tpu.memory_space<semaphore_mem>>)
      %mul3A_848 = arith.constant 128 : i32
      %mul3A_849 = arith.muli %add3A_844, %mul3A_848 : i32
      %dma_start3A_850 = arith.constant 0 : i32
      %dma_start3A_851 = tpu.memref_slice %arg2[%mul3A_849, %dma_start3A_850] : memref<160000x8xf32, #tpu.memory_space<hbm>> -> memref<128x8xf32, #tpu.memory_space<hbm>>
      %dma_start3A_852 = arith.constant 0 : i32
      %dma_start3A_853 = tpu.memref_slice %arg2[%mul3A_849, %dma_start3A_852] : memref<160000x8xf32, #tpu.memory_space<hbm>> -> memref<128x8xf32, #tpu.memory_space<hbm>>
      tpu.enqueue_dma source(%dma_start3A_853 : memref<128x8xf32, #tpu.memory_space<hbm>>) target(%arg19 : memref<128x8xf32, #tpu.memory_space<vmem>>) target_semaphore(%arg28 : memref<!tpu.dma_semaphore, #tpu.memory_space<semaphore_mem>>)
    } else {
    }
    %add3A_212 = arith.constant 14 : i32
    %add3A_213 = arith.addi %mul3A_2, %add3A_212 : i32
    %lt3A_214 = arith.constant 1250 : i32
    %lt3A_215 = arith.cmpi slt, %add3A_213, %lt3A_214 : i32
    %convert_element_type3A_216 = arith.extui %lt3A_215 : i1 to i32
    %cond3A_217 = arith.constant 0 : i32
    %cond3A_218 = arith.cmpi ne, %convert_element_type3A_216, %cond3A_217 : i32
    scf.if %cond3A_218 {
      %add3A_843 = arith.constant 14 : i32
      %add3A_844 = arith.addi %mul3A_2, %add3A_843 : i32
      %mul3A_845 = arith.constant 128 : i32
      %mul3A_846 = arith.muli %add3A_844, %mul3A_845 : i32
      %dma_start3A = tpu.memref_slice %arg3[%mul3A_846] : memref<160000xi32, #tpu.memory_space<hbm>> -> memref<128xi32, #tpu.memory_space<hbm>>
      %dma_start3A_847 = tpu.memref_slice %arg3[%mul3A_846] : memref<160000xi32, #tpu.memory_space<hbm>> -> memref<128xi32, #tpu.memory_space<hbm>>
      tpu.enqueue_dma source(%dma_start3A_847 : memref<128xi32, #tpu.memory_space<hbm>>) target(%arg12 : memref<128xi32, #tpu.memory_space<vmem>>) target_semaphore(%arg29 : memref<!tpu.dma_semaphore, #tpu.memory_space<semaphore_mem>>)
      %mul3A_848 = arith.constant 128 : i32
      %mul3A_849 = arith.muli %add3A_844, %mul3A_848 : i32
      %dma_start3A_850 = arith.constant 0 : i32
      %dma_start3A_851 = tpu.memref_slice %arg2[%mul3A_849, %dma_start3A_850] : memref<160000x8xf32, #tpu.memory_space<hbm>> -> memref<128x8xf32, #tpu.memory_space<hbm>>
      %dma_start3A_852 = arith.constant 0 : i32
      %dma_start3A_853 = tpu.memref_slice %arg2[%mul3A_849, %dma_start3A_852] : memref<160000x8xf32, #tpu.memory_space<hbm>> -> memref<128x8xf32, #tpu.memory_space<hbm>>
      tpu.enqueue_dma source(%dma_start3A_853 : memref<128x8xf32, #tpu.memory_space<hbm>>) target(%arg20 : memref<128x8xf32, #tpu.memory_space<vmem>>) target_semaphore(%arg29 : memref<!tpu.dma_semaphore, #tpu.memory_space<semaphore_mem>>)
    } else {
    }
    %add3A_219 = arith.constant 15 : i32
    %add3A_220 = arith.addi %mul3A_2, %add3A_219 : i32
    %lt3A_221 = arith.constant 1250 : i32
    %lt3A_222 = arith.cmpi slt, %add3A_220, %lt3A_221 : i32
    %convert_element_type3A_223 = arith.extui %lt3A_222 : i1 to i32
    %cond3A_224 = arith.constant 0 : i32
    %cond3A_225 = arith.cmpi ne, %convert_element_type3A_223, %cond3A_224 : i32
    scf.if %cond3A_225 {
      %add3A_843 = arith.constant 15 : i32
      %add3A_844 = arith.addi %mul3A_2, %add3A_843 : i32
      %mul3A_845 = arith.constant 128 : i32
      %mul3A_846 = arith.muli %add3A_844, %mul3A_845 : i32
      %dma_start3A = tpu.memref_slice %arg3[%mul3A_846] : memref<160000xi32, #tpu.memory_space<hbm>> -> memref<128xi32, #tpu.memory_space<hbm>>
      %dma_start3A_847 = tpu.memref_slice %arg3[%mul3A_846] : memref<160000xi32, #tpu.memory_space<hbm>> -> memref<128xi32, #tpu.memory_space<hbm>>
      tpu.enqueue_dma source(%dma_start3A_847 : memref<128xi32, #tpu.memory_space<hbm>>) target(%arg13 : memref<128xi32, #tpu.memory_space<vmem>>) target_semaphore(%arg30 : memref<!tpu.dma_semaphore, #tpu.memory_space<semaphore_mem>>)
      %mul3A_848 = arith.constant 128 : i32
      %mul3A_849 = arith.muli %add3A_844, %mul3A_848 : i32
      %dma_start3A_850 = arith.constant 0 : i32
      %dma_start3A_851 = tpu.memref_slice %arg2[%mul3A_849, %dma_start3A_850] : memref<160000x8xf32, #tpu.memory_space<hbm>> -> memref<128x8xf32, #tpu.memory_space<hbm>>
      %dma_start3A_852 = arith.constant 0 : i32
      %dma_start3A_853 = tpu.memref_slice %arg2[%mul3A_849, %dma_start3A_852] : memref<160000x8xf32, #tpu.memory_space<hbm>> -> memref<128x8xf32, #tpu.memory_space<hbm>>
      tpu.enqueue_dma source(%dma_start3A_853 : memref<128x8xf32, #tpu.memory_space<hbm>>) target(%arg21 : memref<128x8xf32, #tpu.memory_space<vmem>>) target_semaphore(%arg30 : memref<!tpu.dma_semaphore, #tpu.memory_space<semaphore_mem>>)
    } else {
    }
    %add3A_226 = arith.constant 8 : i32
    %add3A_227 = arith.addi %mul3A_2, %add3A_226 : i32
    %lt3A_228 = arith.constant 1250 : i32
    %lt3A_229 = arith.cmpi slt, %add3A_227, %lt3A_228 : i32
    %convert_element_type3A_230 = arith.extui %lt3A_229 : i1 to i32
    %cond3A_231 = arith.constant 0 : i32
    %cond3A_232 = arith.cmpi ne, %convert_element_type3A_230, %cond3A_231 : i32
    scf.if %cond3A_232 {
      %add3A_843 = arith.constant 8 : i32
      %add3A_844 = arith.addi %mul3A_2, %add3A_843 : i32
      %mul3A_845 = arith.constant 128 : i32
      %mul3A_846 = arith.muli %add3A_844, %mul3A_845 : i32
      %dma_wait3A = tpu.memref_slice %arg3[%mul3A_846] : memref<160000xi32, #tpu.memory_space<hbm>> -> memref<128xi32, #tpu.memory_space<hbm>>
      %dma_wait3A_847 = tpu.memref_slice %arg3[%mul3A_846] : memref<160000xi32, #tpu.memory_space<hbm>> -> memref<128xi32, #tpu.memory_space<hbm>>
      tpu.wait_dma2 semaphore(%arg23 : memref<!tpu.dma_semaphore, #tpu.memory_space<semaphore_mem>>) src(%dma_wait3A_847 : memref<128xi32, #tpu.memory_space<hbm>>) dst(%arg6 : memref<128xi32, #tpu.memory_space<vmem>>)
      %mul3A_848 = arith.constant 128 : i32
      %mul3A_849 = arith.muli %add3A_844, %mul3A_848 : i32
      %dma_wait3A_850 = arith.constant 0 : i32
      %dma_wait3A_851 = tpu.memref_slice %arg2[%mul3A_849, %dma_wait3A_850] : memref<160000x8xf32, #tpu.memory_space<hbm>> -> memref<128x8xf32, #tpu.memory_space<hbm>>
      %dma_wait3A_852 = arith.constant 0 : i32
      %dma_wait3A_853 = tpu.memref_slice %arg2[%mul3A_849, %dma_wait3A_852] : memref<160000x8xf32, #tpu.memory_space<hbm>> -> memref<128x8xf32, #tpu.memory_space<hbm>>
      tpu.wait_dma2 semaphore(%arg23 : memref<!tpu.dma_semaphore, #tpu.memory_space<semaphore_mem>>) src(%dma_wait3A_853 : memref<128x8xf32, #tpu.memory_space<hbm>>) dst(%arg14 : memref<128x8xf32, #tpu.memory_space<vmem>>)
      %dma_start3A = arith.constant 0 : i32
      %dma_start3A_854 = arith.constant 0 : i32
      %dma_start3A_855 = tpu.memref_slice %arg22[%dma_start3A, %dma_start3A_854] : memref<10112x8xf32, #tpu.memory_space<vmem_shared>> -> memref<10112x8xf32, #tpu.memory_space<vmem_shared>>
      tpu.enqueue_indirect_dma source(%arg14 : memref<128x8xf32, #tpu.memory_space<vmem>>) target(%dma_start3A_855 : memref<10112x8xf32, #tpu.memory_space<vmem_shared>>) offsets(%arg6 : memref<128xi32, #tpu.memory_space<vmem>>) semaphore(%arg31 : memref<!tpu.dma_semaphore, #tpu.memory_space<semaphore_mem>>) {add = true}
    } else {
    }
    %add3A_233 = arith.constant 9 : i32
    %add3A_234 = arith.addi %mul3A_2, %add3A_233 : i32
    %lt3A_235 = arith.constant 1250 : i32
    %lt3A_236 = arith.cmpi slt, %add3A_234, %lt3A_235 : i32
    %convert_element_type3A_237 = arith.extui %lt3A_236 : i1 to i32
    %cond3A_238 = arith.constant 0 : i32
    %cond3A_239 = arith.cmpi ne, %convert_element_type3A_237, %cond3A_238 : i32
    scf.if %cond3A_239 {
      %add3A_843 = arith.constant 9 : i32
      %add3A_844 = arith.addi %mul3A_2, %add3A_843 : i32
      %mul3A_845 = arith.constant 128 : i32
      %mul3A_846 = arith.muli %add3A_844, %mul3A_845 : i32
      %dma_wait3A = tpu.memref_slice %arg3[%mul3A_846] : memref<160000xi32, #tpu.memory_space<hbm>> -> memref<128xi32, #tpu.memory_space<hbm>>
      %dma_wait3A_847 = tpu.memref_slice %arg3[%mul3A_846] : memref<160000xi32, #tpu.memory_space<hbm>> -> memref<128xi32, #tpu.memory_space<hbm>>
      tpu.wait_dma2 semaphore(%arg24 : memref<!tpu.dma_semaphore, #tpu.memory_space<semaphore_mem>>) src(%dma_wait3A_847 : memref<128xi32, #tpu.memory_space<hbm>>) dst(%arg7 : memref<128xi32, #tpu.memory_space<vmem>>)
      %mul3A_848 = arith.constant 128 : i32
      %mul3A_849 = arith.muli %add3A_844, %mul3A_848 : i32
      %dma_wait3A_850 = arith.constant 0 : i32
      %dma_wait3A_851 = tpu.memref_slice %arg2[%mul3A_849, %dma_wait3A_850] : memref<160000x8xf32, #tpu.memory_space<hbm>> -> memref<128x8xf32, #tpu.memory_space<hbm>>
      %dma_wait3A_852 = arith.constant 0 : i32
      %dma_wait3A_853 = tpu.memref_slice %arg2[%mul3A_849, %dma_wait3A_852] : memref<160000x8xf32, #tpu.memory_space<hbm>> -> memref<128x8xf32, #tpu.memory_space<hbm>>
      tpu.wait_dma2 semaphore(%arg24 : memref<!tpu.dma_semaphore, #tpu.memory_space<semaphore_mem>>) src(%dma_wait3A_853 : memref<128x8xf32, #tpu.memory_space<hbm>>) dst(%arg15 : memref<128x8xf32, #tpu.memory_space<vmem>>)
      %dma_start3A = arith.constant 0 : i32
      %dma_start3A_854 = arith.constant 0 : i32
      %dma_start3A_855 = tpu.memref_slice %arg22[%dma_start3A, %dma_start3A_854] : memref<10112x8xf32, #tpu.memory_space<vmem_shared>> -> memref<10112x8xf32, #tpu.memory_space<vmem_shared>>
      tpu.enqueue_indirect_dma source(%arg15 : memref<128x8xf32, #tpu.memory_space<vmem>>) target(%dma_start3A_855 : memref<10112x8xf32, #tpu.memory_space<vmem_shared>>) offsets(%arg7 : memref<128xi32, #tpu.memory_space<vmem>>) semaphore(%arg32 : memref<!tpu.dma_semaphore, #tpu.memory_space<semaphore_mem>>) {add = true}
    } else {
    }
    %add3A_240 = arith.constant 10 : i32
    %add3A_241 = arith.addi %mul3A_2, %add3A_240 : i32
    %lt3A_242 = arith.constant 1250 : i32
    %lt3A_243 = arith.cmpi slt, %add3A_241, %lt3A_242 : i32
    %convert_element_type3A_244 = arith.extui %lt3A_243 : i1 to i32
    %cond3A_245 = arith.constant 0 : i32
    %cond3A_246 = arith.cmpi ne, %convert_element_type3A_244, %cond3A_245 : i32
    scf.if %cond3A_246 {
      %add3A_843 = arith.constant 10 : i32
      %add3A_844 = arith.addi %mul3A_2, %add3A_843 : i32
      %mul3A_845 = arith.constant 128 : i32
      %mul3A_846 = arith.muli %add3A_844, %mul3A_845 : i32
      %dma_wait3A = tpu.memref_slice %arg3[%mul3A_846] : memref<160000xi32, #tpu.memory_space<hbm>> -> memref<128xi32, #tpu.memory_space<hbm>>
      %dma_wait3A_847 = tpu.memref_slice %arg3[%mul3A_846] : memref<160000xi32, #tpu.memory_space<hbm>> -> memref<128xi32, #tpu.memory_space<hbm>>
      tpu.wait_dma2 semaphore(%arg25 : memref<!tpu.dma_semaphore, #tpu.memory_space<semaphore_mem>>) src(%dma_wait3A_847 : memref<128xi32, #tpu.memory_space<hbm>>) dst(%arg8 : memref<128xi32, #tpu.memory_space<vmem>>)
      %mul3A_848 = arith.constant 128 : i32
      %mul3A_849 = arith.muli %add3A_844, %mul3A_848 : i32
      %dma_wait3A_850 = arith.constant 0 : i32
      %dma_wait3A_851 = tpu.memref_slice %arg2[%mul3A_849, %dma_wait3A_850] : memref<160000x8xf32, #tpu.memory_space<hbm>> -> memref<128x8xf32, #tpu.memory_space<hbm>>
      %dma_wait3A_852 = arith.constant 0 : i32
      %dma_wait3A_853 = tpu.memref_slice %arg2[%mul3A_849, %dma_wait3A_852] : memref<160000x8xf32, #tpu.memory_space<hbm>> -> memref<128x8xf32, #tpu.memory_space<hbm>>
      tpu.wait_dma2 semaphore(%arg25 : memref<!tpu.dma_semaphore, #tpu.memory_space<semaphore_mem>>) src(%dma_wait3A_853 : memref<128x8xf32, #tpu.memory_space<hbm>>) dst(%arg16 : memref<128x8xf32, #tpu.memory_space<vmem>>)
      %dma_start3A = arith.constant 0 : i32
      %dma_start3A_854 = arith.constant 0 : i32
      %dma_start3A_855 = tpu.memref_slice %arg22[%dma_start3A, %dma_start3A_854] : memref<10112x8xf32, #tpu.memory_space<vmem_shared>> -> memref<10112x8xf32, #tpu.memory_space<vmem_shared>>
      tpu.enqueue_indirect_dma source(%arg16 : memref<128x8xf32, #tpu.memory_space<vmem>>) target(%dma_start3A_855 : memref<10112x8xf32, #tpu.memory_space<vmem_shared>>) offsets(%arg8 : memref<128xi32, #tpu.memory_space<vmem>>) semaphore(%arg33 : memref<!tpu.dma_semaphore, #tpu.memory_space<semaphore_mem>>) {add = true}
    } else {
    }
    %add3A_247 = arith.constant 11 : i32
    %add3A_248 = arith.addi %mul3A_2, %add3A_247 : i32
    %lt3A_249 = arith.constant 1250 : i32
    %lt3A_250 = arith.cmpi slt, %add3A_248, %lt3A_249 : i32
    %convert_element_type3A_251 = arith.extui %lt3A_250 : i1 to i32
    %cond3A_252 = arith.constant 0 : i32
    %cond3A_253 = arith.cmpi ne, %convert_element_type3A_251, %cond3A_252 : i32
    scf.if %cond3A_253 {
      %add3A_843 = arith.constant 11 : i32
      %add3A_844 = arith.addi %mul3A_2, %add3A_843 : i32
      %mul3A_845 = arith.constant 128 : i32
      %mul3A_846 = arith.muli %add3A_844, %mul3A_845 : i32
      %dma_wait3A = tpu.memref_slice %arg3[%mul3A_846] : memref<160000xi32, #tpu.memory_space<hbm>> -> memref<128xi32, #tpu.memory_space<hbm>>
      %dma_wait3A_847 = tpu.memref_slice %arg3[%mul3A_846] : memref<160000xi32, #tpu.memory_space<hbm>> -> memref<128xi32, #tpu.memory_space<hbm>>
      tpu.wait_dma2 semaphore(%arg26 : memref<!tpu.dma_semaphore, #tpu.memory_space<semaphore_mem>>) src(%dma_wait3A_847 : memref<128xi32, #tpu.memory_space<hbm>>) dst(%arg9 : memref<128xi32, #tpu.memory_space<vmem>>)
      %mul3A_848 = arith.constant 128 : i32
      %mul3A_849 = arith.muli %add3A_844, %mul3A_848 : i32
      %dma_wait3A_850 = arith.constant 0 : i32
      %dma_wait3A_851 = tpu.memref_slice %arg2[%mul3A_849, %dma_wait3A_850] : memref<160000x8xf32, #tpu.memory_space<hbm>> -> memref<128x8xf32, #tpu.memory_space<hbm>>
      %dma_wait3A_852 = arith.constant 0 : i32
      %dma_wait3A_853 = tpu.memref_slice %arg2[%mul3A_849, %dma_wait3A_852] : memref<160000x8xf32, #tpu.memory_space<hbm>> -> memref<128x8xf32, #tpu.memory_space<hbm>>
      tpu.wait_dma2 semaphore(%arg26 : memref<!tpu.dma_semaphore, #tpu.memory_space<semaphore_mem>>) src(%dma_wait3A_853 : memref<128x8xf32, #tpu.memory_space<hbm>>) dst(%arg17 : memref<128x8xf32, #tpu.memory_space<vmem>>)
      %dma_start3A = arith.constant 0 : i32
      %dma_start3A_854 = arith.constant 0 : i32
      %dma_start3A_855 = tpu.memref_slice %arg22[%dma_start3A, %dma_start3A_854] : memref<10112x8xf32, #tpu.memory_space<vmem_shared>> -> memref<10112x8xf32, #tpu.memory_space<vmem_shared>>
      tpu.enqueue_indirect_dma source(%arg17 : memref<128x8xf32, #tpu.memory_space<vmem>>) target(%dma_start3A_855 : memref<10112x8xf32, #tpu.memory_space<vmem_shared>>) offsets(%arg9 : memref<128xi32, #tpu.memory_space<vmem>>) semaphore(%arg34 : memref<!tpu.dma_semaphore, #tpu.memory_space<semaphore_mem>>) {add = true}
    } else {
    }
    %add3A_254 = arith.constant 8 : i32
    %add3A_255 = arith.addi %mul3A_2, %add3A_254 : i32
    %lt3A_256 = arith.constant 1250 : i32
    %lt3A_257 = arith.cmpi slt, %add3A_255, %lt3A_256 : i32
    %convert_element_type3A_258 = arith.extui %lt3A_257 : i1 to i32
    %cond3A_259 = arith.constant 0 : i32
    %cond3A_260 = arith.cmpi ne, %convert_element_type3A_258, %cond3A_259 : i32
    scf.if %cond3A_260 {
      %dma_wait3A = arith.constant 0 : i32
      %dma_wait3A_843 = arith.constant 0 : i32
      %dma_wait3A_844 = tpu.memref_slice %arg22[%dma_wait3A, %dma_wait3A_843] : memref<10112x8xf32, #tpu.memory_space<vmem_shared>> -> memref<10112x8xf32, #tpu.memory_space<vmem_shared>>
      tpu.wait_indirect_dma semaphore(%arg31 : memref<!tpu.dma_semaphore, #tpu.memory_space<semaphore_mem>>) src(%arg14 : memref<128x8xf32, #tpu.memory_space<vmem>>) dst(%dma_wait3A_844 : memref<10112x8xf32, #tpu.memory_space<vmem_shared>>)
    } else {
    }
    %add3A_261 = arith.constant 9 : i32
    %add3A_262 = arith.addi %mul3A_2, %add3A_261 : i32
    %lt3A_263 = arith.constant 1250 : i32
    %lt3A_264 = arith.cmpi slt, %add3A_262, %lt3A_263 : i32
    %convert_element_type3A_265 = arith.extui %lt3A_264 : i1 to i32
    %cond3A_266 = arith.constant 0 : i32
    %cond3A_267 = arith.cmpi ne, %convert_element_type3A_265, %cond3A_266 : i32
    scf.if %cond3A_267 {
      %dma_wait3A = arith.constant 0 : i32
      %dma_wait3A_843 = arith.constant 0 : i32
      %dma_wait3A_844 = tpu.memref_slice %arg22[%dma_wait3A, %dma_wait3A_843] : memref<10112x8xf32, #tpu.memory_space<vmem_shared>> -> memref<10112x8xf32, #tpu.memory_space<vmem_shared>>
      tpu.wait_indirect_dma semaphore(%arg32 : memref<!tpu.dma_semaphore, #tpu.memory_space<semaphore_mem>>) src(%arg15 : memref<128x8xf32, #tpu.memory_space<vmem>>) dst(%dma_wait3A_844 : memref<10112x8xf32, #tpu.memory_space<vmem_shared>>)
    } else {
    }
    %add3A_268 = arith.constant 10 : i32
    %add3A_269 = arith.addi %mul3A_2, %add3A_268 : i32
    %lt3A_270 = arith.constant 1250 : i32
    %lt3A_271 = arith.cmpi slt, %add3A_269, %lt3A_270 : i32
    %convert_element_type3A_272 = arith.extui %lt3A_271 : i1 to i32
    %cond3A_273 = arith.constant 0 : i32
    %cond3A_274 = arith.cmpi ne, %convert_element_type3A_272, %cond3A_273 : i32
    scf.if %cond3A_274 {
      %dma_wait3A = arith.constant 0 : i32
      %dma_wait3A_843 = arith.constant 0 : i32
      %dma_wait3A_844 = tpu.memref_slice %arg22[%dma_wait3A, %dma_wait3A_843] : memref<10112x8xf32, #tpu.memory_space<vmem_shared>> -> memref<10112x8xf32, #tpu.memory_space<vmem_shared>>
      tpu.wait_indirect_dma semaphore(%arg33 : memref<!tpu.dma_semaphore, #tpu.memory_space<semaphore_mem>>) src(%arg16 : memref<128x8xf32, #tpu.memory_space<vmem>>) dst(%dma_wait3A_844 : memref<10112x8xf32, #tpu.memory_space<vmem_shared>>)
    } else {
    }
    %add3A_275 = arith.constant 11 : i32
    %add3A_276 = arith.addi %mul3A_2, %add3A_275 : i32
    %lt3A_277 = arith.constant 1250 : i32
    %lt3A_278 = arith.cmpi slt, %add3A_276, %lt3A_277 : i32
    %convert_element_type3A_279 = arith.extui %lt3A_278 : i1 to i32
    %cond3A_280 = arith.constant 0 : i32
    %cond3A_281 = arith.cmpi ne, %convert_element_type3A_279, %cond3A_280 : i32
    scf.if %cond3A_281 {
      %dma_wait3A = arith.constant 0 : i32
      %dma_wait3A_843 = arith.constant 0 : i32
      %dma_wait3A_844 = tpu.memref_slice %arg22[%dma_wait3A, %dma_wait3A_843] : memref<10112x8xf32, #tpu.memory_space<vmem_shared>> -> memref<10112x8xf32, #tpu.memory_space<vmem_shared>>
      tpu.wait_indirect_dma semaphore(%arg34 : memref<!tpu.dma_semaphore, #tpu.memory_space<semaphore_mem>>) src(%arg17 : memref<128x8xf32, #tpu.memory_space<vmem>>) dst(%dma_wait3A_844 : memref<10112x8xf32, #tpu.memory_space<vmem_shared>>)
    } else {
    }
    %add3A_282 = arith.constant 16 : i32
    %add3A_283 = arith.addi %mul3A_2, %add3A_282 : i32
    %lt3A_284 = arith.constant 1250 : i32
    %lt3A_285 = arith.cmpi slt, %add3A_283, %lt3A_284 : i32
    %convert_element_type3A_286 = arith.extui %lt3A_285 : i1 to i32
    %cond3A_287 = arith.constant 0 : i32
    %cond3A_288 = arith.cmpi ne, %convert_element_type3A_286, %cond3A_287 : i32
    scf.if %cond3A_288 {
      %add3A_843 = arith.constant 16 : i32
      %add3A_844 = arith.addi %mul3A_2, %add3A_843 : i32
      %mul3A_845 = arith.constant 128 : i32
      %mul3A_846 = arith.muli %add3A_844, %mul3A_845 : i32
      %dma_start3A = tpu.memref_slice %arg3[%mul3A_846] : memref<160000xi32, #tpu.memory_space<hbm>> -> memref<128xi32, #tpu.memory_space<hbm>>
      %dma_start3A_847 = tpu.memref_slice %arg3[%mul3A_846] : memref<160000xi32, #tpu.memory_space<hbm>> -> memref<128xi32, #tpu.memory_space<hbm>>
      tpu.enqueue_dma source(%dma_start3A_847 : memref<128xi32, #tpu.memory_space<hbm>>) target(%arg6 : memref<128xi32, #tpu.memory_space<vmem>>) target_semaphore(%arg23 : memref<!tpu.dma_semaphore, #tpu.memory_space<semaphore_mem>>)
      %mul3A_848 = arith.constant 128 : i32
      %mul3A_849 = arith.muli %add3A_844, %mul3A_848 : i32
      %dma_start3A_850 = arith.constant 0 : i32
      %dma_start3A_851 = tpu.memref_slice %arg2[%mul3A_849, %dma_start3A_850] : memref<160000x8xf32, #tpu.memory_space<hbm>> -> memref<128x8xf32, #tpu.memory_space<hbm>>
      %dma_start3A_852 = arith.constant 0 : i32
      %dma_start3A_853 = tpu.memref_slice %arg2[%mul3A_849, %dma_start3A_852] : memref<160000x8xf32, #tpu.memory_space<hbm>> -> memref<128x8xf32, #tpu.memory_space<hbm>>
      tpu.enqueue_dma source(%dma_start3A_853 : memref<128x8xf32, #tpu.memory_space<hbm>>) target(%arg14 : memref<128x8xf32, #tpu.memory_space<vmem>>) target_semaphore(%arg23 : memref<!tpu.dma_semaphore, #tpu.memory_space<semaphore_mem>>)
    } else {
    }
    %add3A_289 = arith.constant 17 : i32
    %add3A_290 = arith.addi %mul3A_2, %add3A_289 : i32
    %lt3A_291 = arith.constant 1250 : i32
    %lt3A_292 = arith.cmpi slt, %add3A_290, %lt3A_291 : i32
    %convert_element_type3A_293 = arith.extui %lt3A_292 : i1 to i32
    %cond3A_294 = arith.constant 0 : i32
    %cond3A_295 = arith.cmpi ne, %convert_element_type3A_293, %cond3A_294 : i32
    scf.if %cond3A_295 {
      %add3A_843 = arith.constant 17 : i32
      %add3A_844 = arith.addi %mul3A_2, %add3A_843 : i32
      %mul3A_845 = arith.constant 128 : i32
      %mul3A_846 = arith.muli %add3A_844, %mul3A_845 : i32
      %dma_start3A = tpu.memref_slice %arg3[%mul3A_846] : memref<160000xi32, #tpu.memory_space<hbm>> -> memref<128xi32, #tpu.memory_space<hbm>>
      %dma_start3A_847 = tpu.memref_slice %arg3[%mul3A_846] : memref<160000xi32, #tpu.memory_space<hbm>> -> memref<128xi32, #tpu.memory_space<hbm>>
      tpu.enqueue_dma source(%dma_start3A_847 : memref<128xi32, #tpu.memory_space<hbm>>) target(%arg7 : memref<128xi32, #tpu.memory_space<vmem>>) target_semaphore(%arg24 : memref<!tpu.dma_semaphore, #tpu.memory_space<semaphore_mem>>)
      %mul3A_848 = arith.constant 128 : i32
      %mul3A_849 = arith.muli %add3A_844, %mul3A_848 : i32
      %dma_start3A_850 = arith.constant 0 : i32
      %dma_start3A_851 = tpu.memref_slice %arg2[%mul3A_849, %dma_start3A_850] : memref<160000x8xf32, #tpu.memory_space<hbm>> -> memref<128x8xf32, #tpu.memory_space<hbm>>
      %dma_start3A_852 = arith.constant 0 : i32
      %dma_start3A_853 = tpu.memref_slice %arg2[%mul3A_849, %dma_start3A_852] : memref<160000x8xf32, #tpu.memory_space<hbm>> -> memref<128x8xf32, #tpu.memory_space<hbm>>
      tpu.enqueue_dma source(%dma_start3A_853 : memref<128x8xf32, #tpu.memory_space<hbm>>) target(%arg15 : memref<128x8xf32, #tpu.memory_space<vmem>>) target_semaphore(%arg24 : memref<!tpu.dma_semaphore, #tpu.memory_space<semaphore_mem>>)
    } else {
    }
    %add3A_296 = arith.constant 18 : i32
    %add3A_297 = arith.addi %mul3A_2, %add3A_296 : i32
    %lt3A_298 = arith.constant 1250 : i32
    %lt3A_299 = arith.cmpi slt, %add3A_297, %lt3A_298 : i32
    %convert_element_type3A_300 = arith.extui %lt3A_299 : i1 to i32
    %cond3A_301 = arith.constant 0 : i32
    %cond3A_302 = arith.cmpi ne, %convert_element_type3A_300, %cond3A_301 : i32
    scf.if %cond3A_302 {
      %add3A_843 = arith.constant 18 : i32
      %add3A_844 = arith.addi %mul3A_2, %add3A_843 : i32
      %mul3A_845 = arith.constant 128 : i32
      %mul3A_846 = arith.muli %add3A_844, %mul3A_845 : i32
      %dma_start3A = tpu.memref_slice %arg3[%mul3A_846] : memref<160000xi32, #tpu.memory_space<hbm>> -> memref<128xi32, #tpu.memory_space<hbm>>
      %dma_start3A_847 = tpu.memref_slice %arg3[%mul3A_846] : memref<160000xi32, #tpu.memory_space<hbm>> -> memref<128xi32, #tpu.memory_space<hbm>>
      tpu.enqueue_dma source(%dma_start3A_847 : memref<128xi32, #tpu.memory_space<hbm>>) target(%arg8 : memref<128xi32, #tpu.memory_space<vmem>>) target_semaphore(%arg25 : memref<!tpu.dma_semaphore, #tpu.memory_space<semaphore_mem>>)
      %mul3A_848 = arith.constant 128 : i32
      %mul3A_849 = arith.muli %add3A_844, %mul3A_848 : i32
      %dma_start3A_850 = arith.constant 0 : i32
      %dma_start3A_851 = tpu.memref_slice %arg2[%mul3A_849, %dma_start3A_850] : memref<160000x8xf32, #tpu.memory_space<hbm>> -> memref<128x8xf32, #tpu.memory_space<hbm>>
      %dma_start3A_852 = arith.constant 0 : i32
      %dma_start3A_853 = tpu.memref_slice %arg2[%mul3A_849, %dma_start3A_852] : memref<160000x8xf32, #tpu.memory_space<hbm>> -> memref<128x8xf32, #tpu.memory_space<hbm>>
      tpu.enqueue_dma source(%dma_start3A_853 : memref<128x8xf32, #tpu.memory_space<hbm>>) target(%arg16 : memref<128x8xf32, #tpu.memory_space<vmem>>) target_semaphore(%arg25 : memref<!tpu.dma_semaphore, #tpu.memory_space<semaphore_mem>>)
    } else {
    }
    %add3A_303 = arith.constant 19 : i32
    %add3A_304 = arith.addi %mul3A_2, %add3A_303 : i32
    %lt3A_305 = arith.constant 1250 : i32
    %lt3A_306 = arith.cmpi slt, %add3A_304, %lt3A_305 : i32
    %convert_element_type3A_307 = arith.extui %lt3A_306 : i1 to i32
    %cond3A_308 = arith.constant 0 : i32
    %cond3A_309 = arith.cmpi ne, %convert_element_type3A_307, %cond3A_308 : i32
    scf.if %cond3A_309 {
      %add3A_843 = arith.constant 19 : i32
      %add3A_844 = arith.addi %mul3A_2, %add3A_843 : i32
      %mul3A_845 = arith.constant 128 : i32
      %mul3A_846 = arith.muli %add3A_844, %mul3A_845 : i32
      %dma_start3A = tpu.memref_slice %arg3[%mul3A_846] : memref<160000xi32, #tpu.memory_space<hbm>> -> memref<128xi32, #tpu.memory_space<hbm>>
      %dma_start3A_847 = tpu.memref_slice %arg3[%mul3A_846] : memref<160000xi32, #tpu.memory_space<hbm>> -> memref<128xi32, #tpu.memory_space<hbm>>
      tpu.enqueue_dma source(%dma_start3A_847 : memref<128xi32, #tpu.memory_space<hbm>>) target(%arg9 : memref<128xi32, #tpu.memory_space<vmem>>) target_semaphore(%arg26 : memref<!tpu.dma_semaphore, #tpu.memory_space<semaphore_mem>>)
      %mul3A_848 = arith.constant 128 : i32
      %mul3A_849 = arith.muli %add3A_844, %mul3A_848 : i32
      %dma_start3A_850 = arith.constant 0 : i32
      %dma_start3A_851 = tpu.memref_slice %arg2[%mul3A_849, %dma_start3A_850] : memref<160000x8xf32, #tpu.memory_space<hbm>> -> memref<128x8xf32, #tpu.memory_space<hbm>>
      %dma_start3A_852 = arith.constant 0 : i32
      %dma_start3A_853 = tpu.memref_slice %arg2[%mul3A_849, %dma_start3A_852] : memref<160000x8xf32, #tpu.memory_space<hbm>> -> memref<128x8xf32, #tpu.memory_space<hbm>>
      tpu.enqueue_dma source(%dma_start3A_853 : memref<128x8xf32, #tpu.memory_space<hbm>>) target(%arg17 : memref<128x8xf32, #tpu.memory_space<vmem>>) target_semaphore(%arg26 : memref<!tpu.dma_semaphore, #tpu.memory_space<semaphore_mem>>)
    } else {
    }
    %add3A_310 = arith.constant 12 : i32
    %add3A_311 = arith.addi %mul3A_2, %add3A_310 : i32
    %lt3A_312 = arith.constant 1250 : i32
    %lt3A_313 = arith.cmpi slt, %add3A_311, %lt3A_312 : i32
    %convert_element_type3A_314 = arith.extui %lt3A_313 : i1 to i32
    %cond3A_315 = arith.constant 0 : i32
    %cond3A_316 = arith.cmpi ne, %convert_element_type3A_314, %cond3A_315 : i32
    scf.if %cond3A_316 {
      %add3A_843 = arith.constant 12 : i32
      %add3A_844 = arith.addi %mul3A_2, %add3A_843 : i32
      %mul3A_845 = arith.constant 128 : i32
      %mul3A_846 = arith.muli %add3A_844, %mul3A_845 : i32
      %dma_wait3A = tpu.memref_slice %arg3[%mul3A_846] : memref<160000xi32, #tpu.memory_space<hbm>> -> memref<128xi32, #tpu.memory_space<hbm>>
      %dma_wait3A_847 = tpu.memref_slice %arg3[%mul3A_846] : memref<160000xi32, #tpu.memory_space<hbm>> -> memref<128xi32, #tpu.memory_space<hbm>>
      tpu.wait_dma2 semaphore(%arg27 : memref<!tpu.dma_semaphore, #tpu.memory_space<semaphore_mem>>) src(%dma_wait3A_847 : memref<128xi32, #tpu.memory_space<hbm>>) dst(%arg10 : memref<128xi32, #tpu.memory_space<vmem>>)
      %mul3A_848 = arith.constant 128 : i32
      %mul3A_849 = arith.muli %add3A_844, %mul3A_848 : i32
      %dma_wait3A_850 = arith.constant 0 : i32
      %dma_wait3A_851 = tpu.memref_slice %arg2[%mul3A_849, %dma_wait3A_850] : memref<160000x8xf32, #tpu.memory_space<hbm>> -> memref<128x8xf32, #tpu.memory_space<hbm>>
      %dma_wait3A_852 = arith.constant 0 : i32
      %dma_wait3A_853 = tpu.memref_slice %arg2[%mul3A_849, %dma_wait3A_852] : memref<160000x8xf32, #tpu.memory_space<hbm>> -> memref<128x8xf32, #tpu.memory_space<hbm>>
      tpu.wait_dma2 semaphore(%arg27 : memref<!tpu.dma_semaphore, #tpu.memory_space<semaphore_mem>>) src(%dma_wait3A_853 : memref<128x8xf32, #tpu.memory_space<hbm>>) dst(%arg18 : memref<128x8xf32, #tpu.memory_space<vmem>>)
      %dma_start3A = arith.constant 0 : i32
      %dma_start3A_854 = arith.constant 0 : i32
      %dma_start3A_855 = tpu.memref_slice %arg22[%dma_start3A, %dma_start3A_854] : memref<10112x8xf32, #tpu.memory_space<vmem_shared>> -> memref<10112x8xf32, #tpu.memory_space<vmem_shared>>
      tpu.enqueue_indirect_dma source(%arg18 : memref<128x8xf32, #tpu.memory_space<vmem>>) target(%dma_start3A_855 : memref<10112x8xf32, #tpu.memory_space<vmem_shared>>) offsets(%arg10 : memref<128xi32, #tpu.memory_space<vmem>>) semaphore(%arg35 : memref<!tpu.dma_semaphore, #tpu.memory_space<semaphore_mem>>) {add = true}
    } else {
    }
    %add3A_317 = arith.constant 13 : i32
    %add3A_318 = arith.addi %mul3A_2, %add3A_317 : i32
    %lt3A_319 = arith.constant 1250 : i32
    %lt3A_320 = arith.cmpi slt, %add3A_318, %lt3A_319 : i32
    %convert_element_type3A_321 = arith.extui %lt3A_320 : i1 to i32
    %cond3A_322 = arith.constant 0 : i32
    %cond3A_323 = arith.cmpi ne, %convert_element_type3A_321, %cond3A_322 : i32
    scf.if %cond3A_323 {
      %add3A_843 = arith.constant 13 : i32
      %add3A_844 = arith.addi %mul3A_2, %add3A_843 : i32
      %mul3A_845 = arith.constant 128 : i32
      %mul3A_846 = arith.muli %add3A_844, %mul3A_845 : i32
      %dma_wait3A = tpu.memref_slice %arg3[%mul3A_846] : memref<160000xi32, #tpu.memory_space<hbm>> -> memref<128xi32, #tpu.memory_space<hbm>>
      %dma_wait3A_847 = tpu.memref_slice %arg3[%mul3A_846] : memref<160000xi32, #tpu.memory_space<hbm>> -> memref<128xi32, #tpu.memory_space<hbm>>
      tpu.wait_dma2 semaphore(%arg28 : memref<!tpu.dma_semaphore, #tpu.memory_space<semaphore_mem>>) src(%dma_wait3A_847 : memref<128xi32, #tpu.memory_space<hbm>>) dst(%arg11 : memref<128xi32, #tpu.memory_space<vmem>>)
      %mul3A_848 = arith.constant 128 : i32
      %mul3A_849 = arith.muli %add3A_844, %mul3A_848 : i32
      %dma_wait3A_850 = arith.constant 0 : i32
      %dma_wait3A_851 = tpu.memref_slice %arg2[%mul3A_849, %dma_wait3A_850] : memref<160000x8xf32, #tpu.memory_space<hbm>> -> memref<128x8xf32, #tpu.memory_space<hbm>>
      %dma_wait3A_852 = arith.constant 0 : i32
      %dma_wait3A_853 = tpu.memref_slice %arg2[%mul3A_849, %dma_wait3A_852] : memref<160000x8xf32, #tpu.memory_space<hbm>> -> memref<128x8xf32, #tpu.memory_space<hbm>>
      tpu.wait_dma2 semaphore(%arg28 : memref<!tpu.dma_semaphore, #tpu.memory_space<semaphore_mem>>) src(%dma_wait3A_853 : memref<128x8xf32, #tpu.memory_space<hbm>>) dst(%arg19 : memref<128x8xf32, #tpu.memory_space<vmem>>)
      %dma_start3A = arith.constant 0 : i32
      %dma_start3A_854 = arith.constant 0 : i32
      %dma_start3A_855 = tpu.memref_slice %arg22[%dma_start3A, %dma_start3A_854] : memref<10112x8xf32, #tpu.memory_space<vmem_shared>> -> memref<10112x8xf32, #tpu.memory_space<vmem_shared>>
      tpu.enqueue_indirect_dma source(%arg19 : memref<128x8xf32, #tpu.memory_space<vmem>>) target(%dma_start3A_855 : memref<10112x8xf32, #tpu.memory_space<vmem_shared>>) offsets(%arg11 : memref<128xi32, #tpu.memory_space<vmem>>) semaphore(%arg36 : memref<!tpu.dma_semaphore, #tpu.memory_space<semaphore_mem>>) {add = true}
    } else {
    }
    %add3A_324 = arith.constant 14 : i32
    %add3A_325 = arith.addi %mul3A_2, %add3A_324 : i32
    %lt3A_326 = arith.constant 1250 : i32
    %lt3A_327 = arith.cmpi slt, %add3A_325, %lt3A_326 : i32
    %convert_element_type3A_328 = arith.extui %lt3A_327 : i1 to i32
    %cond3A_329 = arith.constant 0 : i32
    %cond3A_330 = arith.cmpi ne, %convert_element_type3A_328, %cond3A_329 : i32
    scf.if %cond3A_330 {
      %add3A_843 = arith.constant 14 : i32
      %add3A_844 = arith.addi %mul3A_2, %add3A_843 : i32
      %mul3A_845 = arith.constant 128 : i32
      %mul3A_846 = arith.muli %add3A_844, %mul3A_845 : i32
      %dma_wait3A = tpu.memref_slice %arg3[%mul3A_846] : memref<160000xi32, #tpu.memory_space<hbm>> -> memref<128xi32, #tpu.memory_space<hbm>>
      %dma_wait3A_847 = tpu.memref_slice %arg3[%mul3A_846] : memref<160000xi32, #tpu.memory_space<hbm>> -> memref<128xi32, #tpu.memory_space<hbm>>
      tpu.wait_dma2 semaphore(%arg29 : memref<!tpu.dma_semaphore, #tpu.memory_space<semaphore_mem>>) src(%dma_wait3A_847 : memref<128xi32, #tpu.memory_space<hbm>>) dst(%arg12 : memref<128xi32, #tpu.memory_space<vmem>>)
      %mul3A_848 = arith.constant 128 : i32
      %mul3A_849 = arith.muli %add3A_844, %mul3A_848 : i32
      %dma_wait3A_850 = arith.constant 0 : i32
      %dma_wait3A_851 = tpu.memref_slice %arg2[%mul3A_849, %dma_wait3A_850] : memref<160000x8xf32, #tpu.memory_space<hbm>> -> memref<128x8xf32, #tpu.memory_space<hbm>>
      %dma_wait3A_852 = arith.constant 0 : i32
      %dma_wait3A_853 = tpu.memref_slice %arg2[%mul3A_849, %dma_wait3A_852] : memref<160000x8xf32, #tpu.memory_space<hbm>> -> memref<128x8xf32, #tpu.memory_space<hbm>>
      tpu.wait_dma2 semaphore(%arg29 : memref<!tpu.dma_semaphore, #tpu.memory_space<semaphore_mem>>) src(%dma_wait3A_853 : memref<128x8xf32, #tpu.memory_space<hbm>>) dst(%arg20 : memref<128x8xf32, #tpu.memory_space<vmem>>)
      %dma_start3A = arith.constant 0 : i32
      %dma_start3A_854 = arith.constant 0 : i32
      %dma_start3A_855 = tpu.memref_slice %arg22[%dma_start3A, %dma_start3A_854] : memref<10112x8xf32, #tpu.memory_space<vmem_shared>> -> memref<10112x8xf32, #tpu.memory_space<vmem_shared>>
      tpu.enqueue_indirect_dma source(%arg20 : memref<128x8xf32, #tpu.memory_space<vmem>>) target(%dma_start3A_855 : memref<10112x8xf32, #tpu.memory_space<vmem_shared>>) offsets(%arg12 : memref<128xi32, #tpu.memory_space<vmem>>) semaphore(%arg37 : memref<!tpu.dma_semaphore, #tpu.memory_space<semaphore_mem>>) {add = true}
    } else {
    }
    %add3A_331 = arith.constant 15 : i32
    %add3A_332 = arith.addi %mul3A_2, %add3A_331 : i32
    %lt3A_333 = arith.constant 1250 : i32
    %lt3A_334 = arith.cmpi slt, %add3A_332, %lt3A_333 : i32
    %convert_element_type3A_335 = arith.extui %lt3A_334 : i1 to i32
    %cond3A_336 = arith.constant 0 : i32
    %cond3A_337 = arith.cmpi ne, %convert_element_type3A_335, %cond3A_336 : i32
    scf.if %cond3A_337 {
      %add3A_843 = arith.constant 15 : i32
      %add3A_844 = arith.addi %mul3A_2, %add3A_843 : i32
      %mul3A_845 = arith.constant 128 : i32
      %mul3A_846 = arith.muli %add3A_844, %mul3A_845 : i32
      %dma_wait3A = tpu.memref_slice %arg3[%mul3A_846] : memref<160000xi32, #tpu.memory_space<hbm>> -> memref<128xi32, #tpu.memory_space<hbm>>
      %dma_wait3A_847 = tpu.memref_slice %arg3[%mul3A_846] : memref<160000xi32, #tpu.memory_space<hbm>> -> memref<128xi32, #tpu.memory_space<hbm>>
      tpu.wait_dma2 semaphore(%arg30 : memref<!tpu.dma_semaphore, #tpu.memory_space<semaphore_mem>>) src(%dma_wait3A_847 : memref<128xi32, #tpu.memory_space<hbm>>) dst(%arg13 : memref<128xi32, #tpu.memory_space<vmem>>)
      %mul3A_848 = arith.constant 128 : i32
      %mul3A_849 = arith.muli %add3A_844, %mul3A_848 : i32
      %dma_wait3A_850 = arith.constant 0 : i32
      %dma_wait3A_851 = tpu.memref_slice %arg2[%mul3A_849, %dma_wait3A_850] : memref<160000x8xf32, #tpu.memory_space<hbm>> -> memref<128x8xf32, #tpu.memory_space<hbm>>
      %dma_wait3A_852 = arith.constant 0 : i32
      %dma_wait3A_853 = tpu.memref_slice %arg2[%mul3A_849, %dma_wait3A_852] : memref<160000x8xf32, #tpu.memory_space<hbm>> -> memref<128x8xf32, #tpu.memory_space<hbm>>
      tpu.wait_dma2 semaphore(%arg30 : memref<!tpu.dma_semaphore, #tpu.memory_space<semaphore_mem>>) src(%dma_wait3A_853 : memref<128x8xf32, #tpu.memory_space<hbm>>) dst(%arg21 : memref<128x8xf32, #tpu.memory_space<vmem>>)
      %dma_start3A = arith.constant 0 : i32
      %dma_start3A_854 = arith.constant 0 : i32
      %dma_start3A_855 = tpu.memref_slice %arg22[%dma_start3A, %dma_start3A_854] : memref<10112x8xf32, #tpu.memory_space<vmem_shared>> -> memref<10112x8xf32, #tpu.memory_space<vmem_shared>>
      tpu.enqueue_indirect_dma source(%arg21 : memref<128x8xf32, #tpu.memory_space<vmem>>) target(%dma_start3A_855 : memref<10112x8xf32, #tpu.memory_space<vmem_shared>>) offsets(%arg13 : memref<128xi32, #tpu.memory_space<vmem>>) semaphore(%arg38 : memref<!tpu.dma_semaphore, #tpu.memory_space<semaphore_mem>>) {add = true}
    } else {
    }
    %add3A_338 = arith.constant 12 : i32
    %add3A_339 = arith.addi %mul3A_2, %add3A_338 : i32
    %lt3A_340 = arith.constant 1250 : i32
    %lt3A_341 = arith.cmpi slt, %add3A_339, %lt3A_340 : i32
    %convert_element_type3A_342 = arith.extui %lt3A_341 : i1 to i32
    %cond3A_343 = arith.constant 0 : i32
    %cond3A_344 = arith.cmpi ne, %convert_element_type3A_342, %cond3A_343 : i32
    scf.if %cond3A_344 {
      %dma_wait3A = arith.constant 0 : i32
      %dma_wait3A_843 = arith.constant 0 : i32
      %dma_wait3A_844 = tpu.memref_slice %arg22[%dma_wait3A, %dma_wait3A_843] : memref<10112x8xf32, #tpu.memory_space<vmem_shared>> -> memref<10112x8xf32, #tpu.memory_space<vmem_shared>>
      tpu.wait_indirect_dma semaphore(%arg35 : memref<!tpu.dma_semaphore, #tpu.memory_space<semaphore_mem>>) src(%arg18 : memref<128x8xf32, #tpu.memory_space<vmem>>) dst(%dma_wait3A_844 : memref<10112x8xf32, #tpu.memory_space<vmem_shared>>)
    } else {
    }
    %add3A_345 = arith.constant 13 : i32
    %add3A_346 = arith.addi %mul3A_2, %add3A_345 : i32
    %lt3A_347 = arith.constant 1250 : i32
    %lt3A_348 = arith.cmpi slt, %add3A_346, %lt3A_347 : i32
    %convert_element_type3A_349 = arith.extui %lt3A_348 : i1 to i32
    %cond3A_350 = arith.constant 0 : i32
    %cond3A_351 = arith.cmpi ne, %convert_element_type3A_349, %cond3A_350 : i32
    scf.if %cond3A_351 {
      %dma_wait3A = arith.constant 0 : i32
      %dma_wait3A_843 = arith.constant 0 : i32
      %dma_wait3A_844 = tpu.memref_slice %arg22[%dma_wait3A, %dma_wait3A_843] : memref<10112x8xf32, #tpu.memory_space<vmem_shared>> -> memref<10112x8xf32, #tpu.memory_space<vmem_shared>>
      tpu.wait_indirect_dma semaphore(%arg36 : memref<!tpu.dma_semaphore, #tpu.memory_space<semaphore_mem>>) src(%arg19 : memref<128x8xf32, #tpu.memory_space<vmem>>) dst(%dma_wait3A_844 : memref<10112x8xf32, #tpu.memory_space<vmem_shared>>)
    } else {
    }
    %add3A_352 = arith.constant 14 : i32
    %add3A_353 = arith.addi %mul3A_2, %add3A_352 : i32
    %lt3A_354 = arith.constant 1250 : i32
    %lt3A_355 = arith.cmpi slt, %add3A_353, %lt3A_354 : i32
    %convert_element_type3A_356 = arith.extui %lt3A_355 : i1 to i32
    %cond3A_357 = arith.constant 0 : i32
    %cond3A_358 = arith.cmpi ne, %convert_element_type3A_356, %cond3A_357 : i32
    scf.if %cond3A_358 {
      %dma_wait3A = arith.constant 0 : i32
      %dma_wait3A_843 = arith.constant 0 : i32
      %dma_wait3A_844 = tpu.memref_slice %arg22[%dma_wait3A, %dma_wait3A_843] : memref<10112x8xf32, #tpu.memory_space<vmem_shared>> -> memref<10112x8xf32, #tpu.memory_space<vmem_shared>>
      tpu.wait_indirect_dma semaphore(%arg37 : memref<!tpu.dma_semaphore, #tpu.memory_space<semaphore_mem>>) src(%arg20 : memref<128x8xf32, #tpu.memory_space<vmem>>) dst(%dma_wait3A_844 : memref<10112x8xf32, #tpu.memory_space<vmem_shared>>)
    } else {
    }
    %add3A_359 = arith.constant 15 : i32
    %add3A_360 = arith.addi %mul3A_2, %add3A_359 : i32
    %lt3A_361 = arith.constant 1250 : i32
    %lt3A_362 = arith.cmpi slt, %add3A_360, %lt3A_361 : i32
    %convert_element_type3A_363 = arith.extui %lt3A_362 : i1 to i32
    %cond3A_364 = arith.constant 0 : i32
    %cond3A_365 = arith.cmpi ne, %convert_element_type3A_363, %cond3A_364 : i32
    scf.if %cond3A_365 {
      %dma_wait3A = arith.constant 0 : i32
      %dma_wait3A_843 = arith.constant 0 : i32
      %dma_wait3A_844 = tpu.memref_slice %arg22[%dma_wait3A, %dma_wait3A_843] : memref<10112x8xf32, #tpu.memory_space<vmem_shared>> -> memref<10112x8xf32, #tpu.memory_space<vmem_shared>>
      tpu.wait_indirect_dma semaphore(%arg38 : memref<!tpu.dma_semaphore, #tpu.memory_space<semaphore_mem>>) src(%arg21 : memref<128x8xf32, #tpu.memory_space<vmem>>) dst(%dma_wait3A_844 : memref<10112x8xf32, #tpu.memory_space<vmem_shared>>)
    } else {
    }
    %add3A_366 = arith.constant 20 : i32
    %add3A_367 = arith.addi %mul3A_2, %add3A_366 : i32
    %lt3A_368 = arith.constant 1250 : i32
    %lt3A_369 = arith.cmpi slt, %add3A_367, %lt3A_368 : i32
    %convert_element_type3A_370 = arith.extui %lt3A_369 : i1 to i32
    %cond3A_371 = arith.constant 0 : i32
    %cond3A_372 = arith.cmpi ne, %convert_element_type3A_370, %cond3A_371 : i32
    scf.if %cond3A_372 {
      %add3A_843 = arith.constant 20 : i32
      %add3A_844 = arith.addi %mul3A_2, %add3A_843 : i32
      %mul3A_845 = arith.constant 128 : i32
      %mul3A_846 = arith.muli %add3A_844, %mul3A_845 : i32
      %dma_start3A = tpu.memref_slice %arg3[%mul3A_846] : memref<160000xi32, #tpu.memory_space<hbm>> -> memref<128xi32, #tpu.memory_space<hbm>>
      %dma_start3A_847 = tpu.memref_slice %arg3[%mul3A_846] : memref<160000xi32, #tpu.memory_space<hbm>> -> memref<128xi32, #tpu.memory_space<hbm>>
      tpu.enqueue_dma source(%dma_start3A_847 : memref<128xi32, #tpu.memory_space<hbm>>) target(%arg10 : memref<128xi32, #tpu.memory_space<vmem>>) target_semaphore(%arg27 : memref<!tpu.dma_semaphore, #tpu.memory_space<semaphore_mem>>)
      %mul3A_848 = arith.constant 128 : i32
      %mul3A_849 = arith.muli %add3A_844, %mul3A_848 : i32
      %dma_start3A_850 = arith.constant 0 : i32
      %dma_start3A_851 = tpu.memref_slice %arg2[%mul3A_849, %dma_start3A_850] : memref<160000x8xf32, #tpu.memory_space<hbm>> -> memref<128x8xf32, #tpu.memory_space<hbm>>
      %dma_start3A_852 = arith.constant 0 : i32
      %dma_start3A_853 = tpu.memref_slice %arg2[%mul3A_849, %dma_start3A_852] : memref<160000x8xf32, #tpu.memory_space<hbm>> -> memref<128x8xf32, #tpu.memory_space<hbm>>
      tpu.enqueue_dma source(%dma_start3A_853 : memref<128x8xf32, #tpu.memory_space<hbm>>) target(%arg18 : memref<128x8xf32, #tpu.memory_space<vmem>>) target_semaphore(%arg27 : memref<!tpu.dma_semaphore, #tpu.memory_space<semaphore_mem>>)
    } else {
    }
    %add3A_373 = arith.constant 21 : i32
    %add3A_374 = arith.addi %mul3A_2, %add3A_373 : i32
    %lt3A_375 = arith.constant 1250 : i32
    %lt3A_376 = arith.cmpi slt, %add3A_374, %lt3A_375 : i32
    %convert_element_type3A_377 = arith.extui %lt3A_376 : i1 to i32
    %cond3A_378 = arith.constant 0 : i32
    %cond3A_379 = arith.cmpi ne, %convert_element_type3A_377, %cond3A_378 : i32
    scf.if %cond3A_379 {
      %add3A_843 = arith.constant 21 : i32
      %add3A_844 = arith.addi %mul3A_2, %add3A_843 : i32
      %mul3A_845 = arith.constant 128 : i32
      %mul3A_846 = arith.muli %add3A_844, %mul3A_845 : i32
      %dma_start3A = tpu.memref_slice %arg3[%mul3A_846] : memref<160000xi32, #tpu.memory_space<hbm>> -> memref<128xi32, #tpu.memory_space<hbm>>
      %dma_start3A_847 = tpu.memref_slice %arg3[%mul3A_846] : memref<160000xi32, #tpu.memory_space<hbm>> -> memref<128xi32, #tpu.memory_space<hbm>>
      tpu.enqueue_dma source(%dma_start3A_847 : memref<128xi32, #tpu.memory_space<hbm>>) target(%arg11 : memref<128xi32, #tpu.memory_space<vmem>>) target_semaphore(%arg28 : memref<!tpu.dma_semaphore, #tpu.memory_space<semaphore_mem>>)
      %mul3A_848 = arith.constant 128 : i32
      %mul3A_849 = arith.muli %add3A_844, %mul3A_848 : i32
      %dma_start3A_850 = arith.constant 0 : i32
      %dma_start3A_851 = tpu.memref_slice %arg2[%mul3A_849, %dma_start3A_850] : memref<160000x8xf32, #tpu.memory_space<hbm>> -> memref<128x8xf32, #tpu.memory_space<hbm>>
      %dma_start3A_852 = arith.constant 0 : i32
      %dma_start3A_853 = tpu.memref_slice %arg2[%mul3A_849, %dma_start3A_852] : memref<160000x8xf32, #tpu.memory_space<hbm>> -> memref<128x8xf32, #tpu.memory_space<hbm>>
      tpu.enqueue_dma source(%dma_start3A_853 : memref<128x8xf32, #tpu.memory_space<hbm>>) target(%arg19 : memref<128x8xf32, #tpu.memory_space<vmem>>) target_semaphore(%arg28 : memref<!tpu.dma_semaphore, #tpu.memory_space<semaphore_mem>>)
    } else {
    }
    %add3A_380 = arith.constant 22 : i32
    %add3A_381 = arith.addi %mul3A_2, %add3A_380 : i32
    %lt3A_382 = arith.constant 1250 : i32
    %lt3A_383 = arith.cmpi slt, %add3A_381, %lt3A_382 : i32
    %convert_element_type3A_384 = arith.extui %lt3A_383 : i1 to i32
    %cond3A_385 = arith.constant 0 : i32
    %cond3A_386 = arith.cmpi ne, %convert_element_type3A_384, %cond3A_385 : i32
    scf.if %cond3A_386 {
      %add3A_843 = arith.constant 22 : i32
      %add3A_844 = arith.addi %mul3A_2, %add3A_843 : i32
      %mul3A_845 = arith.constant 128 : i32
      %mul3A_846 = arith.muli %add3A_844, %mul3A_845 : i32
      %dma_start3A = tpu.memref_slice %arg3[%mul3A_846] : memref<160000xi32, #tpu.memory_space<hbm>> -> memref<128xi32, #tpu.memory_space<hbm>>
      %dma_start3A_847 = tpu.memref_slice %arg3[%mul3A_846] : memref<160000xi32, #tpu.memory_space<hbm>> -> memref<128xi32, #tpu.memory_space<hbm>>
      tpu.enqueue_dma source(%dma_start3A_847 : memref<128xi32, #tpu.memory_space<hbm>>) target(%arg12 : memref<128xi32, #tpu.memory_space<vmem>>) target_semaphore(%arg29 : memref<!tpu.dma_semaphore, #tpu.memory_space<semaphore_mem>>)
      %mul3A_848 = arith.constant 128 : i32
      %mul3A_849 = arith.muli %add3A_844, %mul3A_848 : i32
      %dma_start3A_850 = arith.constant 0 : i32
      %dma_start3A_851 = tpu.memref_slice %arg2[%mul3A_849, %dma_start3A_850] : memref<160000x8xf32, #tpu.memory_space<hbm>> -> memref<128x8xf32, #tpu.memory_space<hbm>>
      %dma_start3A_852 = arith.constant 0 : i32
      %dma_start3A_853 = tpu.memref_slice %arg2[%mul3A_849, %dma_start3A_852] : memref<160000x8xf32, #tpu.memory_space<hbm>> -> memref<128x8xf32, #tpu.memory_space<hbm>>
      tpu.enqueue_dma source(%dma_start3A_853 : memref<128x8xf32, #tpu.memory_space<hbm>>) target(%arg20 : memref<128x8xf32, #tpu.memory_space<vmem>>) target_semaphore(%arg29 : memref<!tpu.dma_semaphore, #tpu.memory_space<semaphore_mem>>)
    } else {
    }
    %add3A_387 = arith.constant 23 : i32
    %add3A_388 = arith.addi %mul3A_2, %add3A_387 : i32
    %lt3A_389 = arith.constant 1250 : i32
    %lt3A_390 = arith.cmpi slt, %add3A_388, %lt3A_389 : i32
    %convert_element_type3A_391 = arith.extui %lt3A_390 : i1 to i32
    %cond3A_392 = arith.constant 0 : i32
    %cond3A_393 = arith.cmpi ne, %convert_element_type3A_391, %cond3A_392 : i32
    scf.if %cond3A_393 {
      %add3A_843 = arith.constant 23 : i32
      %add3A_844 = arith.addi %mul3A_2, %add3A_843 : i32
      %mul3A_845 = arith.constant 128 : i32
      %mul3A_846 = arith.muli %add3A_844, %mul3A_845 : i32
      %dma_start3A = tpu.memref_slice %arg3[%mul3A_846] : memref<160000xi32, #tpu.memory_space<hbm>> -> memref<128xi32, #tpu.memory_space<hbm>>
      %dma_start3A_847 = tpu.memref_slice %arg3[%mul3A_846] : memref<160000xi32, #tpu.memory_space<hbm>> -> memref<128xi32, #tpu.memory_space<hbm>>
      tpu.enqueue_dma source(%dma_start3A_847 : memref<128xi32, #tpu.memory_space<hbm>>) target(%arg13 : memref<128xi32, #tpu.memory_space<vmem>>) target_semaphore(%arg30 : memref<!tpu.dma_semaphore, #tpu.memory_space<semaphore_mem>>)
      %mul3A_848 = arith.constant 128 : i32
      %mul3A_849 = arith.muli %add3A_844, %mul3A_848 : i32
      %dma_start3A_850 = arith.constant 0 : i32
      %dma_start3A_851 = tpu.memref_slice %arg2[%mul3A_849, %dma_start3A_850] : memref<160000x8xf32, #tpu.memory_space<hbm>> -> memref<128x8xf32, #tpu.memory_space<hbm>>
      %dma_start3A_852 = arith.constant 0 : i32
      %dma_start3A_853 = tpu.memref_slice %arg2[%mul3A_849, %dma_start3A_852] : memref<160000x8xf32, #tpu.memory_space<hbm>> -> memref<128x8xf32, #tpu.memory_space<hbm>>
      tpu.enqueue_dma source(%dma_start3A_853 : memref<128x8xf32, #tpu.memory_space<hbm>>) target(%arg21 : memref<128x8xf32, #tpu.memory_space<vmem>>) target_semaphore(%arg30 : memref<!tpu.dma_semaphore, #tpu.memory_space<semaphore_mem>>)
    } else {
    }
    %add3A_394 = arith.constant 16 : i32
    %add3A_395 = arith.addi %mul3A_2, %add3A_394 : i32
    %lt3A_396 = arith.constant 1250 : i32
    %lt3A_397 = arith.cmpi slt, %add3A_395, %lt3A_396 : i32
    %convert_element_type3A_398 = arith.extui %lt3A_397 : i1 to i32
    %cond3A_399 = arith.constant 0 : i32
    %cond3A_400 = arith.cmpi ne, %convert_element_type3A_398, %cond3A_399 : i32
    scf.if %cond3A_400 {
      %add3A_843 = arith.constant 16 : i32
      %add3A_844 = arith.addi %mul3A_2, %add3A_843 : i32
      %mul3A_845 = arith.constant 128 : i32
      %mul3A_846 = arith.muli %add3A_844, %mul3A_845 : i32
      %dma_wait3A = tpu.memref_slice %arg3[%mul3A_846] : memref<160000xi32, #tpu.memory_space<hbm>> -> memref<128xi32, #tpu.memory_space<hbm>>
      %dma_wait3A_847 = tpu.memref_slice %arg3[%mul3A_846] : memref<160000xi32, #tpu.memory_space<hbm>> -> memref<128xi32, #tpu.memory_space<hbm>>
      tpu.wait_dma2 semaphore(%arg23 : memref<!tpu.dma_semaphore, #tpu.memory_space<semaphore_mem>>) src(%dma_wait3A_847 : memref<128xi32, #tpu.memory_space<hbm>>) dst(%arg6 : memref<128xi32, #tpu.memory_space<vmem>>)
      %mul3A_848 = arith.constant 128 : i32
      %mul3A_849 = arith.muli %add3A_844, %mul3A_848 : i32
      %dma_wait3A_850 = arith.constant 0 : i32
      %dma_wait3A_851 = tpu.memref_slice %arg2[%mul3A_849, %dma_wait3A_850] : memref<160000x8xf32, #tpu.memory_space<hbm>> -> memref<128x8xf32, #tpu.memory_space<hbm>>
      %dma_wait3A_852 = arith.constant 0 : i32
      %dma_wait3A_853 = tpu.memref_slice %arg2[%mul3A_849, %dma_wait3A_852] : memref<160000x8xf32, #tpu.memory_space<hbm>> -> memref<128x8xf32, #tpu.memory_space<hbm>>
      tpu.wait_dma2 semaphore(%arg23 : memref<!tpu.dma_semaphore, #tpu.memory_space<semaphore_mem>>) src(%dma_wait3A_853 : memref<128x8xf32, #tpu.memory_space<hbm>>) dst(%arg14 : memref<128x8xf32, #tpu.memory_space<vmem>>)
      %dma_start3A = arith.constant 0 : i32
      %dma_start3A_854 = arith.constant 0 : i32
      %dma_start3A_855 = tpu.memref_slice %arg22[%dma_start3A, %dma_start3A_854] : memref<10112x8xf32, #tpu.memory_space<vmem_shared>> -> memref<10112x8xf32, #tpu.memory_space<vmem_shared>>
      tpu.enqueue_indirect_dma source(%arg14 : memref<128x8xf32, #tpu.memory_space<vmem>>) target(%dma_start3A_855 : memref<10112x8xf32, #tpu.memory_space<vmem_shared>>) offsets(%arg6 : memref<128xi32, #tpu.memory_space<vmem>>) semaphore(%arg31 : memref<!tpu.dma_semaphore, #tpu.memory_space<semaphore_mem>>) {add = true}
    } else {
    }
    %add3A_401 = arith.constant 17 : i32
    %add3A_402 = arith.addi %mul3A_2, %add3A_401 : i32
    %lt3A_403 = arith.constant 1250 : i32
    %lt3A_404 = arith.cmpi slt, %add3A_402, %lt3A_403 : i32
    %convert_element_type3A_405 = arith.extui %lt3A_404 : i1 to i32
    %cond3A_406 = arith.constant 0 : i32
    %cond3A_407 = arith.cmpi ne, %convert_element_type3A_405, %cond3A_406 : i32
    scf.if %cond3A_407 {
      %add3A_843 = arith.constant 17 : i32
      %add3A_844 = arith.addi %mul3A_2, %add3A_843 : i32
      %mul3A_845 = arith.constant 128 : i32
      %mul3A_846 = arith.muli %add3A_844, %mul3A_845 : i32
      %dma_wait3A = tpu.memref_slice %arg3[%mul3A_846] : memref<160000xi32, #tpu.memory_space<hbm>> -> memref<128xi32, #tpu.memory_space<hbm>>
      %dma_wait3A_847 = tpu.memref_slice %arg3[%mul3A_846] : memref<160000xi32, #tpu.memory_space<hbm>> -> memref<128xi32, #tpu.memory_space<hbm>>
      tpu.wait_dma2 semaphore(%arg24 : memref<!tpu.dma_semaphore, #tpu.memory_space<semaphore_mem>>) src(%dma_wait3A_847 : memref<128xi32, #tpu.memory_space<hbm>>) dst(%arg7 : memref<128xi32, #tpu.memory_space<vmem>>)
      %mul3A_848 = arith.constant 128 : i32
      %mul3A_849 = arith.muli %add3A_844, %mul3A_848 : i32
      %dma_wait3A_850 = arith.constant 0 : i32
      %dma_wait3A_851 = tpu.memref_slice %arg2[%mul3A_849, %dma_wait3A_850] : memref<160000x8xf32, #tpu.memory_space<hbm>> -> memref<128x8xf32, #tpu.memory_space<hbm>>
      %dma_wait3A_852 = arith.constant 0 : i32
      %dma_wait3A_853 = tpu.memref_slice %arg2[%mul3A_849, %dma_wait3A_852] : memref<160000x8xf32, #tpu.memory_space<hbm>> -> memref<128x8xf32, #tpu.memory_space<hbm>>
      tpu.wait_dma2 semaphore(%arg24 : memref<!tpu.dma_semaphore, #tpu.memory_space<semaphore_mem>>) src(%dma_wait3A_853 : memref<128x8xf32, #tpu.memory_space<hbm>>) dst(%arg15 : memref<128x8xf32, #tpu.memory_space<vmem>>)
      %dma_start3A = arith.constant 0 : i32
      %dma_start3A_854 = arith.constant 0 : i32
      %dma_start3A_855 = tpu.memref_slice %arg22[%dma_start3A, %dma_start3A_854] : memref<10112x8xf32, #tpu.memory_space<vmem_shared>> -> memref<10112x8xf32, #tpu.memory_space<vmem_shared>>
      tpu.enqueue_indirect_dma source(%arg15 : memref<128x8xf32, #tpu.memory_space<vmem>>) target(%dma_start3A_855 : memref<10112x8xf32, #tpu.memory_space<vmem_shared>>) offsets(%arg7 : memref<128xi32, #tpu.memory_space<vmem>>) semaphore(%arg32 : memref<!tpu.dma_semaphore, #tpu.memory_space<semaphore_mem>>) {add = true}
    } else {
    }
    %add3A_408 = arith.constant 18 : i32
    %add3A_409 = arith.addi %mul3A_2, %add3A_408 : i32
    %lt3A_410 = arith.constant 1250 : i32
    %lt3A_411 = arith.cmpi slt, %add3A_409, %lt3A_410 : i32
    %convert_element_type3A_412 = arith.extui %lt3A_411 : i1 to i32
    %cond3A_413 = arith.constant 0 : i32
    %cond3A_414 = arith.cmpi ne, %convert_element_type3A_412, %cond3A_413 : i32
    scf.if %cond3A_414 {
      %add3A_843 = arith.constant 18 : i32
      %add3A_844 = arith.addi %mul3A_2, %add3A_843 : i32
      %mul3A_845 = arith.constant 128 : i32
      %mul3A_846 = arith.muli %add3A_844, %mul3A_845 : i32
      %dma_wait3A = tpu.memref_slice %arg3[%mul3A_846] : memref<160000xi32, #tpu.memory_space<hbm>> -> memref<128xi32, #tpu.memory_space<hbm>>
      %dma_wait3A_847 = tpu.memref_slice %arg3[%mul3A_846] : memref<160000xi32, #tpu.memory_space<hbm>> -> memref<128xi32, #tpu.memory_space<hbm>>
      tpu.wait_dma2 semaphore(%arg25 : memref<!tpu.dma_semaphore, #tpu.memory_space<semaphore_mem>>) src(%dma_wait3A_847 : memref<128xi32, #tpu.memory_space<hbm>>) dst(%arg8 : memref<128xi32, #tpu.memory_space<vmem>>)
      %mul3A_848 = arith.constant 128 : i32
      %mul3A_849 = arith.muli %add3A_844, %mul3A_848 : i32
      %dma_wait3A_850 = arith.constant 0 : i32
      %dma_wait3A_851 = tpu.memref_slice %arg2[%mul3A_849, %dma_wait3A_850] : memref<160000x8xf32, #tpu.memory_space<hbm>> -> memref<128x8xf32, #tpu.memory_space<hbm>>
      %dma_wait3A_852 = arith.constant 0 : i32
      %dma_wait3A_853 = tpu.memref_slice %arg2[%mul3A_849, %dma_wait3A_852] : memref<160000x8xf32, #tpu.memory_space<hbm>> -> memref<128x8xf32, #tpu.memory_space<hbm>>
      tpu.wait_dma2 semaphore(%arg25 : memref<!tpu.dma_semaphore, #tpu.memory_space<semaphore_mem>>) src(%dma_wait3A_853 : memref<128x8xf32, #tpu.memory_space<hbm>>) dst(%arg16 : memref<128x8xf32, #tpu.memory_space<vmem>>)
      %dma_start3A = arith.constant 0 : i32
      %dma_start3A_854 = arith.constant 0 : i32
      %dma_start3A_855 = tpu.memref_slice %arg22[%dma_start3A, %dma_start3A_854] : memref<10112x8xf32, #tpu.memory_space<vmem_shared>> -> memref<10112x8xf32, #tpu.memory_space<vmem_shared>>
      tpu.enqueue_indirect_dma source(%arg16 : memref<128x8xf32, #tpu.memory_space<vmem>>) target(%dma_start3A_855 : memref<10112x8xf32, #tpu.memory_space<vmem_shared>>) offsets(%arg8 : memref<128xi32, #tpu.memory_space<vmem>>) semaphore(%arg33 : memref<!tpu.dma_semaphore, #tpu.memory_space<semaphore_mem>>) {add = true}
    } else {
    }
    %add3A_415 = arith.constant 19 : i32
    %add3A_416 = arith.addi %mul3A_2, %add3A_415 : i32
    %lt3A_417 = arith.constant 1250 : i32
    %lt3A_418 = arith.cmpi slt, %add3A_416, %lt3A_417 : i32
    %convert_element_type3A_419 = arith.extui %lt3A_418 : i1 to i32
    %cond3A_420 = arith.constant 0 : i32
    %cond3A_421 = arith.cmpi ne, %convert_element_type3A_419, %cond3A_420 : i32
    scf.if %cond3A_421 {
      %add3A_843 = arith.constant 19 : i32
      %add3A_844 = arith.addi %mul3A_2, %add3A_843 : i32
      %mul3A_845 = arith.constant 128 : i32
      %mul3A_846 = arith.muli %add3A_844, %mul3A_845 : i32
      %dma_wait3A = tpu.memref_slice %arg3[%mul3A_846] : memref<160000xi32, #tpu.memory_space<hbm>> -> memref<128xi32, #tpu.memory_space<hbm>>
      %dma_wait3A_847 = tpu.memref_slice %arg3[%mul3A_846] : memref<160000xi32, #tpu.memory_space<hbm>> -> memref<128xi32, #tpu.memory_space<hbm>>
      tpu.wait_dma2 semaphore(%arg26 : memref<!tpu.dma_semaphore, #tpu.memory_space<semaphore_mem>>) src(%dma_wait3A_847 : memref<128xi32, #tpu.memory_space<hbm>>) dst(%arg9 : memref<128xi32, #tpu.memory_space<vmem>>)
      %mul3A_848 = arith.constant 128 : i32
      %mul3A_849 = arith.muli %add3A_844, %mul3A_848 : i32
      %dma_wait3A_850 = arith.constant 0 : i32
      %dma_wait3A_851 = tpu.memref_slice %arg2[%mul3A_849, %dma_wait3A_850] : memref<160000x8xf32, #tpu.memory_space<hbm>> -> memref<128x8xf32, #tpu.memory_space<hbm>>
      %dma_wait3A_852 = arith.constant 0 : i32
      %dma_wait3A_853 = tpu.memref_slice %arg2[%mul3A_849, %dma_wait3A_852] : memref<160000x8xf32, #tpu.memory_space<hbm>> -> memref<128x8xf32, #tpu.memory_space<hbm>>
      tpu.wait_dma2 semaphore(%arg26 : memref<!tpu.dma_semaphore, #tpu.memory_space<semaphore_mem>>) src(%dma_wait3A_853 : memref<128x8xf32, #tpu.memory_space<hbm>>) dst(%arg17 : memref<128x8xf32, #tpu.memory_space<vmem>>)
      %dma_start3A = arith.constant 0 : i32
      %dma_start3A_854 = arith.constant 0 : i32
      %dma_start3A_855 = tpu.memref_slice %arg22[%dma_start3A, %dma_start3A_854] : memref<10112x8xf32, #tpu.memory_space<vmem_shared>> -> memref<10112x8xf32, #tpu.memory_space<vmem_shared>>
      tpu.enqueue_indirect_dma source(%arg17 : memref<128x8xf32, #tpu.memory_space<vmem>>) target(%dma_start3A_855 : memref<10112x8xf32, #tpu.memory_space<vmem_shared>>) offsets(%arg9 : memref<128xi32, #tpu.memory_space<vmem>>) semaphore(%arg34 : memref<!tpu.dma_semaphore, #tpu.memory_space<semaphore_mem>>) {add = true}
    } else {
    }
    %add3A_422 = arith.constant 16 : i32
    %add3A_423 = arith.addi %mul3A_2, %add3A_422 : i32
    %lt3A_424 = arith.constant 1250 : i32
    %lt3A_425 = arith.cmpi slt, %add3A_423, %lt3A_424 : i32
    %convert_element_type3A_426 = arith.extui %lt3A_425 : i1 to i32
    %cond3A_427 = arith.constant 0 : i32
    %cond3A_428 = arith.cmpi ne, %convert_element_type3A_426, %cond3A_427 : i32
    scf.if %cond3A_428 {
      %dma_wait3A = arith.constant 0 : i32
      %dma_wait3A_843 = arith.constant 0 : i32
      %dma_wait3A_844 = tpu.memref_slice %arg22[%dma_wait3A, %dma_wait3A_843] : memref<10112x8xf32, #tpu.memory_space<vmem_shared>> -> memref<10112x8xf32, #tpu.memory_space<vmem_shared>>
      tpu.wait_indirect_dma semaphore(%arg31 : memref<!tpu.dma_semaphore, #tpu.memory_space<semaphore_mem>>) src(%arg14 : memref<128x8xf32, #tpu.memory_space<vmem>>) dst(%dma_wait3A_844 : memref<10112x8xf32, #tpu.memory_space<vmem_shared>>)
    } else {
    }
    %add3A_429 = arith.constant 17 : i32
    %add3A_430 = arith.addi %mul3A_2, %add3A_429 : i32
    %lt3A_431 = arith.constant 1250 : i32
    %lt3A_432 = arith.cmpi slt, %add3A_430, %lt3A_431 : i32
    %convert_element_type3A_433 = arith.extui %lt3A_432 : i1 to i32
    %cond3A_434 = arith.constant 0 : i32
    %cond3A_435 = arith.cmpi ne, %convert_element_type3A_433, %cond3A_434 : i32
    scf.if %cond3A_435 {
      %dma_wait3A = arith.constant 0 : i32
      %dma_wait3A_843 = arith.constant 0 : i32
      %dma_wait3A_844 = tpu.memref_slice %arg22[%dma_wait3A, %dma_wait3A_843] : memref<10112x8xf32, #tpu.memory_space<vmem_shared>> -> memref<10112x8xf32, #tpu.memory_space<vmem_shared>>
      tpu.wait_indirect_dma semaphore(%arg32 : memref<!tpu.dma_semaphore, #tpu.memory_space<semaphore_mem>>) src(%arg15 : memref<128x8xf32, #tpu.memory_space<vmem>>) dst(%dma_wait3A_844 : memref<10112x8xf32, #tpu.memory_space<vmem_shared>>)
    } else {
    }
    %add3A_436 = arith.constant 18 : i32
    %add3A_437 = arith.addi %mul3A_2, %add3A_436 : i32
    %lt3A_438 = arith.constant 1250 : i32
    %lt3A_439 = arith.cmpi slt, %add3A_437, %lt3A_438 : i32
    %convert_element_type3A_440 = arith.extui %lt3A_439 : i1 to i32
    %cond3A_441 = arith.constant 0 : i32
    %cond3A_442 = arith.cmpi ne, %convert_element_type3A_440, %cond3A_441 : i32
    scf.if %cond3A_442 {
      %dma_wait3A = arith.constant 0 : i32
      %dma_wait3A_843 = arith.constant 0 : i32
      %dma_wait3A_844 = tpu.memref_slice %arg22[%dma_wait3A, %dma_wait3A_843] : memref<10112x8xf32, #tpu.memory_space<vmem_shared>> -> memref<10112x8xf32, #tpu.memory_space<vmem_shared>>
      tpu.wait_indirect_dma semaphore(%arg33 : memref<!tpu.dma_semaphore, #tpu.memory_space<semaphore_mem>>) src(%arg16 : memref<128x8xf32, #tpu.memory_space<vmem>>) dst(%dma_wait3A_844 : memref<10112x8xf32, #tpu.memory_space<vmem_shared>>)
    } else {
    }
    %add3A_443 = arith.constant 19 : i32
    %add3A_444 = arith.addi %mul3A_2, %add3A_443 : i32
    %lt3A_445 = arith.constant 1250 : i32
    %lt3A_446 = arith.cmpi slt, %add3A_444, %lt3A_445 : i32
    %convert_element_type3A_447 = arith.extui %lt3A_446 : i1 to i32
    %cond3A_448 = arith.constant 0 : i32
    %cond3A_449 = arith.cmpi ne, %convert_element_type3A_447, %cond3A_448 : i32
    scf.if %cond3A_449 {
      %dma_wait3A = arith.constant 0 : i32
      %dma_wait3A_843 = arith.constant 0 : i32
      %dma_wait3A_844 = tpu.memref_slice %arg22[%dma_wait3A, %dma_wait3A_843] : memref<10112x8xf32, #tpu.memory_space<vmem_shared>> -> memref<10112x8xf32, #tpu.memory_space<vmem_shared>>
      tpu.wait_indirect_dma semaphore(%arg34 : memref<!tpu.dma_semaphore, #tpu.memory_space<semaphore_mem>>) src(%arg17 : memref<128x8xf32, #tpu.memory_space<vmem>>) dst(%dma_wait3A_844 : memref<10112x8xf32, #tpu.memory_space<vmem_shared>>)
    } else {
    }
    %add3A_450 = arith.constant 24 : i32
    %add3A_451 = arith.addi %mul3A_2, %add3A_450 : i32
    %lt3A_452 = arith.constant 1250 : i32
    %lt3A_453 = arith.cmpi slt, %add3A_451, %lt3A_452 : i32
    %convert_element_type3A_454 = arith.extui %lt3A_453 : i1 to i32
    %cond3A_455 = arith.constant 0 : i32
    %cond3A_456 = arith.cmpi ne, %convert_element_type3A_454, %cond3A_455 : i32
    scf.if %cond3A_456 {
      %add3A_843 = arith.constant 24 : i32
      %add3A_844 = arith.addi %mul3A_2, %add3A_843 : i32
      %mul3A_845 = arith.constant 128 : i32
      %mul3A_846 = arith.muli %add3A_844, %mul3A_845 : i32
      %dma_start3A = tpu.memref_slice %arg3[%mul3A_846] : memref<160000xi32, #tpu.memory_space<hbm>> -> memref<128xi32, #tpu.memory_space<hbm>>
      %dma_start3A_847 = tpu.memref_slice %arg3[%mul3A_846] : memref<160000xi32, #tpu.memory_space<hbm>> -> memref<128xi32, #tpu.memory_space<hbm>>
      tpu.enqueue_dma source(%dma_start3A_847 : memref<128xi32, #tpu.memory_space<hbm>>) target(%arg6 : memref<128xi32, #tpu.memory_space<vmem>>) target_semaphore(%arg23 : memref<!tpu.dma_semaphore, #tpu.memory_space<semaphore_mem>>)
      %mul3A_848 = arith.constant 128 : i32
      %mul3A_849 = arith.muli %add3A_844, %mul3A_848 : i32
      %dma_start3A_850 = arith.constant 0 : i32
      %dma_start3A_851 = tpu.memref_slice %arg2[%mul3A_849, %dma_start3A_850] : memref<160000x8xf32, #tpu.memory_space<hbm>> -> memref<128x8xf32, #tpu.memory_space<hbm>>
      %dma_start3A_852 = arith.constant 0 : i32
      %dma_start3A_853 = tpu.memref_slice %arg2[%mul3A_849, %dma_start3A_852] : memref<160000x8xf32, #tpu.memory_space<hbm>> -> memref<128x8xf32, #tpu.memory_space<hbm>>
      tpu.enqueue_dma source(%dma_start3A_853 : memref<128x8xf32, #tpu.memory_space<hbm>>) target(%arg14 : memref<128x8xf32, #tpu.memory_space<vmem>>) target_semaphore(%arg23 : memref<!tpu.dma_semaphore, #tpu.memory_space<semaphore_mem>>)
    } else {
    }
    %add3A_457 = arith.constant 25 : i32
    %add3A_458 = arith.addi %mul3A_2, %add3A_457 : i32
    %lt3A_459 = arith.constant 1250 : i32
    %lt3A_460 = arith.cmpi slt, %add3A_458, %lt3A_459 : i32
    %convert_element_type3A_461 = arith.extui %lt3A_460 : i1 to i32
    %cond3A_462 = arith.constant 0 : i32
    %cond3A_463 = arith.cmpi ne, %convert_element_type3A_461, %cond3A_462 : i32
    scf.if %cond3A_463 {
      %add3A_843 = arith.constant 25 : i32
      %add3A_844 = arith.addi %mul3A_2, %add3A_843 : i32
      %mul3A_845 = arith.constant 128 : i32
      %mul3A_846 = arith.muli %add3A_844, %mul3A_845 : i32
      %dma_start3A = tpu.memref_slice %arg3[%mul3A_846] : memref<160000xi32, #tpu.memory_space<hbm>> -> memref<128xi32, #tpu.memory_space<hbm>>
      %dma_start3A_847 = tpu.memref_slice %arg3[%mul3A_846] : memref<160000xi32, #tpu.memory_space<hbm>> -> memref<128xi32, #tpu.memory_space<hbm>>
      tpu.enqueue_dma source(%dma_start3A_847 : memref<128xi32, #tpu.memory_space<hbm>>) target(%arg7 : memref<128xi32, #tpu.memory_space<vmem>>) target_semaphore(%arg24 : memref<!tpu.dma_semaphore, #tpu.memory_space<semaphore_mem>>)
      %mul3A_848 = arith.constant 128 : i32
      %mul3A_849 = arith.muli %add3A_844, %mul3A_848 : i32
      %dma_start3A_850 = arith.constant 0 : i32
      %dma_start3A_851 = tpu.memref_slice %arg2[%mul3A_849, %dma_start3A_850] : memref<160000x8xf32, #tpu.memory_space<hbm>> -> memref<128x8xf32, #tpu.memory_space<hbm>>
      %dma_start3A_852 = arith.constant 0 : i32
      %dma_start3A_853 = tpu.memref_slice %arg2[%mul3A_849, %dma_start3A_852] : memref<160000x8xf32, #tpu.memory_space<hbm>> -> memref<128x8xf32, #tpu.memory_space<hbm>>
      tpu.enqueue_dma source(%dma_start3A_853 : memref<128x8xf32, #tpu.memory_space<hbm>>) target(%arg15 : memref<128x8xf32, #tpu.memory_space<vmem>>) target_semaphore(%arg24 : memref<!tpu.dma_semaphore, #tpu.memory_space<semaphore_mem>>)
    } else {
    }
    %add3A_464 = arith.constant 26 : i32
    %add3A_465 = arith.addi %mul3A_2, %add3A_464 : i32
    %lt3A_466 = arith.constant 1250 : i32
    %lt3A_467 = arith.cmpi slt, %add3A_465, %lt3A_466 : i32
    %convert_element_type3A_468 = arith.extui %lt3A_467 : i1 to i32
    %cond3A_469 = arith.constant 0 : i32
    %cond3A_470 = arith.cmpi ne, %convert_element_type3A_468, %cond3A_469 : i32
    scf.if %cond3A_470 {
      %add3A_843 = arith.constant 26 : i32
      %add3A_844 = arith.addi %mul3A_2, %add3A_843 : i32
      %mul3A_845 = arith.constant 128 : i32
      %mul3A_846 = arith.muli %add3A_844, %mul3A_845 : i32
      %dma_start3A = tpu.memref_slice %arg3[%mul3A_846] : memref<160000xi32, #tpu.memory_space<hbm>> -> memref<128xi32, #tpu.memory_space<hbm>>
      %dma_start3A_847 = tpu.memref_slice %arg3[%mul3A_846] : memref<160000xi32, #tpu.memory_space<hbm>> -> memref<128xi32, #tpu.memory_space<hbm>>
      tpu.enqueue_dma source(%dma_start3A_847 : memref<128xi32, #tpu.memory_space<hbm>>) target(%arg8 : memref<128xi32, #tpu.memory_space<vmem>>) target_semaphore(%arg25 : memref<!tpu.dma_semaphore, #tpu.memory_space<semaphore_mem>>)
      %mul3A_848 = arith.constant 128 : i32
      %mul3A_849 = arith.muli %add3A_844, %mul3A_848 : i32
      %dma_start3A_850 = arith.constant 0 : i32
      %dma_start3A_851 = tpu.memref_slice %arg2[%mul3A_849, %dma_start3A_850] : memref<160000x8xf32, #tpu.memory_space<hbm>> -> memref<128x8xf32, #tpu.memory_space<hbm>>
      %dma_start3A_852 = arith.constant 0 : i32
      %dma_start3A_853 = tpu.memref_slice %arg2[%mul3A_849, %dma_start3A_852] : memref<160000x8xf32, #tpu.memory_space<hbm>> -> memref<128x8xf32, #tpu.memory_space<hbm>>
      tpu.enqueue_dma source(%dma_start3A_853 : memref<128x8xf32, #tpu.memory_space<hbm>>) target(%arg16 : memref<128x8xf32, #tpu.memory_space<vmem>>) target_semaphore(%arg25 : memref<!tpu.dma_semaphore, #tpu.memory_space<semaphore_mem>>)
    } else {
    }
    %add3A_471 = arith.constant 27 : i32
    %add3A_472 = arith.addi %mul3A_2, %add3A_471 : i32
    %lt3A_473 = arith.constant 1250 : i32
    %lt3A_474 = arith.cmpi slt, %add3A_472, %lt3A_473 : i32
    %convert_element_type3A_475 = arith.extui %lt3A_474 : i1 to i32
    %cond3A_476 = arith.constant 0 : i32
    %cond3A_477 = arith.cmpi ne, %convert_element_type3A_475, %cond3A_476 : i32
    scf.if %cond3A_477 {
      %add3A_843 = arith.constant 27 : i32
      %add3A_844 = arith.addi %mul3A_2, %add3A_843 : i32
      %mul3A_845 = arith.constant 128 : i32
      %mul3A_846 = arith.muli %add3A_844, %mul3A_845 : i32
      %dma_start3A = tpu.memref_slice %arg3[%mul3A_846] : memref<160000xi32, #tpu.memory_space<hbm>> -> memref<128xi32, #tpu.memory_space<hbm>>
      %dma_start3A_847 = tpu.memref_slice %arg3[%mul3A_846] : memref<160000xi32, #tpu.memory_space<hbm>> -> memref<128xi32, #tpu.memory_space<hbm>>
      tpu.enqueue_dma source(%dma_start3A_847 : memref<128xi32, #tpu.memory_space<hbm>>) target(%arg9 : memref<128xi32, #tpu.memory_space<vmem>>) target_semaphore(%arg26 : memref<!tpu.dma_semaphore, #tpu.memory_space<semaphore_mem>>)
      %mul3A_848 = arith.constant 128 : i32
      %mul3A_849 = arith.muli %add3A_844, %mul3A_848 : i32
      %dma_start3A_850 = arith.constant 0 : i32
      %dma_start3A_851 = tpu.memref_slice %arg2[%mul3A_849, %dma_start3A_850] : memref<160000x8xf32, #tpu.memory_space<hbm>> -> memref<128x8xf32, #tpu.memory_space<hbm>>
      %dma_start3A_852 = arith.constant 0 : i32
      %dma_start3A_853 = tpu.memref_slice %arg2[%mul3A_849, %dma_start3A_852] : memref<160000x8xf32, #tpu.memory_space<hbm>> -> memref<128x8xf32, #tpu.memory_space<hbm>>
      tpu.enqueue_dma source(%dma_start3A_853 : memref<128x8xf32, #tpu.memory_space<hbm>>) target(%arg17 : memref<128x8xf32, #tpu.memory_space<vmem>>) target_semaphore(%arg26 : memref<!tpu.dma_semaphore, #tpu.memory_space<semaphore_mem>>)
    } else {
    }
    %add3A_478 = arith.constant 20 : i32
    %add3A_479 = arith.addi %mul3A_2, %add3A_478 : i32
    %lt3A_480 = arith.constant 1250 : i32
    %lt3A_481 = arith.cmpi slt, %add3A_479, %lt3A_480 : i32
    %convert_element_type3A_482 = arith.extui %lt3A_481 : i1 to i32
    %cond3A_483 = arith.constant 0 : i32
    %cond3A_484 = arith.cmpi ne, %convert_element_type3A_482, %cond3A_483 : i32
    scf.if %cond3A_484 {
      %add3A_843 = arith.constant 20 : i32
      %add3A_844 = arith.addi %mul3A_2, %add3A_843 : i32
      %mul3A_845 = arith.constant 128 : i32
      %mul3A_846 = arith.muli %add3A_844, %mul3A_845 : i32
      %dma_wait3A = tpu.memref_slice %arg3[%mul3A_846] : memref<160000xi32, #tpu.memory_space<hbm>> -> memref<128xi32, #tpu.memory_space<hbm>>
      %dma_wait3A_847 = tpu.memref_slice %arg3[%mul3A_846] : memref<160000xi32, #tpu.memory_space<hbm>> -> memref<128xi32, #tpu.memory_space<hbm>>
      tpu.wait_dma2 semaphore(%arg27 : memref<!tpu.dma_semaphore, #tpu.memory_space<semaphore_mem>>) src(%dma_wait3A_847 : memref<128xi32, #tpu.memory_space<hbm>>) dst(%arg10 : memref<128xi32, #tpu.memory_space<vmem>>)
      %mul3A_848 = arith.constant 128 : i32
      %mul3A_849 = arith.muli %add3A_844, %mul3A_848 : i32
      %dma_wait3A_850 = arith.constant 0 : i32
      %dma_wait3A_851 = tpu.memref_slice %arg2[%mul3A_849, %dma_wait3A_850] : memref<160000x8xf32, #tpu.memory_space<hbm>> -> memref<128x8xf32, #tpu.memory_space<hbm>>
      %dma_wait3A_852 = arith.constant 0 : i32
      %dma_wait3A_853 = tpu.memref_slice %arg2[%mul3A_849, %dma_wait3A_852] : memref<160000x8xf32, #tpu.memory_space<hbm>> -> memref<128x8xf32, #tpu.memory_space<hbm>>
      tpu.wait_dma2 semaphore(%arg27 : memref<!tpu.dma_semaphore, #tpu.memory_space<semaphore_mem>>) src(%dma_wait3A_853 : memref<128x8xf32, #tpu.memory_space<hbm>>) dst(%arg18 : memref<128x8xf32, #tpu.memory_space<vmem>>)
      %dma_start3A = arith.constant 0 : i32
      %dma_start3A_854 = arith.constant 0 : i32
      %dma_start3A_855 = tpu.memref_slice %arg22[%dma_start3A, %dma_start3A_854] : memref<10112x8xf32, #tpu.memory_space<vmem_shared>> -> memref<10112x8xf32, #tpu.memory_space<vmem_shared>>
      tpu.enqueue_indirect_dma source(%arg18 : memref<128x8xf32, #tpu.memory_space<vmem>>) target(%dma_start3A_855 : memref<10112x8xf32, #tpu.memory_space<vmem_shared>>) offsets(%arg10 : memref<128xi32, #tpu.memory_space<vmem>>) semaphore(%arg35 : memref<!tpu.dma_semaphore, #tpu.memory_space<semaphore_mem>>) {add = true}
    } else {
    }
    %add3A_485 = arith.constant 21 : i32
    %add3A_486 = arith.addi %mul3A_2, %add3A_485 : i32
    %lt3A_487 = arith.constant 1250 : i32
    %lt3A_488 = arith.cmpi slt, %add3A_486, %lt3A_487 : i32
    %convert_element_type3A_489 = arith.extui %lt3A_488 : i1 to i32
    %cond3A_490 = arith.constant 0 : i32
    %cond3A_491 = arith.cmpi ne, %convert_element_type3A_489, %cond3A_490 : i32
    scf.if %cond3A_491 {
      %add3A_843 = arith.constant 21 : i32
      %add3A_844 = arith.addi %mul3A_2, %add3A_843 : i32
      %mul3A_845 = arith.constant 128 : i32
      %mul3A_846 = arith.muli %add3A_844, %mul3A_845 : i32
      %dma_wait3A = tpu.memref_slice %arg3[%mul3A_846] : memref<160000xi32, #tpu.memory_space<hbm>> -> memref<128xi32, #tpu.memory_space<hbm>>
      %dma_wait3A_847 = tpu.memref_slice %arg3[%mul3A_846] : memref<160000xi32, #tpu.memory_space<hbm>> -> memref<128xi32, #tpu.memory_space<hbm>>
      tpu.wait_dma2 semaphore(%arg28 : memref<!tpu.dma_semaphore, #tpu.memory_space<semaphore_mem>>) src(%dma_wait3A_847 : memref<128xi32, #tpu.memory_space<hbm>>) dst(%arg11 : memref<128xi32, #tpu.memory_space<vmem>>)
      %mul3A_848 = arith.constant 128 : i32
      %mul3A_849 = arith.muli %add3A_844, %mul3A_848 : i32
      %dma_wait3A_850 = arith.constant 0 : i32
      %dma_wait3A_851 = tpu.memref_slice %arg2[%mul3A_849, %dma_wait3A_850] : memref<160000x8xf32, #tpu.memory_space<hbm>> -> memref<128x8xf32, #tpu.memory_space<hbm>>
      %dma_wait3A_852 = arith.constant 0 : i32
      %dma_wait3A_853 = tpu.memref_slice %arg2[%mul3A_849, %dma_wait3A_852] : memref<160000x8xf32, #tpu.memory_space<hbm>> -> memref<128x8xf32, #tpu.memory_space<hbm>>
      tpu.wait_dma2 semaphore(%arg28 : memref<!tpu.dma_semaphore, #tpu.memory_space<semaphore_mem>>) src(%dma_wait3A_853 : memref<128x8xf32, #tpu.memory_space<hbm>>) dst(%arg19 : memref<128x8xf32, #tpu.memory_space<vmem>>)
      %dma_start3A = arith.constant 0 : i32
      %dma_start3A_854 = arith.constant 0 : i32
      %dma_start3A_855 = tpu.memref_slice %arg22[%dma_start3A, %dma_start3A_854] : memref<10112x8xf32, #tpu.memory_space<vmem_shared>> -> memref<10112x8xf32, #tpu.memory_space<vmem_shared>>
      tpu.enqueue_indirect_dma source(%arg19 : memref<128x8xf32, #tpu.memory_space<vmem>>) target(%dma_start3A_855 : memref<10112x8xf32, #tpu.memory_space<vmem_shared>>) offsets(%arg11 : memref<128xi32, #tpu.memory_space<vmem>>) semaphore(%arg36 : memref<!tpu.dma_semaphore, #tpu.memory_space<semaphore_mem>>) {add = true}
    } else {
    }
    %add3A_492 = arith.constant 22 : i32
    %add3A_493 = arith.addi %mul3A_2, %add3A_492 : i32
    %lt3A_494 = arith.constant 1250 : i32
    %lt3A_495 = arith.cmpi slt, %add3A_493, %lt3A_494 : i32
    %convert_element_type3A_496 = arith.extui %lt3A_495 : i1 to i32
    %cond3A_497 = arith.constant 0 : i32
    %cond3A_498 = arith.cmpi ne, %convert_element_type3A_496, %cond3A_497 : i32
    scf.if %cond3A_498 {
      %add3A_843 = arith.constant 22 : i32
      %add3A_844 = arith.addi %mul3A_2, %add3A_843 : i32
      %mul3A_845 = arith.constant 128 : i32
      %mul3A_846 = arith.muli %add3A_844, %mul3A_845 : i32
      %dma_wait3A = tpu.memref_slice %arg3[%mul3A_846] : memref<160000xi32, #tpu.memory_space<hbm>> -> memref<128xi32, #tpu.memory_space<hbm>>
      %dma_wait3A_847 = tpu.memref_slice %arg3[%mul3A_846] : memref<160000xi32, #tpu.memory_space<hbm>> -> memref<128xi32, #tpu.memory_space<hbm>>
      tpu.wait_dma2 semaphore(%arg29 : memref<!tpu.dma_semaphore, #tpu.memory_space<semaphore_mem>>) src(%dma_wait3A_847 : memref<128xi32, #tpu.memory_space<hbm>>) dst(%arg12 : memref<128xi32, #tpu.memory_space<vmem>>)
      %mul3A_848 = arith.constant 128 : i32
      %mul3A_849 = arith.muli %add3A_844, %mul3A_848 : i32
      %dma_wait3A_850 = arith.constant 0 : i32
      %dma_wait3A_851 = tpu.memref_slice %arg2[%mul3A_849, %dma_wait3A_850] : memref<160000x8xf32, #tpu.memory_space<hbm>> -> memref<128x8xf32, #tpu.memory_space<hbm>>
      %dma_wait3A_852 = arith.constant 0 : i32
      %dma_wait3A_853 = tpu.memref_slice %arg2[%mul3A_849, %dma_wait3A_852] : memref<160000x8xf32, #tpu.memory_space<hbm>> -> memref<128x8xf32, #tpu.memory_space<hbm>>
      tpu.wait_dma2 semaphore(%arg29 : memref<!tpu.dma_semaphore, #tpu.memory_space<semaphore_mem>>) src(%dma_wait3A_853 : memref<128x8xf32, #tpu.memory_space<hbm>>) dst(%arg20 : memref<128x8xf32, #tpu.memory_space<vmem>>)
      %dma_start3A = arith.constant 0 : i32
      %dma_start3A_854 = arith.constant 0 : i32
      %dma_start3A_855 = tpu.memref_slice %arg22[%dma_start3A, %dma_start3A_854] : memref<10112x8xf32, #tpu.memory_space<vmem_shared>> -> memref<10112x8xf32, #tpu.memory_space<vmem_shared>>
      tpu.enqueue_indirect_dma source(%arg20 : memref<128x8xf32, #tpu.memory_space<vmem>>) target(%dma_start3A_855 : memref<10112x8xf32, #tpu.memory_space<vmem_shared>>) offsets(%arg12 : memref<128xi32, #tpu.memory_space<vmem>>) semaphore(%arg37 : memref<!tpu.dma_semaphore, #tpu.memory_space<semaphore_mem>>) {add = true}
    } else {
    }
    %add3A_499 = arith.constant 23 : i32
    %add3A_500 = arith.addi %mul3A_2, %add3A_499 : i32
    %lt3A_501 = arith.constant 1250 : i32
    %lt3A_502 = arith.cmpi slt, %add3A_500, %lt3A_501 : i32
    %convert_element_type3A_503 = arith.extui %lt3A_502 : i1 to i32
    %cond3A_504 = arith.constant 0 : i32
    %cond3A_505 = arith.cmpi ne, %convert_element_type3A_503, %cond3A_504 : i32
    scf.if %cond3A_505 {
      %add3A_843 = arith.constant 23 : i32
      %add3A_844 = arith.addi %mul3A_2, %add3A_843 : i32
      %mul3A_845 = arith.constant 128 : i32
      %mul3A_846 = arith.muli %add3A_844, %mul3A_845 : i32
      %dma_wait3A = tpu.memref_slice %arg3[%mul3A_846] : memref<160000xi32, #tpu.memory_space<hbm>> -> memref<128xi32, #tpu.memory_space<hbm>>
      %dma_wait3A_847 = tpu.memref_slice %arg3[%mul3A_846] : memref<160000xi32, #tpu.memory_space<hbm>> -> memref<128xi32, #tpu.memory_space<hbm>>
      tpu.wait_dma2 semaphore(%arg30 : memref<!tpu.dma_semaphore, #tpu.memory_space<semaphore_mem>>) src(%dma_wait3A_847 : memref<128xi32, #tpu.memory_space<hbm>>) dst(%arg13 : memref<128xi32, #tpu.memory_space<vmem>>)
      %mul3A_848 = arith.constant 128 : i32
      %mul3A_849 = arith.muli %add3A_844, %mul3A_848 : i32
      %dma_wait3A_850 = arith.constant 0 : i32
      %dma_wait3A_851 = tpu.memref_slice %arg2[%mul3A_849, %dma_wait3A_850] : memref<160000x8xf32, #tpu.memory_space<hbm>> -> memref<128x8xf32, #tpu.memory_space<hbm>>
      %dma_wait3A_852 = arith.constant 0 : i32
      %dma_wait3A_853 = tpu.memref_slice %arg2[%mul3A_849, %dma_wait3A_852] : memref<160000x8xf32, #tpu.memory_space<hbm>> -> memref<128x8xf32, #tpu.memory_space<hbm>>
      tpu.wait_dma2 semaphore(%arg30 : memref<!tpu.dma_semaphore, #tpu.memory_space<semaphore_mem>>) src(%dma_wait3A_853 : memref<128x8xf32, #tpu.memory_space<hbm>>) dst(%arg21 : memref<128x8xf32, #tpu.memory_space<vmem>>)
      %dma_start3A = arith.constant 0 : i32
      %dma_start3A_854 = arith.constant 0 : i32
      %dma_start3A_855 = tpu.memref_slice %arg22[%dma_start3A, %dma_start3A_854] : memref<10112x8xf32, #tpu.memory_space<vmem_shared>> -> memref<10112x8xf32, #tpu.memory_space<vmem_shared>>
      tpu.enqueue_indirect_dma source(%arg21 : memref<128x8xf32, #tpu.memory_space<vmem>>) target(%dma_start3A_855 : memref<10112x8xf32, #tpu.memory_space<vmem_shared>>) offsets(%arg13 : memref<128xi32, #tpu.memory_space<vmem>>) semaphore(%arg38 : memref<!tpu.dma_semaphore, #tpu.memory_space<semaphore_mem>>) {add = true}
    } else {
    }
    %add3A_506 = arith.constant 20 : i32
    %add3A_507 = arith.addi %mul3A_2, %add3A_506 : i32
    %lt3A_508 = arith.constant 1250 : i32
    %lt3A_509 = arith.cmpi slt, %add3A_507, %lt3A_508 : i32
    %convert_element_type3A_510 = arith.extui %lt3A_509 : i1 to i32
    %cond3A_511 = arith.constant 0 : i32
    %cond3A_512 = arith.cmpi ne, %convert_element_type3A_510, %cond3A_511 : i32
    scf.if %cond3A_512 {
      %dma_wait3A = arith.constant 0 : i32
      %dma_wait3A_843 = arith.constant 0 : i32
      %dma_wait3A_844 = tpu.memref_slice %arg22[%dma_wait3A, %dma_wait3A_843] : memref<10112x8xf32, #tpu.memory_space<vmem_shared>> -> memref<10112x8xf32, #tpu.memory_space<vmem_shared>>
      tpu.wait_indirect_dma semaphore(%arg35 : memref<!tpu.dma_semaphore, #tpu.memory_space<semaphore_mem>>) src(%arg18 : memref<128x8xf32, #tpu.memory_space<vmem>>) dst(%dma_wait3A_844 : memref<10112x8xf32, #tpu.memory_space<vmem_shared>>)
    } else {
    }
    %add3A_513 = arith.constant 21 : i32
    %add3A_514 = arith.addi %mul3A_2, %add3A_513 : i32
    %lt3A_515 = arith.constant 1250 : i32
    %lt3A_516 = arith.cmpi slt, %add3A_514, %lt3A_515 : i32
    %convert_element_type3A_517 = arith.extui %lt3A_516 : i1 to i32
    %cond3A_518 = arith.constant 0 : i32
    %cond3A_519 = arith.cmpi ne, %convert_element_type3A_517, %cond3A_518 : i32
    scf.if %cond3A_519 {
      %dma_wait3A = arith.constant 0 : i32
      %dma_wait3A_843 = arith.constant 0 : i32
      %dma_wait3A_844 = tpu.memref_slice %arg22[%dma_wait3A, %dma_wait3A_843] : memref<10112x8xf32, #tpu.memory_space<vmem_shared>> -> memref<10112x8xf32, #tpu.memory_space<vmem_shared>>
      tpu.wait_indirect_dma semaphore(%arg36 : memref<!tpu.dma_semaphore, #tpu.memory_space<semaphore_mem>>) src(%arg19 : memref<128x8xf32, #tpu.memory_space<vmem>>) dst(%dma_wait3A_844 : memref<10112x8xf32, #tpu.memory_space<vmem_shared>>)
    } else {
    }
    %add3A_520 = arith.constant 22 : i32
    %add3A_521 = arith.addi %mul3A_2, %add3A_520 : i32
    %lt3A_522 = arith.constant 1250 : i32
    %lt3A_523 = arith.cmpi slt, %add3A_521, %lt3A_522 : i32
    %convert_element_type3A_524 = arith.extui %lt3A_523 : i1 to i32
    %cond3A_525 = arith.constant 0 : i32
    %cond3A_526 = arith.cmpi ne, %convert_element_type3A_524, %cond3A_525 : i32
    scf.if %cond3A_526 {
      %dma_wait3A = arith.constant 0 : i32
      %dma_wait3A_843 = arith.constant 0 : i32
      %dma_wait3A_844 = tpu.memref_slice %arg22[%dma_wait3A, %dma_wait3A_843] : memref<10112x8xf32, #tpu.memory_space<vmem_shared>> -> memref<10112x8xf32, #tpu.memory_space<vmem_shared>>
      tpu.wait_indirect_dma semaphore(%arg37 : memref<!tpu.dma_semaphore, #tpu.memory_space<semaphore_mem>>) src(%arg20 : memref<128x8xf32, #tpu.memory_space<vmem>>) dst(%dma_wait3A_844 : memref<10112x8xf32, #tpu.memory_space<vmem_shared>>)
    } else {
    }
    %add3A_527 = arith.constant 23 : i32
    %add3A_528 = arith.addi %mul3A_2, %add3A_527 : i32
    %lt3A_529 = arith.constant 1250 : i32
    %lt3A_530 = arith.cmpi slt, %add3A_528, %lt3A_529 : i32
    %convert_element_type3A_531 = arith.extui %lt3A_530 : i1 to i32
    %cond3A_532 = arith.constant 0 : i32
    %cond3A_533 = arith.cmpi ne, %convert_element_type3A_531, %cond3A_532 : i32
    scf.if %cond3A_533 {
      %dma_wait3A = arith.constant 0 : i32
      %dma_wait3A_843 = arith.constant 0 : i32
      %dma_wait3A_844 = tpu.memref_slice %arg22[%dma_wait3A, %dma_wait3A_843] : memref<10112x8xf32, #tpu.memory_space<vmem_shared>> -> memref<10112x8xf32, #tpu.memory_space<vmem_shared>>
      tpu.wait_indirect_dma semaphore(%arg38 : memref<!tpu.dma_semaphore, #tpu.memory_space<semaphore_mem>>) src(%arg21 : memref<128x8xf32, #tpu.memory_space<vmem>>) dst(%dma_wait3A_844 : memref<10112x8xf32, #tpu.memory_space<vmem_shared>>)
    } else {
    }
    %add3A_534 = arith.constant 28 : i32
    %add3A_535 = arith.addi %mul3A_2, %add3A_534 : i32
    %lt3A_536 = arith.constant 1250 : i32
    %lt3A_537 = arith.cmpi slt, %add3A_535, %lt3A_536 : i32
    %convert_element_type3A_538 = arith.extui %lt3A_537 : i1 to i32
    %cond3A_539 = arith.constant 0 : i32
    %cond3A_540 = arith.cmpi ne, %convert_element_type3A_538, %cond3A_539 : i32
    scf.if %cond3A_540 {
      %add3A_843 = arith.constant 28 : i32
      %add3A_844 = arith.addi %mul3A_2, %add3A_843 : i32
      %mul3A_845 = arith.constant 128 : i32
      %mul3A_846 = arith.muli %add3A_844, %mul3A_845 : i32
      %dma_start3A = tpu.memref_slice %arg3[%mul3A_846] : memref<160000xi32, #tpu.memory_space<hbm>> -> memref<128xi32, #tpu.memory_space<hbm>>
      %dma_start3A_847 = tpu.memref_slice %arg3[%mul3A_846] : memref<160000xi32, #tpu.memory_space<hbm>> -> memref<128xi32, #tpu.memory_space<hbm>>
      tpu.enqueue_dma source(%dma_start3A_847 : memref<128xi32, #tpu.memory_space<hbm>>) target(%arg10 : memref<128xi32, #tpu.memory_space<vmem>>) target_semaphore(%arg27 : memref<!tpu.dma_semaphore, #tpu.memory_space<semaphore_mem>>)
      %mul3A_848 = arith.constant 128 : i32
      %mul3A_849 = arith.muli %add3A_844, %mul3A_848 : i32
      %dma_start3A_850 = arith.constant 0 : i32
      %dma_start3A_851 = tpu.memref_slice %arg2[%mul3A_849, %dma_start3A_850] : memref<160000x8xf32, #tpu.memory_space<hbm>> -> memref<128x8xf32, #tpu.memory_space<hbm>>
      %dma_start3A_852 = arith.constant 0 : i32
      %dma_start3A_853 = tpu.memref_slice %arg2[%mul3A_849, %dma_start3A_852] : memref<160000x8xf32, #tpu.memory_space<hbm>> -> memref<128x8xf32, #tpu.memory_space<hbm>>
      tpu.enqueue_dma source(%dma_start3A_853 : memref<128x8xf32, #tpu.memory_space<hbm>>) target(%arg18 : memref<128x8xf32, #tpu.memory_space<vmem>>) target_semaphore(%arg27 : memref<!tpu.dma_semaphore, #tpu.memory_space<semaphore_mem>>)
    } else {
    }
    %add3A_541 = arith.constant 29 : i32
    %add3A_542 = arith.addi %mul3A_2, %add3A_541 : i32
    %lt3A_543 = arith.constant 1250 : i32
    %lt3A_544 = arith.cmpi slt, %add3A_542, %lt3A_543 : i32
    %convert_element_type3A_545 = arith.extui %lt3A_544 : i1 to i32
    %cond3A_546 = arith.constant 0 : i32
    %cond3A_547 = arith.cmpi ne, %convert_element_type3A_545, %cond3A_546 : i32
    scf.if %cond3A_547 {
      %add3A_843 = arith.constant 29 : i32
      %add3A_844 = arith.addi %mul3A_2, %add3A_843 : i32
      %mul3A_845 = arith.constant 128 : i32
      %mul3A_846 = arith.muli %add3A_844, %mul3A_845 : i32
      %dma_start3A = tpu.memref_slice %arg3[%mul3A_846] : memref<160000xi32, #tpu.memory_space<hbm>> -> memref<128xi32, #tpu.memory_space<hbm>>
      %dma_start3A_847 = tpu.memref_slice %arg3[%mul3A_846] : memref<160000xi32, #tpu.memory_space<hbm>> -> memref<128xi32, #tpu.memory_space<hbm>>
      tpu.enqueue_dma source(%dma_start3A_847 : memref<128xi32, #tpu.memory_space<hbm>>) target(%arg11 : memref<128xi32, #tpu.memory_space<vmem>>) target_semaphore(%arg28 : memref<!tpu.dma_semaphore, #tpu.memory_space<semaphore_mem>>)
      %mul3A_848 = arith.constant 128 : i32
      %mul3A_849 = arith.muli %add3A_844, %mul3A_848 : i32
      %dma_start3A_850 = arith.constant 0 : i32
      %dma_start3A_851 = tpu.memref_slice %arg2[%mul3A_849, %dma_start3A_850] : memref<160000x8xf32, #tpu.memory_space<hbm>> -> memref<128x8xf32, #tpu.memory_space<hbm>>
      %dma_start3A_852 = arith.constant 0 : i32
      %dma_start3A_853 = tpu.memref_slice %arg2[%mul3A_849, %dma_start3A_852] : memref<160000x8xf32, #tpu.memory_space<hbm>> -> memref<128x8xf32, #tpu.memory_space<hbm>>
      tpu.enqueue_dma source(%dma_start3A_853 : memref<128x8xf32, #tpu.memory_space<hbm>>) target(%arg19 : memref<128x8xf32, #tpu.memory_space<vmem>>) target_semaphore(%arg28 : memref<!tpu.dma_semaphore, #tpu.memory_space<semaphore_mem>>)
    } else {
    }
    %add3A_548 = arith.constant 30 : i32
    %add3A_549 = arith.addi %mul3A_2, %add3A_548 : i32
    %lt3A_550 = arith.constant 1250 : i32
    %lt3A_551 = arith.cmpi slt, %add3A_549, %lt3A_550 : i32
    %convert_element_type3A_552 = arith.extui %lt3A_551 : i1 to i32
    %cond3A_553 = arith.constant 0 : i32
    %cond3A_554 = arith.cmpi ne, %convert_element_type3A_552, %cond3A_553 : i32
    scf.if %cond3A_554 {
      %add3A_843 = arith.constant 30 : i32
      %add3A_844 = arith.addi %mul3A_2, %add3A_843 : i32
      %mul3A_845 = arith.constant 128 : i32
      %mul3A_846 = arith.muli %add3A_844, %mul3A_845 : i32
      %dma_start3A = tpu.memref_slice %arg3[%mul3A_846] : memref<160000xi32, #tpu.memory_space<hbm>> -> memref<128xi32, #tpu.memory_space<hbm>>
      %dma_start3A_847 = tpu.memref_slice %arg3[%mul3A_846] : memref<160000xi32, #tpu.memory_space<hbm>> -> memref<128xi32, #tpu.memory_space<hbm>>
      tpu.enqueue_dma source(%dma_start3A_847 : memref<128xi32, #tpu.memory_space<hbm>>) target(%arg12 : memref<128xi32, #tpu.memory_space<vmem>>) target_semaphore(%arg29 : memref<!tpu.dma_semaphore, #tpu.memory_space<semaphore_mem>>)
      %mul3A_848 = arith.constant 128 : i32
      %mul3A_849 = arith.muli %add3A_844, %mul3A_848 : i32
      %dma_start3A_850 = arith.constant 0 : i32
      %dma_start3A_851 = tpu.memref_slice %arg2[%mul3A_849, %dma_start3A_850] : memref<160000x8xf32, #tpu.memory_space<hbm>> -> memref<128x8xf32, #tpu.memory_space<hbm>>
      %dma_start3A_852 = arith.constant 0 : i32
      %dma_start3A_853 = tpu.memref_slice %arg2[%mul3A_849, %dma_start3A_852] : memref<160000x8xf32, #tpu.memory_space<hbm>> -> memref<128x8xf32, #tpu.memory_space<hbm>>
      tpu.enqueue_dma source(%dma_start3A_853 : memref<128x8xf32, #tpu.memory_space<hbm>>) target(%arg20 : memref<128x8xf32, #tpu.memory_space<vmem>>) target_semaphore(%arg29 : memref<!tpu.dma_semaphore, #tpu.memory_space<semaphore_mem>>)
    } else {
    }
    %add3A_555 = arith.constant 31 : i32
    %add3A_556 = arith.addi %mul3A_2, %add3A_555 : i32
    %lt3A_557 = arith.constant 1250 : i32
    %lt3A_558 = arith.cmpi slt, %add3A_556, %lt3A_557 : i32
    %convert_element_type3A_559 = arith.extui %lt3A_558 : i1 to i32
    %cond3A_560 = arith.constant 0 : i32
    %cond3A_561 = arith.cmpi ne, %convert_element_type3A_559, %cond3A_560 : i32
    scf.if %cond3A_561 {
      %add3A_843 = arith.constant 31 : i32
      %add3A_844 = arith.addi %mul3A_2, %add3A_843 : i32
      %mul3A_845 = arith.constant 128 : i32
      %mul3A_846 = arith.muli %add3A_844, %mul3A_845 : i32
      %dma_start3A = tpu.memref_slice %arg3[%mul3A_846] : memref<160000xi32, #tpu.memory_space<hbm>> -> memref<128xi32, #tpu.memory_space<hbm>>
      %dma_start3A_847 = tpu.memref_slice %arg3[%mul3A_846] : memref<160000xi32, #tpu.memory_space<hbm>> -> memref<128xi32, #tpu.memory_space<hbm>>
      tpu.enqueue_dma source(%dma_start3A_847 : memref<128xi32, #tpu.memory_space<hbm>>) target(%arg13 : memref<128xi32, #tpu.memory_space<vmem>>) target_semaphore(%arg30 : memref<!tpu.dma_semaphore, #tpu.memory_space<semaphore_mem>>)
      %mul3A_848 = arith.constant 128 : i32
      %mul3A_849 = arith.muli %add3A_844, %mul3A_848 : i32
      %dma_start3A_850 = arith.constant 0 : i32
      %dma_start3A_851 = tpu.memref_slice %arg2[%mul3A_849, %dma_start3A_850] : memref<160000x8xf32, #tpu.memory_space<hbm>> -> memref<128x8xf32, #tpu.memory_space<hbm>>
      %dma_start3A_852 = arith.constant 0 : i32
      %dma_start3A_853 = tpu.memref_slice %arg2[%mul3A_849, %dma_start3A_852] : memref<160000x8xf32, #tpu.memory_space<hbm>> -> memref<128x8xf32, #tpu.memory_space<hbm>>
      tpu.enqueue_dma source(%dma_start3A_853 : memref<128x8xf32, #tpu.memory_space<hbm>>) target(%arg21 : memref<128x8xf32, #tpu.memory_space<vmem>>) target_semaphore(%arg30 : memref<!tpu.dma_semaphore, #tpu.memory_space<semaphore_mem>>)
    } else {
    }
    %add3A_562 = arith.constant 24 : i32
    %add3A_563 = arith.addi %mul3A_2, %add3A_562 : i32
    %lt3A_564 = arith.constant 1250 : i32
    %lt3A_565 = arith.cmpi slt, %add3A_563, %lt3A_564 : i32
    %convert_element_type3A_566 = arith.extui %lt3A_565 : i1 to i32
    %cond3A_567 = arith.constant 0 : i32
    %cond3A_568 = arith.cmpi ne, %convert_element_type3A_566, %cond3A_567 : i32
    scf.if %cond3A_568 {
      %add3A_843 = arith.constant 24 : i32
      %add3A_844 = arith.addi %mul3A_2, %add3A_843 : i32
      %mul3A_845 = arith.constant 128 : i32
      %mul3A_846 = arith.muli %add3A_844, %mul3A_845 : i32
      %dma_wait3A = tpu.memref_slice %arg3[%mul3A_846] : memref<160000xi32, #tpu.memory_space<hbm>> -> memref<128xi32, #tpu.memory_space<hbm>>
      %dma_wait3A_847 = tpu.memref_slice %arg3[%mul3A_846] : memref<160000xi32, #tpu.memory_space<hbm>> -> memref<128xi32, #tpu.memory_space<hbm>>
      tpu.wait_dma2 semaphore(%arg23 : memref<!tpu.dma_semaphore, #tpu.memory_space<semaphore_mem>>) src(%dma_wait3A_847 : memref<128xi32, #tpu.memory_space<hbm>>) dst(%arg6 : memref<128xi32, #tpu.memory_space<vmem>>)
      %mul3A_848 = arith.constant 128 : i32
      %mul3A_849 = arith.muli %add3A_844, %mul3A_848 : i32
      %dma_wait3A_850 = arith.constant 0 : i32
      %dma_wait3A_851 = tpu.memref_slice %arg2[%mul3A_849, %dma_wait3A_850] : memref<160000x8xf32, #tpu.memory_space<hbm>> -> memref<128x8xf32, #tpu.memory_space<hbm>>
      %dma_wait3A_852 = arith.constant 0 : i32
      %dma_wait3A_853 = tpu.memref_slice %arg2[%mul3A_849, %dma_wait3A_852] : memref<160000x8xf32, #tpu.memory_space<hbm>> -> memref<128x8xf32, #tpu.memory_space<hbm>>
      tpu.wait_dma2 semaphore(%arg23 : memref<!tpu.dma_semaphore, #tpu.memory_space<semaphore_mem>>) src(%dma_wait3A_853 : memref<128x8xf32, #tpu.memory_space<hbm>>) dst(%arg14 : memref<128x8xf32, #tpu.memory_space<vmem>>)
      %dma_start3A = arith.constant 0 : i32
      %dma_start3A_854 = arith.constant 0 : i32
      %dma_start3A_855 = tpu.memref_slice %arg22[%dma_start3A, %dma_start3A_854] : memref<10112x8xf32, #tpu.memory_space<vmem_shared>> -> memref<10112x8xf32, #tpu.memory_space<vmem_shared>>
      tpu.enqueue_indirect_dma source(%arg14 : memref<128x8xf32, #tpu.memory_space<vmem>>) target(%dma_start3A_855 : memref<10112x8xf32, #tpu.memory_space<vmem_shared>>) offsets(%arg6 : memref<128xi32, #tpu.memory_space<vmem>>) semaphore(%arg31 : memref<!tpu.dma_semaphore, #tpu.memory_space<semaphore_mem>>) {add = true}
    } else {
    }
    %add3A_569 = arith.constant 25 : i32
    %add3A_570 = arith.addi %mul3A_2, %add3A_569 : i32
    %lt3A_571 = arith.constant 1250 : i32
    %lt3A_572 = arith.cmpi slt, %add3A_570, %lt3A_571 : i32
    %convert_element_type3A_573 = arith.extui %lt3A_572 : i1 to i32
    %cond3A_574 = arith.constant 0 : i32
    %cond3A_575 = arith.cmpi ne, %convert_element_type3A_573, %cond3A_574 : i32
    scf.if %cond3A_575 {
      %add3A_843 = arith.constant 25 : i32
      %add3A_844 = arith.addi %mul3A_2, %add3A_843 : i32
      %mul3A_845 = arith.constant 128 : i32
      %mul3A_846 = arith.muli %add3A_844, %mul3A_845 : i32
      %dma_wait3A = tpu.memref_slice %arg3[%mul3A_846] : memref<160000xi32, #tpu.memory_space<hbm>> -> memref<128xi32, #tpu.memory_space<hbm>>
      %dma_wait3A_847 = tpu.memref_slice %arg3[%mul3A_846] : memref<160000xi32, #tpu.memory_space<hbm>> -> memref<128xi32, #tpu.memory_space<hbm>>
      tpu.wait_dma2 semaphore(%arg24 : memref<!tpu.dma_semaphore, #tpu.memory_space<semaphore_mem>>) src(%dma_wait3A_847 : memref<128xi32, #tpu.memory_space<hbm>>) dst(%arg7 : memref<128xi32, #tpu.memory_space<vmem>>)
      %mul3A_848 = arith.constant 128 : i32
      %mul3A_849 = arith.muli %add3A_844, %mul3A_848 : i32
      %dma_wait3A_850 = arith.constant 0 : i32
      %dma_wait3A_851 = tpu.memref_slice %arg2[%mul3A_849, %dma_wait3A_850] : memref<160000x8xf32, #tpu.memory_space<hbm>> -> memref<128x8xf32, #tpu.memory_space<hbm>>
      %dma_wait3A_852 = arith.constant 0 : i32
      %dma_wait3A_853 = tpu.memref_slice %arg2[%mul3A_849, %dma_wait3A_852] : memref<160000x8xf32, #tpu.memory_space<hbm>> -> memref<128x8xf32, #tpu.memory_space<hbm>>
      tpu.wait_dma2 semaphore(%arg24 : memref<!tpu.dma_semaphore, #tpu.memory_space<semaphore_mem>>) src(%dma_wait3A_853 : memref<128x8xf32, #tpu.memory_space<hbm>>) dst(%arg15 : memref<128x8xf32, #tpu.memory_space<vmem>>)
      %dma_start3A = arith.constant 0 : i32
      %dma_start3A_854 = arith.constant 0 : i32
      %dma_start3A_855 = tpu.memref_slice %arg22[%dma_start3A, %dma_start3A_854] : memref<10112x8xf32, #tpu.memory_space<vmem_shared>> -> memref<10112x8xf32, #tpu.memory_space<vmem_shared>>
      tpu.enqueue_indirect_dma source(%arg15 : memref<128x8xf32, #tpu.memory_space<vmem>>) target(%dma_start3A_855 : memref<10112x8xf32, #tpu.memory_space<vmem_shared>>) offsets(%arg7 : memref<128xi32, #tpu.memory_space<vmem>>) semaphore(%arg32 : memref<!tpu.dma_semaphore, #tpu.memory_space<semaphore_mem>>) {add = true}
    } else {
    }
    %add3A_576 = arith.constant 26 : i32
    %add3A_577 = arith.addi %mul3A_2, %add3A_576 : i32
    %lt3A_578 = arith.constant 1250 : i32
    %lt3A_579 = arith.cmpi slt, %add3A_577, %lt3A_578 : i32
    %convert_element_type3A_580 = arith.extui %lt3A_579 : i1 to i32
    %cond3A_581 = arith.constant 0 : i32
    %cond3A_582 = arith.cmpi ne, %convert_element_type3A_580, %cond3A_581 : i32
    scf.if %cond3A_582 {
      %add3A_843 = arith.constant 26 : i32
      %add3A_844 = arith.addi %mul3A_2, %add3A_843 : i32
      %mul3A_845 = arith.constant 128 : i32
      %mul3A_846 = arith.muli %add3A_844, %mul3A_845 : i32
      %dma_wait3A = tpu.memref_slice %arg3[%mul3A_846] : memref<160000xi32, #tpu.memory_space<hbm>> -> memref<128xi32, #tpu.memory_space<hbm>>
      %dma_wait3A_847 = tpu.memref_slice %arg3[%mul3A_846] : memref<160000xi32, #tpu.memory_space<hbm>> -> memref<128xi32, #tpu.memory_space<hbm>>
      tpu.wait_dma2 semaphore(%arg25 : memref<!tpu.dma_semaphore, #tpu.memory_space<semaphore_mem>>) src(%dma_wait3A_847 : memref<128xi32, #tpu.memory_space<hbm>>) dst(%arg8 : memref<128xi32, #tpu.memory_space<vmem>>)
      %mul3A_848 = arith.constant 128 : i32
      %mul3A_849 = arith.muli %add3A_844, %mul3A_848 : i32
      %dma_wait3A_850 = arith.constant 0 : i32
      %dma_wait3A_851 = tpu.memref_slice %arg2[%mul3A_849, %dma_wait3A_850] : memref<160000x8xf32, #tpu.memory_space<hbm>> -> memref<128x8xf32, #tpu.memory_space<hbm>>
      %dma_wait3A_852 = arith.constant 0 : i32
      %dma_wait3A_853 = tpu.memref_slice %arg2[%mul3A_849, %dma_wait3A_852] : memref<160000x8xf32, #tpu.memory_space<hbm>> -> memref<128x8xf32, #tpu.memory_space<hbm>>
      tpu.wait_dma2 semaphore(%arg25 : memref<!tpu.dma_semaphore, #tpu.memory_space<semaphore_mem>>) src(%dma_wait3A_853 : memref<128x8xf32, #tpu.memory_space<hbm>>) dst(%arg16 : memref<128x8xf32, #tpu.memory_space<vmem>>)
      %dma_start3A = arith.constant 0 : i32
      %dma_start3A_854 = arith.constant 0 : i32
      %dma_start3A_855 = tpu.memref_slice %arg22[%dma_start3A, %dma_start3A_854] : memref<10112x8xf32, #tpu.memory_space<vmem_shared>> -> memref<10112x8xf32, #tpu.memory_space<vmem_shared>>
      tpu.enqueue_indirect_dma source(%arg16 : memref<128x8xf32, #tpu.memory_space<vmem>>) target(%dma_start3A_855 : memref<10112x8xf32, #tpu.memory_space<vmem_shared>>) offsets(%arg8 : memref<128xi32, #tpu.memory_space<vmem>>) semaphore(%arg33 : memref<!tpu.dma_semaphore, #tpu.memory_space<semaphore_mem>>) {add = true}
    } else {
    }
    %add3A_583 = arith.constant 27 : i32
    %add3A_584 = arith.addi %mul3A_2, %add3A_583 : i32
    %lt3A_585 = arith.constant 1250 : i32
    %lt3A_586 = arith.cmpi slt, %add3A_584, %lt3A_585 : i32
    %convert_element_type3A_587 = arith.extui %lt3A_586 : i1 to i32
    %cond3A_588 = arith.constant 0 : i32
    %cond3A_589 = arith.cmpi ne, %convert_element_type3A_587, %cond3A_588 : i32
    scf.if %cond3A_589 {
      %add3A_843 = arith.constant 27 : i32
      %add3A_844 = arith.addi %mul3A_2, %add3A_843 : i32
      %mul3A_845 = arith.constant 128 : i32
      %mul3A_846 = arith.muli %add3A_844, %mul3A_845 : i32
      %dma_wait3A = tpu.memref_slice %arg3[%mul3A_846] : memref<160000xi32, #tpu.memory_space<hbm>> -> memref<128xi32, #tpu.memory_space<hbm>>
      %dma_wait3A_847 = tpu.memref_slice %arg3[%mul3A_846] : memref<160000xi32, #tpu.memory_space<hbm>> -> memref<128xi32, #tpu.memory_space<hbm>>
      tpu.wait_dma2 semaphore(%arg26 : memref<!tpu.dma_semaphore, #tpu.memory_space<semaphore_mem>>) src(%dma_wait3A_847 : memref<128xi32, #tpu.memory_space<hbm>>) dst(%arg9 : memref<128xi32, #tpu.memory_space<vmem>>)
      %mul3A_848 = arith.constant 128 : i32
      %mul3A_849 = arith.muli %add3A_844, %mul3A_848 : i32
      %dma_wait3A_850 = arith.constant 0 : i32
      %dma_wait3A_851 = tpu.memref_slice %arg2[%mul3A_849, %dma_wait3A_850] : memref<160000x8xf32, #tpu.memory_space<hbm>> -> memref<128x8xf32, #tpu.memory_space<hbm>>
      %dma_wait3A_852 = arith.constant 0 : i32
      %dma_wait3A_853 = tpu.memref_slice %arg2[%mul3A_849, %dma_wait3A_852] : memref<160000x8xf32, #tpu.memory_space<hbm>> -> memref<128x8xf32, #tpu.memory_space<hbm>>
      tpu.wait_dma2 semaphore(%arg26 : memref<!tpu.dma_semaphore, #tpu.memory_space<semaphore_mem>>) src(%dma_wait3A_853 : memref<128x8xf32, #tpu.memory_space<hbm>>) dst(%arg17 : memref<128x8xf32, #tpu.memory_space<vmem>>)
      %dma_start3A = arith.constant 0 : i32
      %dma_start3A_854 = arith.constant 0 : i32
      %dma_start3A_855 = tpu.memref_slice %arg22[%dma_start3A, %dma_start3A_854] : memref<10112x8xf32, #tpu.memory_space<vmem_shared>> -> memref<10112x8xf32, #tpu.memory_space<vmem_shared>>
      tpu.enqueue_indirect_dma source(%arg17 : memref<128x8xf32, #tpu.memory_space<vmem>>) target(%dma_start3A_855 : memref<10112x8xf32, #tpu.memory_space<vmem_shared>>) offsets(%arg9 : memref<128xi32, #tpu.memory_space<vmem>>) semaphore(%arg34 : memref<!tpu.dma_semaphore, #tpu.memory_space<semaphore_mem>>) {add = true}
    } else {
    }
    %add3A_590 = arith.constant 24 : i32
    %add3A_591 = arith.addi %mul3A_2, %add3A_590 : i32
    %lt3A_592 = arith.constant 1250 : i32
    %lt3A_593 = arith.cmpi slt, %add3A_591, %lt3A_592 : i32
    %convert_element_type3A_594 = arith.extui %lt3A_593 : i1 to i32
    %cond3A_595 = arith.constant 0 : i32
    %cond3A_596 = arith.cmpi ne, %convert_element_type3A_594, %cond3A_595 : i32
    scf.if %cond3A_596 {
      %dma_wait3A = arith.constant 0 : i32
      %dma_wait3A_843 = arith.constant 0 : i32
      %dma_wait3A_844 = tpu.memref_slice %arg22[%dma_wait3A, %dma_wait3A_843] : memref<10112x8xf32, #tpu.memory_space<vmem_shared>> -> memref<10112x8xf32, #tpu.memory_space<vmem_shared>>
      tpu.wait_indirect_dma semaphore(%arg31 : memref<!tpu.dma_semaphore, #tpu.memory_space<semaphore_mem>>) src(%arg14 : memref<128x8xf32, #tpu.memory_space<vmem>>) dst(%dma_wait3A_844 : memref<10112x8xf32, #tpu.memory_space<vmem_shared>>)
    } else {
    }
    %add3A_597 = arith.constant 25 : i32
    %add3A_598 = arith.addi %mul3A_2, %add3A_597 : i32
    %lt3A_599 = arith.constant 1250 : i32
    %lt3A_600 = arith.cmpi slt, %add3A_598, %lt3A_599 : i32
    %convert_element_type3A_601 = arith.extui %lt3A_600 : i1 to i32
    %cond3A_602 = arith.constant 0 : i32
    %cond3A_603 = arith.cmpi ne, %convert_element_type3A_601, %cond3A_602 : i32
    scf.if %cond3A_603 {
      %dma_wait3A = arith.constant 0 : i32
      %dma_wait3A_843 = arith.constant 0 : i32
      %dma_wait3A_844 = tpu.memref_slice %arg22[%dma_wait3A, %dma_wait3A_843] : memref<10112x8xf32, #tpu.memory_space<vmem_shared>> -> memref<10112x8xf32, #tpu.memory_space<vmem_shared>>
      tpu.wait_indirect_dma semaphore(%arg32 : memref<!tpu.dma_semaphore, #tpu.memory_space<semaphore_mem>>) src(%arg15 : memref<128x8xf32, #tpu.memory_space<vmem>>) dst(%dma_wait3A_844 : memref<10112x8xf32, #tpu.memory_space<vmem_shared>>)
    } else {
    }
    %add3A_604 = arith.constant 26 : i32
    %add3A_605 = arith.addi %mul3A_2, %add3A_604 : i32
    %lt3A_606 = arith.constant 1250 : i32
    %lt3A_607 = arith.cmpi slt, %add3A_605, %lt3A_606 : i32
    %convert_element_type3A_608 = arith.extui %lt3A_607 : i1 to i32
    %cond3A_609 = arith.constant 0 : i32
    %cond3A_610 = arith.cmpi ne, %convert_element_type3A_608, %cond3A_609 : i32
    scf.if %cond3A_610 {
      %dma_wait3A = arith.constant 0 : i32
      %dma_wait3A_843 = arith.constant 0 : i32
      %dma_wait3A_844 = tpu.memref_slice %arg22[%dma_wait3A, %dma_wait3A_843] : memref<10112x8xf32, #tpu.memory_space<vmem_shared>> -> memref<10112x8xf32, #tpu.memory_space<vmem_shared>>
      tpu.wait_indirect_dma semaphore(%arg33 : memref<!tpu.dma_semaphore, #tpu.memory_space<semaphore_mem>>) src(%arg16 : memref<128x8xf32, #tpu.memory_space<vmem>>) dst(%dma_wait3A_844 : memref<10112x8xf32, #tpu.memory_space<vmem_shared>>)
    } else {
    }
    %add3A_611 = arith.constant 27 : i32
    %add3A_612 = arith.addi %mul3A_2, %add3A_611 : i32
    %lt3A_613 = arith.constant 1250 : i32
    %lt3A_614 = arith.cmpi slt, %add3A_612, %lt3A_613 : i32
    %convert_element_type3A_615 = arith.extui %lt3A_614 : i1 to i32
    %cond3A_616 = arith.constant 0 : i32
    %cond3A_617 = arith.cmpi ne, %convert_element_type3A_615, %cond3A_616 : i32
    scf.if %cond3A_617 {
      %dma_wait3A = arith.constant 0 : i32
      %dma_wait3A_843 = arith.constant 0 : i32
      %dma_wait3A_844 = tpu.memref_slice %arg22[%dma_wait3A, %dma_wait3A_843] : memref<10112x8xf32, #tpu.memory_space<vmem_shared>> -> memref<10112x8xf32, #tpu.memory_space<vmem_shared>>
      tpu.wait_indirect_dma semaphore(%arg34 : memref<!tpu.dma_semaphore, #tpu.memory_space<semaphore_mem>>) src(%arg17 : memref<128x8xf32, #tpu.memory_space<vmem>>) dst(%dma_wait3A_844 : memref<10112x8xf32, #tpu.memory_space<vmem_shared>>)
    } else {
    }
    %add3A_618 = arith.constant 32 : i32
    %add3A_619 = arith.addi %mul3A_2, %add3A_618 : i32
    %lt3A_620 = arith.constant 1250 : i32
    %lt3A_621 = arith.cmpi slt, %add3A_619, %lt3A_620 : i32
    %convert_element_type3A_622 = arith.extui %lt3A_621 : i1 to i32
    %cond3A_623 = arith.constant 0 : i32
    %cond3A_624 = arith.cmpi ne, %convert_element_type3A_622, %cond3A_623 : i32
    scf.if %cond3A_624 {
      %add3A_843 = arith.constant 32 : i32
      %add3A_844 = arith.addi %mul3A_2, %add3A_843 : i32
      %mul3A_845 = arith.constant 128 : i32
      %mul3A_846 = arith.muli %add3A_844, %mul3A_845 : i32
      %dma_start3A = tpu.memref_slice %arg3[%mul3A_846] : memref<160000xi32, #tpu.memory_space<hbm>> -> memref<128xi32, #tpu.memory_space<hbm>>
      %dma_start3A_847 = tpu.memref_slice %arg3[%mul3A_846] : memref<160000xi32, #tpu.memory_space<hbm>> -> memref<128xi32, #tpu.memory_space<hbm>>
      tpu.enqueue_dma source(%dma_start3A_847 : memref<128xi32, #tpu.memory_space<hbm>>) target(%arg6 : memref<128xi32, #tpu.memory_space<vmem>>) target_semaphore(%arg23 : memref<!tpu.dma_semaphore, #tpu.memory_space<semaphore_mem>>)
      %mul3A_848 = arith.constant 128 : i32
      %mul3A_849 = arith.muli %add3A_844, %mul3A_848 : i32
      %dma_start3A_850 = arith.constant 0 : i32
      %dma_start3A_851 = tpu.memref_slice %arg2[%mul3A_849, %dma_start3A_850] : memref<160000x8xf32, #tpu.memory_space<hbm>> -> memref<128x8xf32, #tpu.memory_space<hbm>>
      %dma_start3A_852 = arith.constant 0 : i32
      %dma_start3A_853 = tpu.memref_slice %arg2[%mul3A_849, %dma_start3A_852] : memref<160000x8xf32, #tpu.memory_space<hbm>> -> memref<128x8xf32, #tpu.memory_space<hbm>>
      tpu.enqueue_dma source(%dma_start3A_853 : memref<128x8xf32, #tpu.memory_space<hbm>>) target(%arg14 : memref<128x8xf32, #tpu.memory_space<vmem>>) target_semaphore(%arg23 : memref<!tpu.dma_semaphore, #tpu.memory_space<semaphore_mem>>)
    } else {
    }
    %add3A_625 = arith.constant 33 : i32
    %add3A_626 = arith.addi %mul3A_2, %add3A_625 : i32
    %lt3A_627 = arith.constant 1250 : i32
    %lt3A_628 = arith.cmpi slt, %add3A_626, %lt3A_627 : i32
    %convert_element_type3A_629 = arith.extui %lt3A_628 : i1 to i32
    %cond3A_630 = arith.constant 0 : i32
    %cond3A_631 = arith.cmpi ne, %convert_element_type3A_629, %cond3A_630 : i32
    scf.if %cond3A_631 {
      %add3A_843 = arith.constant 33 : i32
      %add3A_844 = arith.addi %mul3A_2, %add3A_843 : i32
      %mul3A_845 = arith.constant 128 : i32
      %mul3A_846 = arith.muli %add3A_844, %mul3A_845 : i32
      %dma_start3A = tpu.memref_slice %arg3[%mul3A_846] : memref<160000xi32, #tpu.memory_space<hbm>> -> memref<128xi32, #tpu.memory_space<hbm>>
      %dma_start3A_847 = tpu.memref_slice %arg3[%mul3A_846] : memref<160000xi32, #tpu.memory_space<hbm>> -> memref<128xi32, #tpu.memory_space<hbm>>
      tpu.enqueue_dma source(%dma_start3A_847 : memref<128xi32, #tpu.memory_space<hbm>>) target(%arg7 : memref<128xi32, #tpu.memory_space<vmem>>) target_semaphore(%arg24 : memref<!tpu.dma_semaphore, #tpu.memory_space<semaphore_mem>>)
      %mul3A_848 = arith.constant 128 : i32
      %mul3A_849 = arith.muli %add3A_844, %mul3A_848 : i32
      %dma_start3A_850 = arith.constant 0 : i32
      %dma_start3A_851 = tpu.memref_slice %arg2[%mul3A_849, %dma_start3A_850] : memref<160000x8xf32, #tpu.memory_space<hbm>> -> memref<128x8xf32, #tpu.memory_space<hbm>>
      %dma_start3A_852 = arith.constant 0 : i32
      %dma_start3A_853 = tpu.memref_slice %arg2[%mul3A_849, %dma_start3A_852] : memref<160000x8xf32, #tpu.memory_space<hbm>> -> memref<128x8xf32, #tpu.memory_space<hbm>>
      tpu.enqueue_dma source(%dma_start3A_853 : memref<128x8xf32, #tpu.memory_space<hbm>>) target(%arg15 : memref<128x8xf32, #tpu.memory_space<vmem>>) target_semaphore(%arg24 : memref<!tpu.dma_semaphore, #tpu.memory_space<semaphore_mem>>)
    } else {
    }
    %add3A_632 = arith.constant 34 : i32
    %add3A_633 = arith.addi %mul3A_2, %add3A_632 : i32
    %lt3A_634 = arith.constant 1250 : i32
    %lt3A_635 = arith.cmpi slt, %add3A_633, %lt3A_634 : i32
    %convert_element_type3A_636 = arith.extui %lt3A_635 : i1 to i32
    %cond3A_637 = arith.constant 0 : i32
    %cond3A_638 = arith.cmpi ne, %convert_element_type3A_636, %cond3A_637 : i32
    scf.if %cond3A_638 {
      %add3A_843 = arith.constant 34 : i32
      %add3A_844 = arith.addi %mul3A_2, %add3A_843 : i32
      %mul3A_845 = arith.constant 128 : i32
      %mul3A_846 = arith.muli %add3A_844, %mul3A_845 : i32
      %dma_start3A = tpu.memref_slice %arg3[%mul3A_846] : memref<160000xi32, #tpu.memory_space<hbm>> -> memref<128xi32, #tpu.memory_space<hbm>>
      %dma_start3A_847 = tpu.memref_slice %arg3[%mul3A_846] : memref<160000xi32, #tpu.memory_space<hbm>> -> memref<128xi32, #tpu.memory_space<hbm>>
      tpu.enqueue_dma source(%dma_start3A_847 : memref<128xi32, #tpu.memory_space<hbm>>) target(%arg8 : memref<128xi32, #tpu.memory_space<vmem>>) target_semaphore(%arg25 : memref<!tpu.dma_semaphore, #tpu.memory_space<semaphore_mem>>)
      %mul3A_848 = arith.constant 128 : i32
      %mul3A_849 = arith.muli %add3A_844, %mul3A_848 : i32
      %dma_start3A_850 = arith.constant 0 : i32
      %dma_start3A_851 = tpu.memref_slice %arg2[%mul3A_849, %dma_start3A_850] : memref<160000x8xf32, #tpu.memory_space<hbm>> -> memref<128x8xf32, #tpu.memory_space<hbm>>
      %dma_start3A_852 = arith.constant 0 : i32
      %dma_start3A_853 = tpu.memref_slice %arg2[%mul3A_849, %dma_start3A_852] : memref<160000x8xf32, #tpu.memory_space<hbm>> -> memref<128x8xf32, #tpu.memory_space<hbm>>
      tpu.enqueue_dma source(%dma_start3A_853 : memref<128x8xf32, #tpu.memory_space<hbm>>) target(%arg16 : memref<128x8xf32, #tpu.memory_space<vmem>>) target_semaphore(%arg25 : memref<!tpu.dma_semaphore, #tpu.memory_space<semaphore_mem>>)
    } else {
    }
    %add3A_639 = arith.constant 35 : i32
    %add3A_640 = arith.addi %mul3A_2, %add3A_639 : i32
    %lt3A_641 = arith.constant 1250 : i32
    %lt3A_642 = arith.cmpi slt, %add3A_640, %lt3A_641 : i32
    %convert_element_type3A_643 = arith.extui %lt3A_642 : i1 to i32
    %cond3A_644 = arith.constant 0 : i32
    %cond3A_645 = arith.cmpi ne, %convert_element_type3A_643, %cond3A_644 : i32
    scf.if %cond3A_645 {
      %add3A_843 = arith.constant 35 : i32
      %add3A_844 = arith.addi %mul3A_2, %add3A_843 : i32
      %mul3A_845 = arith.constant 128 : i32
      %mul3A_846 = arith.muli %add3A_844, %mul3A_845 : i32
      %dma_start3A = tpu.memref_slice %arg3[%mul3A_846] : memref<160000xi32, #tpu.memory_space<hbm>> -> memref<128xi32, #tpu.memory_space<hbm>>
      %dma_start3A_847 = tpu.memref_slice %arg3[%mul3A_846] : memref<160000xi32, #tpu.memory_space<hbm>> -> memref<128xi32, #tpu.memory_space<hbm>>
      tpu.enqueue_dma source(%dma_start3A_847 : memref<128xi32, #tpu.memory_space<hbm>>) target(%arg9 : memref<128xi32, #tpu.memory_space<vmem>>) target_semaphore(%arg26 : memref<!tpu.dma_semaphore, #tpu.memory_space<semaphore_mem>>)
      %mul3A_848 = arith.constant 128 : i32
      %mul3A_849 = arith.muli %add3A_844, %mul3A_848 : i32
      %dma_start3A_850 = arith.constant 0 : i32
      %dma_start3A_851 = tpu.memref_slice %arg2[%mul3A_849, %dma_start3A_850] : memref<160000x8xf32, #tpu.memory_space<hbm>> -> memref<128x8xf32, #tpu.memory_space<hbm>>
      %dma_start3A_852 = arith.constant 0 : i32
      %dma_start3A_853 = tpu.memref_slice %arg2[%mul3A_849, %dma_start3A_852] : memref<160000x8xf32, #tpu.memory_space<hbm>> -> memref<128x8xf32, #tpu.memory_space<hbm>>
      tpu.enqueue_dma source(%dma_start3A_853 : memref<128x8xf32, #tpu.memory_space<hbm>>) target(%arg17 : memref<128x8xf32, #tpu.memory_space<vmem>>) target_semaphore(%arg26 : memref<!tpu.dma_semaphore, #tpu.memory_space<semaphore_mem>>)
    } else {
    }
    %add3A_646 = arith.constant 28 : i32
    %add3A_647 = arith.addi %mul3A_2, %add3A_646 : i32
    %lt3A_648 = arith.constant 1250 : i32
    %lt3A_649 = arith.cmpi slt, %add3A_647, %lt3A_648 : i32
    %convert_element_type3A_650 = arith.extui %lt3A_649 : i1 to i32
    %cond3A_651 = arith.constant 0 : i32
    %cond3A_652 = arith.cmpi ne, %convert_element_type3A_650, %cond3A_651 : i32
    scf.if %cond3A_652 {
      %add3A_843 = arith.constant 28 : i32
      %add3A_844 = arith.addi %mul3A_2, %add3A_843 : i32
      %mul3A_845 = arith.constant 128 : i32
      %mul3A_846 = arith.muli %add3A_844, %mul3A_845 : i32
      %dma_wait3A = tpu.memref_slice %arg3[%mul3A_846] : memref<160000xi32, #tpu.memory_space<hbm>> -> memref<128xi32, #tpu.memory_space<hbm>>
      %dma_wait3A_847 = tpu.memref_slice %arg3[%mul3A_846] : memref<160000xi32, #tpu.memory_space<hbm>> -> memref<128xi32, #tpu.memory_space<hbm>>
      tpu.wait_dma2 semaphore(%arg27 : memref<!tpu.dma_semaphore, #tpu.memory_space<semaphore_mem>>) src(%dma_wait3A_847 : memref<128xi32, #tpu.memory_space<hbm>>) dst(%arg10 : memref<128xi32, #tpu.memory_space<vmem>>)
      %mul3A_848 = arith.constant 128 : i32
      %mul3A_849 = arith.muli %add3A_844, %mul3A_848 : i32
      %dma_wait3A_850 = arith.constant 0 : i32
      %dma_wait3A_851 = tpu.memref_slice %arg2[%mul3A_849, %dma_wait3A_850] : memref<160000x8xf32, #tpu.memory_space<hbm>> -> memref<128x8xf32, #tpu.memory_space<hbm>>
      %dma_wait3A_852 = arith.constant 0 : i32
      %dma_wait3A_853 = tpu.memref_slice %arg2[%mul3A_849, %dma_wait3A_852] : memref<160000x8xf32, #tpu.memory_space<hbm>> -> memref<128x8xf32, #tpu.memory_space<hbm>>
      tpu.wait_dma2 semaphore(%arg27 : memref<!tpu.dma_semaphore, #tpu.memory_space<semaphore_mem>>) src(%dma_wait3A_853 : memref<128x8xf32, #tpu.memory_space<hbm>>) dst(%arg18 : memref<128x8xf32, #tpu.memory_space<vmem>>)
      %dma_start3A = arith.constant 0 : i32
      %dma_start3A_854 = arith.constant 0 : i32
      %dma_start3A_855 = tpu.memref_slice %arg22[%dma_start3A, %dma_start3A_854] : memref<10112x8xf32, #tpu.memory_space<vmem_shared>> -> memref<10112x8xf32, #tpu.memory_space<vmem_shared>>
      tpu.enqueue_indirect_dma source(%arg18 : memref<128x8xf32, #tpu.memory_space<vmem>>) target(%dma_start3A_855 : memref<10112x8xf32, #tpu.memory_space<vmem_shared>>) offsets(%arg10 : memref<128xi32, #tpu.memory_space<vmem>>) semaphore(%arg35 : memref<!tpu.dma_semaphore, #tpu.memory_space<semaphore_mem>>) {add = true}
    } else {
    }
    %add3A_653 = arith.constant 29 : i32
    %add3A_654 = arith.addi %mul3A_2, %add3A_653 : i32
    %lt3A_655 = arith.constant 1250 : i32
    %lt3A_656 = arith.cmpi slt, %add3A_654, %lt3A_655 : i32
    %convert_element_type3A_657 = arith.extui %lt3A_656 : i1 to i32
    %cond3A_658 = arith.constant 0 : i32
    %cond3A_659 = arith.cmpi ne, %convert_element_type3A_657, %cond3A_658 : i32
    scf.if %cond3A_659 {
      %add3A_843 = arith.constant 29 : i32
      %add3A_844 = arith.addi %mul3A_2, %add3A_843 : i32
      %mul3A_845 = arith.constant 128 : i32
      %mul3A_846 = arith.muli %add3A_844, %mul3A_845 : i32
      %dma_wait3A = tpu.memref_slice %arg3[%mul3A_846] : memref<160000xi32, #tpu.memory_space<hbm>> -> memref<128xi32, #tpu.memory_space<hbm>>
      %dma_wait3A_847 = tpu.memref_slice %arg3[%mul3A_846] : memref<160000xi32, #tpu.memory_space<hbm>> -> memref<128xi32, #tpu.memory_space<hbm>>
      tpu.wait_dma2 semaphore(%arg28 : memref<!tpu.dma_semaphore, #tpu.memory_space<semaphore_mem>>) src(%dma_wait3A_847 : memref<128xi32, #tpu.memory_space<hbm>>) dst(%arg11 : memref<128xi32, #tpu.memory_space<vmem>>)
      %mul3A_848 = arith.constant 128 : i32
      %mul3A_849 = arith.muli %add3A_844, %mul3A_848 : i32
      %dma_wait3A_850 = arith.constant 0 : i32
      %dma_wait3A_851 = tpu.memref_slice %arg2[%mul3A_849, %dma_wait3A_850] : memref<160000x8xf32, #tpu.memory_space<hbm>> -> memref<128x8xf32, #tpu.memory_space<hbm>>
      %dma_wait3A_852 = arith.constant 0 : i32
      %dma_wait3A_853 = tpu.memref_slice %arg2[%mul3A_849, %dma_wait3A_852] : memref<160000x8xf32, #tpu.memory_space<hbm>> -> memref<128x8xf32, #tpu.memory_space<hbm>>
      tpu.wait_dma2 semaphore(%arg28 : memref<!tpu.dma_semaphore, #tpu.memory_space<semaphore_mem>>) src(%dma_wait3A_853 : memref<128x8xf32, #tpu.memory_space<hbm>>) dst(%arg19 : memref<128x8xf32, #tpu.memory_space<vmem>>)
      %dma_start3A = arith.constant 0 : i32
      %dma_start3A_854 = arith.constant 0 : i32
      %dma_start3A_855 = tpu.memref_slice %arg22[%dma_start3A, %dma_start3A_854] : memref<10112x8xf32, #tpu.memory_space<vmem_shared>> -> memref<10112x8xf32, #tpu.memory_space<vmem_shared>>
      tpu.enqueue_indirect_dma source(%arg19 : memref<128x8xf32, #tpu.memory_space<vmem>>) target(%dma_start3A_855 : memref<10112x8xf32, #tpu.memory_space<vmem_shared>>) offsets(%arg11 : memref<128xi32, #tpu.memory_space<vmem>>) semaphore(%arg36 : memref<!tpu.dma_semaphore, #tpu.memory_space<semaphore_mem>>) {add = true}
    } else {
    }
    %add3A_660 = arith.constant 30 : i32
    %add3A_661 = arith.addi %mul3A_2, %add3A_660 : i32
    %lt3A_662 = arith.constant 1250 : i32
    %lt3A_663 = arith.cmpi slt, %add3A_661, %lt3A_662 : i32
    %convert_element_type3A_664 = arith.extui %lt3A_663 : i1 to i32
    %cond3A_665 = arith.constant 0 : i32
    %cond3A_666 = arith.cmpi ne, %convert_element_type3A_664, %cond3A_665 : i32
    scf.if %cond3A_666 {
      %add3A_843 = arith.constant 30 : i32
      %add3A_844 = arith.addi %mul3A_2, %add3A_843 : i32
      %mul3A_845 = arith.constant 128 : i32
      %mul3A_846 = arith.muli %add3A_844, %mul3A_845 : i32
      %dma_wait3A = tpu.memref_slice %arg3[%mul3A_846] : memref<160000xi32, #tpu.memory_space<hbm>> -> memref<128xi32, #tpu.memory_space<hbm>>
      %dma_wait3A_847 = tpu.memref_slice %arg3[%mul3A_846] : memref<160000xi32, #tpu.memory_space<hbm>> -> memref<128xi32, #tpu.memory_space<hbm>>
      tpu.wait_dma2 semaphore(%arg29 : memref<!tpu.dma_semaphore, #tpu.memory_space<semaphore_mem>>) src(%dma_wait3A_847 : memref<128xi32, #tpu.memory_space<hbm>>) dst(%arg12 : memref<128xi32, #tpu.memory_space<vmem>>)
      %mul3A_848 = arith.constant 128 : i32
      %mul3A_849 = arith.muli %add3A_844, %mul3A_848 : i32
      %dma_wait3A_850 = arith.constant 0 : i32
      %dma_wait3A_851 = tpu.memref_slice %arg2[%mul3A_849, %dma_wait3A_850] : memref<160000x8xf32, #tpu.memory_space<hbm>> -> memref<128x8xf32, #tpu.memory_space<hbm>>
      %dma_wait3A_852 = arith.constant 0 : i32
      %dma_wait3A_853 = tpu.memref_slice %arg2[%mul3A_849, %dma_wait3A_852] : memref<160000x8xf32, #tpu.memory_space<hbm>> -> memref<128x8xf32, #tpu.memory_space<hbm>>
      tpu.wait_dma2 semaphore(%arg29 : memref<!tpu.dma_semaphore, #tpu.memory_space<semaphore_mem>>) src(%dma_wait3A_853 : memref<128x8xf32, #tpu.memory_space<hbm>>) dst(%arg20 : memref<128x8xf32, #tpu.memory_space<vmem>>)
      %dma_start3A = arith.constant 0 : i32
      %dma_start3A_854 = arith.constant 0 : i32
      %dma_start3A_855 = tpu.memref_slice %arg22[%dma_start3A, %dma_start3A_854] : memref<10112x8xf32, #tpu.memory_space<vmem_shared>> -> memref<10112x8xf32, #tpu.memory_space<vmem_shared>>
      tpu.enqueue_indirect_dma source(%arg20 : memref<128x8xf32, #tpu.memory_space<vmem>>) target(%dma_start3A_855 : memref<10112x8xf32, #tpu.memory_space<vmem_shared>>) offsets(%arg12 : memref<128xi32, #tpu.memory_space<vmem>>) semaphore(%arg37 : memref<!tpu.dma_semaphore, #tpu.memory_space<semaphore_mem>>) {add = true}
    } else {
    }
    %add3A_667 = arith.constant 31 : i32
    %add3A_668 = arith.addi %mul3A_2, %add3A_667 : i32
    %lt3A_669 = arith.constant 1250 : i32
    %lt3A_670 = arith.cmpi slt, %add3A_668, %lt3A_669 : i32
    %convert_element_type3A_671 = arith.extui %lt3A_670 : i1 to i32
    %cond3A_672 = arith.constant 0 : i32
    %cond3A_673 = arith.cmpi ne, %convert_element_type3A_671, %cond3A_672 : i32
    scf.if %cond3A_673 {
      %add3A_843 = arith.constant 31 : i32
      %add3A_844 = arith.addi %mul3A_2, %add3A_843 : i32
      %mul3A_845 = arith.constant 128 : i32
      %mul3A_846 = arith.muli %add3A_844, %mul3A_845 : i32
      %dma_wait3A = tpu.memref_slice %arg3[%mul3A_846] : memref<160000xi32, #tpu.memory_space<hbm>> -> memref<128xi32, #tpu.memory_space<hbm>>
      %dma_wait3A_847 = tpu.memref_slice %arg3[%mul3A_846] : memref<160000xi32, #tpu.memory_space<hbm>> -> memref<128xi32, #tpu.memory_space<hbm>>
      tpu.wait_dma2 semaphore(%arg30 : memref<!tpu.dma_semaphore, #tpu.memory_space<semaphore_mem>>) src(%dma_wait3A_847 : memref<128xi32, #tpu.memory_space<hbm>>) dst(%arg13 : memref<128xi32, #tpu.memory_space<vmem>>)
      %mul3A_848 = arith.constant 128 : i32
      %mul3A_849 = arith.muli %add3A_844, %mul3A_848 : i32
      %dma_wait3A_850 = arith.constant 0 : i32
      %dma_wait3A_851 = tpu.memref_slice %arg2[%mul3A_849, %dma_wait3A_850] : memref<160000x8xf32, #tpu.memory_space<hbm>> -> memref<128x8xf32, #tpu.memory_space<hbm>>
      %dma_wait3A_852 = arith.constant 0 : i32
      %dma_wait3A_853 = tpu.memref_slice %arg2[%mul3A_849, %dma_wait3A_852] : memref<160000x8xf32, #tpu.memory_space<hbm>> -> memref<128x8xf32, #tpu.memory_space<hbm>>
      tpu.wait_dma2 semaphore(%arg30 : memref<!tpu.dma_semaphore, #tpu.memory_space<semaphore_mem>>) src(%dma_wait3A_853 : memref<128x8xf32, #tpu.memory_space<hbm>>) dst(%arg21 : memref<128x8xf32, #tpu.memory_space<vmem>>)
      %dma_start3A = arith.constant 0 : i32
      %dma_start3A_854 = arith.constant 0 : i32
      %dma_start3A_855 = tpu.memref_slice %arg22[%dma_start3A, %dma_start3A_854] : memref<10112x8xf32, #tpu.memory_space<vmem_shared>> -> memref<10112x8xf32, #tpu.memory_space<vmem_shared>>
      tpu.enqueue_indirect_dma source(%arg21 : memref<128x8xf32, #tpu.memory_space<vmem>>) target(%dma_start3A_855 : memref<10112x8xf32, #tpu.memory_space<vmem_shared>>) offsets(%arg13 : memref<128xi32, #tpu.memory_space<vmem>>) semaphore(%arg38 : memref<!tpu.dma_semaphore, #tpu.memory_space<semaphore_mem>>) {add = true}
    } else {
    }
    %add3A_674 = arith.constant 28 : i32
    %add3A_675 = arith.addi %mul3A_2, %add3A_674 : i32
    %lt3A_676 = arith.constant 1250 : i32
    %lt3A_677 = arith.cmpi slt, %add3A_675, %lt3A_676 : i32
    %convert_element_type3A_678 = arith.extui %lt3A_677 : i1 to i32
    %cond3A_679 = arith.constant 0 : i32
    %cond3A_680 = arith.cmpi ne, %convert_element_type3A_678, %cond3A_679 : i32
    scf.if %cond3A_680 {
      %dma_wait3A = arith.constant 0 : i32
      %dma_wait3A_843 = arith.constant 0 : i32
      %dma_wait3A_844 = tpu.memref_slice %arg22[%dma_wait3A, %dma_wait3A_843] : memref<10112x8xf32, #tpu.memory_space<vmem_shared>> -> memref<10112x8xf32, #tpu.memory_space<vmem_shared>>
      tpu.wait_indirect_dma semaphore(%arg35 : memref<!tpu.dma_semaphore, #tpu.memory_space<semaphore_mem>>) src(%arg18 : memref<128x8xf32, #tpu.memory_space<vmem>>) dst(%dma_wait3A_844 : memref<10112x8xf32, #tpu.memory_space<vmem_shared>>)
    } else {
    }
    %add3A_681 = arith.constant 29 : i32
    %add3A_682 = arith.addi %mul3A_2, %add3A_681 : i32
    %lt3A_683 = arith.constant 1250 : i32
    %lt3A_684 = arith.cmpi slt, %add3A_682, %lt3A_683 : i32
    %convert_element_type3A_685 = arith.extui %lt3A_684 : i1 to i32
    %cond3A_686 = arith.constant 0 : i32
    %cond3A_687 = arith.cmpi ne, %convert_element_type3A_685, %cond3A_686 : i32
    scf.if %cond3A_687 {
      %dma_wait3A = arith.constant 0 : i32
      %dma_wait3A_843 = arith.constant 0 : i32
      %dma_wait3A_844 = tpu.memref_slice %arg22[%dma_wait3A, %dma_wait3A_843] : memref<10112x8xf32, #tpu.memory_space<vmem_shared>> -> memref<10112x8xf32, #tpu.memory_space<vmem_shared>>
      tpu.wait_indirect_dma semaphore(%arg36 : memref<!tpu.dma_semaphore, #tpu.memory_space<semaphore_mem>>) src(%arg19 : memref<128x8xf32, #tpu.memory_space<vmem>>) dst(%dma_wait3A_844 : memref<10112x8xf32, #tpu.memory_space<vmem_shared>>)
    } else {
    }
    %add3A_688 = arith.constant 30 : i32
    %add3A_689 = arith.addi %mul3A_2, %add3A_688 : i32
    %lt3A_690 = arith.constant 1250 : i32
    %lt3A_691 = arith.cmpi slt, %add3A_689, %lt3A_690 : i32
    %convert_element_type3A_692 = arith.extui %lt3A_691 : i1 to i32
    %cond3A_693 = arith.constant 0 : i32
    %cond3A_694 = arith.cmpi ne, %convert_element_type3A_692, %cond3A_693 : i32
    scf.if %cond3A_694 {
      %dma_wait3A = arith.constant 0 : i32
      %dma_wait3A_843 = arith.constant 0 : i32
      %dma_wait3A_844 = tpu.memref_slice %arg22[%dma_wait3A, %dma_wait3A_843] : memref<10112x8xf32, #tpu.memory_space<vmem_shared>> -> memref<10112x8xf32, #tpu.memory_space<vmem_shared>>
      tpu.wait_indirect_dma semaphore(%arg37 : memref<!tpu.dma_semaphore, #tpu.memory_space<semaphore_mem>>) src(%arg20 : memref<128x8xf32, #tpu.memory_space<vmem>>) dst(%dma_wait3A_844 : memref<10112x8xf32, #tpu.memory_space<vmem_shared>>)
    } else {
    }
    %add3A_695 = arith.constant 31 : i32
    %add3A_696 = arith.addi %mul3A_2, %add3A_695 : i32
    %lt3A_697 = arith.constant 1250 : i32
    %lt3A_698 = arith.cmpi slt, %add3A_696, %lt3A_697 : i32
    %convert_element_type3A_699 = arith.extui %lt3A_698 : i1 to i32
    %cond3A_700 = arith.constant 0 : i32
    %cond3A_701 = arith.cmpi ne, %convert_element_type3A_699, %cond3A_700 : i32
    scf.if %cond3A_701 {
      %dma_wait3A = arith.constant 0 : i32
      %dma_wait3A_843 = arith.constant 0 : i32
      %dma_wait3A_844 = tpu.memref_slice %arg22[%dma_wait3A, %dma_wait3A_843] : memref<10112x8xf32, #tpu.memory_space<vmem_shared>> -> memref<10112x8xf32, #tpu.memory_space<vmem_shared>>
      tpu.wait_indirect_dma semaphore(%arg38 : memref<!tpu.dma_semaphore, #tpu.memory_space<semaphore_mem>>) src(%arg21 : memref<128x8xf32, #tpu.memory_space<vmem>>) dst(%dma_wait3A_844 : memref<10112x8xf32, #tpu.memory_space<vmem_shared>>)
    } else {
    }
    %add3A_702 = arith.constant 36 : i32
    %add3A_703 = arith.addi %mul3A_2, %add3A_702 : i32
    %lt3A_704 = arith.constant 1250 : i32
    %lt3A_705 = arith.cmpi slt, %add3A_703, %lt3A_704 : i32
    %convert_element_type3A_706 = arith.extui %lt3A_705 : i1 to i32
    %cond3A_707 = arith.constant 0 : i32
    %cond3A_708 = arith.cmpi ne, %convert_element_type3A_706, %cond3A_707 : i32
    scf.if %cond3A_708 {
      %add3A_843 = arith.constant 36 : i32
      %add3A_844 = arith.addi %mul3A_2, %add3A_843 : i32
      %mul3A_845 = arith.constant 128 : i32
      %mul3A_846 = arith.muli %add3A_844, %mul3A_845 : i32
      %dma_start3A = tpu.memref_slice %arg3[%mul3A_846] : memref<160000xi32, #tpu.memory_space<hbm>> -> memref<128xi32, #tpu.memory_space<hbm>>
      %dma_start3A_847 = tpu.memref_slice %arg3[%mul3A_846] : memref<160000xi32, #tpu.memory_space<hbm>> -> memref<128xi32, #tpu.memory_space<hbm>>
      tpu.enqueue_dma source(%dma_start3A_847 : memref<128xi32, #tpu.memory_space<hbm>>) target(%arg10 : memref<128xi32, #tpu.memory_space<vmem>>) target_semaphore(%arg27 : memref<!tpu.dma_semaphore, #tpu.memory_space<semaphore_mem>>)
      %mul3A_848 = arith.constant 128 : i32
      %mul3A_849 = arith.muli %add3A_844, %mul3A_848 : i32
      %dma_start3A_850 = arith.constant 0 : i32
      %dma_start3A_851 = tpu.memref_slice %arg2[%mul3A_849, %dma_start3A_850] : memref<160000x8xf32, #tpu.memory_space<hbm>> -> memref<128x8xf32, #tpu.memory_space<hbm>>
      %dma_start3A_852 = arith.constant 0 : i32
      %dma_start3A_853 = tpu.memref_slice %arg2[%mul3A_849, %dma_start3A_852] : memref<160000x8xf32, #tpu.memory_space<hbm>> -> memref<128x8xf32, #tpu.memory_space<hbm>>
      tpu.enqueue_dma source(%dma_start3A_853 : memref<128x8xf32, #tpu.memory_space<hbm>>) target(%arg18 : memref<128x8xf32, #tpu.memory_space<vmem>>) target_semaphore(%arg27 : memref<!tpu.dma_semaphore, #tpu.memory_space<semaphore_mem>>)
    } else {
    }
    %add3A_709 = arith.constant 37 : i32
    %add3A_710 = arith.addi %mul3A_2, %add3A_709 : i32
    %lt3A_711 = arith.constant 1250 : i32
    %lt3A_712 = arith.cmpi slt, %add3A_710, %lt3A_711 : i32
    %convert_element_type3A_713 = arith.extui %lt3A_712 : i1 to i32
    %cond3A_714 = arith.constant 0 : i32
    %cond3A_715 = arith.cmpi ne, %convert_element_type3A_713, %cond3A_714 : i32
    scf.if %cond3A_715 {
      %add3A_843 = arith.constant 37 : i32
      %add3A_844 = arith.addi %mul3A_2, %add3A_843 : i32
      %mul3A_845 = arith.constant 128 : i32
      %mul3A_846 = arith.muli %add3A_844, %mul3A_845 : i32
      %dma_start3A = tpu.memref_slice %arg3[%mul3A_846] : memref<160000xi32, #tpu.memory_space<hbm>> -> memref<128xi32, #tpu.memory_space<hbm>>
      %dma_start3A_847 = tpu.memref_slice %arg3[%mul3A_846] : memref<160000xi32, #tpu.memory_space<hbm>> -> memref<128xi32, #tpu.memory_space<hbm>>
      tpu.enqueue_dma source(%dma_start3A_847 : memref<128xi32, #tpu.memory_space<hbm>>) target(%arg11 : memref<128xi32, #tpu.memory_space<vmem>>) target_semaphore(%arg28 : memref<!tpu.dma_semaphore, #tpu.memory_space<semaphore_mem>>)
      %mul3A_848 = arith.constant 128 : i32
      %mul3A_849 = arith.muli %add3A_844, %mul3A_848 : i32
      %dma_start3A_850 = arith.constant 0 : i32
      %dma_start3A_851 = tpu.memref_slice %arg2[%mul3A_849, %dma_start3A_850] : memref<160000x8xf32, #tpu.memory_space<hbm>> -> memref<128x8xf32, #tpu.memory_space<hbm>>
      %dma_start3A_852 = arith.constant 0 : i32
      %dma_start3A_853 = tpu.memref_slice %arg2[%mul3A_849, %dma_start3A_852] : memref<160000x8xf32, #tpu.memory_space<hbm>> -> memref<128x8xf32, #tpu.memory_space<hbm>>
      tpu.enqueue_dma source(%dma_start3A_853 : memref<128x8xf32, #tpu.memory_space<hbm>>) target(%arg19 : memref<128x8xf32, #tpu.memory_space<vmem>>) target_semaphore(%arg28 : memref<!tpu.dma_semaphore, #tpu.memory_space<semaphore_mem>>)
    } else {
    }
    %add3A_716 = arith.constant 38 : i32
    %add3A_717 = arith.addi %mul3A_2, %add3A_716 : i32
    %lt3A_718 = arith.constant 1250 : i32
    %lt3A_719 = arith.cmpi slt, %add3A_717, %lt3A_718 : i32
    %convert_element_type3A_720 = arith.extui %lt3A_719 : i1 to i32
    %cond3A_721 = arith.constant 0 : i32
    %cond3A_722 = arith.cmpi ne, %convert_element_type3A_720, %cond3A_721 : i32
    scf.if %cond3A_722 {
      %add3A_843 = arith.constant 38 : i32
      %add3A_844 = arith.addi %mul3A_2, %add3A_843 : i32
      %mul3A_845 = arith.constant 128 : i32
      %mul3A_846 = arith.muli %add3A_844, %mul3A_845 : i32
      %dma_start3A = tpu.memref_slice %arg3[%mul3A_846] : memref<160000xi32, #tpu.memory_space<hbm>> -> memref<128xi32, #tpu.memory_space<hbm>>
      %dma_start3A_847 = tpu.memref_slice %arg3[%mul3A_846] : memref<160000xi32, #tpu.memory_space<hbm>> -> memref<128xi32, #tpu.memory_space<hbm>>
      tpu.enqueue_dma source(%dma_start3A_847 : memref<128xi32, #tpu.memory_space<hbm>>) target(%arg12 : memref<128xi32, #tpu.memory_space<vmem>>) target_semaphore(%arg29 : memref<!tpu.dma_semaphore, #tpu.memory_space<semaphore_mem>>)
      %mul3A_848 = arith.constant 128 : i32
      %mul3A_849 = arith.muli %add3A_844, %mul3A_848 : i32
      %dma_start3A_850 = arith.constant 0 : i32
      %dma_start3A_851 = tpu.memref_slice %arg2[%mul3A_849, %dma_start3A_850] : memref<160000x8xf32, #tpu.memory_space<hbm>> -> memref<128x8xf32, #tpu.memory_space<hbm>>
      %dma_start3A_852 = arith.constant 0 : i32
      %dma_start3A_853 = tpu.memref_slice %arg2[%mul3A_849, %dma_start3A_852] : memref<160000x8xf32, #tpu.memory_space<hbm>> -> memref<128x8xf32, #tpu.memory_space<hbm>>
      tpu.enqueue_dma source(%dma_start3A_853 : memref<128x8xf32, #tpu.memory_space<hbm>>) target(%arg20 : memref<128x8xf32, #tpu.memory_space<vmem>>) target_semaphore(%arg29 : memref<!tpu.dma_semaphore, #tpu.memory_space<semaphore_mem>>)
    } else {
    }
    %add3A_723 = arith.constant 39 : i32
    %add3A_724 = arith.addi %mul3A_2, %add3A_723 : i32
    %lt3A_725 = arith.constant 1250 : i32
    %lt3A_726 = arith.cmpi slt, %add3A_724, %lt3A_725 : i32
    %convert_element_type3A_727 = arith.extui %lt3A_726 : i1 to i32
    %cond3A_728 = arith.constant 0 : i32
    %cond3A_729 = arith.cmpi ne, %convert_element_type3A_727, %cond3A_728 : i32
    scf.if %cond3A_729 {
      %add3A_843 = arith.constant 39 : i32
      %add3A_844 = arith.addi %mul3A_2, %add3A_843 : i32
      %mul3A_845 = arith.constant 128 : i32
      %mul3A_846 = arith.muli %add3A_844, %mul3A_845 : i32
      %dma_start3A = tpu.memref_slice %arg3[%mul3A_846] : memref<160000xi32, #tpu.memory_space<hbm>> -> memref<128xi32, #tpu.memory_space<hbm>>
      %dma_start3A_847 = tpu.memref_slice %arg3[%mul3A_846] : memref<160000xi32, #tpu.memory_space<hbm>> -> memref<128xi32, #tpu.memory_space<hbm>>
      tpu.enqueue_dma source(%dma_start3A_847 : memref<128xi32, #tpu.memory_space<hbm>>) target(%arg13 : memref<128xi32, #tpu.memory_space<vmem>>) target_semaphore(%arg30 : memref<!tpu.dma_semaphore, #tpu.memory_space<semaphore_mem>>)
      %mul3A_848 = arith.constant 128 : i32
      %mul3A_849 = arith.muli %add3A_844, %mul3A_848 : i32
      %dma_start3A_850 = arith.constant 0 : i32
      %dma_start3A_851 = tpu.memref_slice %arg2[%mul3A_849, %dma_start3A_850] : memref<160000x8xf32, #tpu.memory_space<hbm>> -> memref<128x8xf32, #tpu.memory_space<hbm>>
      %dma_start3A_852 = arith.constant 0 : i32
      %dma_start3A_853 = tpu.memref_slice %arg2[%mul3A_849, %dma_start3A_852] : memref<160000x8xf32, #tpu.memory_space<hbm>> -> memref<128x8xf32, #tpu.memory_space<hbm>>
      tpu.enqueue_dma source(%dma_start3A_853 : memref<128x8xf32, #tpu.memory_space<hbm>>) target(%arg21 : memref<128x8xf32, #tpu.memory_space<vmem>>) target_semaphore(%arg30 : memref<!tpu.dma_semaphore, #tpu.memory_space<semaphore_mem>>)
    } else {
    }
    %add3A_730 = arith.constant 32 : i32
    %add3A_731 = arith.addi %mul3A_2, %add3A_730 : i32
    %lt3A_732 = arith.constant 1250 : i32
    %lt3A_733 = arith.cmpi slt, %add3A_731, %lt3A_732 : i32
    %convert_element_type3A_734 = arith.extui %lt3A_733 : i1 to i32
    %cond3A_735 = arith.constant 0 : i32
    %cond3A_736 = arith.cmpi ne, %convert_element_type3A_734, %cond3A_735 : i32
    scf.if %cond3A_736 {
      %add3A_843 = arith.constant 32 : i32
      %add3A_844 = arith.addi %mul3A_2, %add3A_843 : i32
      %mul3A_845 = arith.constant 128 : i32
      %mul3A_846 = arith.muli %add3A_844, %mul3A_845 : i32
      %dma_wait3A = tpu.memref_slice %arg3[%mul3A_846] : memref<160000xi32, #tpu.memory_space<hbm>> -> memref<128xi32, #tpu.memory_space<hbm>>
      %dma_wait3A_847 = tpu.memref_slice %arg3[%mul3A_846] : memref<160000xi32, #tpu.memory_space<hbm>> -> memref<128xi32, #tpu.memory_space<hbm>>
      tpu.wait_dma2 semaphore(%arg23 : memref<!tpu.dma_semaphore, #tpu.memory_space<semaphore_mem>>) src(%dma_wait3A_847 : memref<128xi32, #tpu.memory_space<hbm>>) dst(%arg6 : memref<128xi32, #tpu.memory_space<vmem>>)
      %mul3A_848 = arith.constant 128 : i32
      %mul3A_849 = arith.muli %add3A_844, %mul3A_848 : i32
      %dma_wait3A_850 = arith.constant 0 : i32
      %dma_wait3A_851 = tpu.memref_slice %arg2[%mul3A_849, %dma_wait3A_850] : memref<160000x8xf32, #tpu.memory_space<hbm>> -> memref<128x8xf32, #tpu.memory_space<hbm>>
      %dma_wait3A_852 = arith.constant 0 : i32
      %dma_wait3A_853 = tpu.memref_slice %arg2[%mul3A_849, %dma_wait3A_852] : memref<160000x8xf32, #tpu.memory_space<hbm>> -> memref<128x8xf32, #tpu.memory_space<hbm>>
      tpu.wait_dma2 semaphore(%arg23 : memref<!tpu.dma_semaphore, #tpu.memory_space<semaphore_mem>>) src(%dma_wait3A_853 : memref<128x8xf32, #tpu.memory_space<hbm>>) dst(%arg14 : memref<128x8xf32, #tpu.memory_space<vmem>>)
      %dma_start3A = arith.constant 0 : i32
      %dma_start3A_854 = arith.constant 0 : i32
      %dma_start3A_855 = tpu.memref_slice %arg22[%dma_start3A, %dma_start3A_854] : memref<10112x8xf32, #tpu.memory_space<vmem_shared>> -> memref<10112x8xf32, #tpu.memory_space<vmem_shared>>
      tpu.enqueue_indirect_dma source(%arg14 : memref<128x8xf32, #tpu.memory_space<vmem>>) target(%dma_start3A_855 : memref<10112x8xf32, #tpu.memory_space<vmem_shared>>) offsets(%arg6 : memref<128xi32, #tpu.memory_space<vmem>>) semaphore(%arg31 : memref<!tpu.dma_semaphore, #tpu.memory_space<semaphore_mem>>) {add = true}
    } else {
    }
    %add3A_737 = arith.constant 33 : i32
    %add3A_738 = arith.addi %mul3A_2, %add3A_737 : i32
    %lt3A_739 = arith.constant 1250 : i32
    %lt3A_740 = arith.cmpi slt, %add3A_738, %lt3A_739 : i32
    %convert_element_type3A_741 = arith.extui %lt3A_740 : i1 to i32
    %cond3A_742 = arith.constant 0 : i32
    %cond3A_743 = arith.cmpi ne, %convert_element_type3A_741, %cond3A_742 : i32
    scf.if %cond3A_743 {
      %add3A_843 = arith.constant 33 : i32
      %add3A_844 = arith.addi %mul3A_2, %add3A_843 : i32
      %mul3A_845 = arith.constant 128 : i32
      %mul3A_846 = arith.muli %add3A_844, %mul3A_845 : i32
      %dma_wait3A = tpu.memref_slice %arg3[%mul3A_846] : memref<160000xi32, #tpu.memory_space<hbm>> -> memref<128xi32, #tpu.memory_space<hbm>>
      %dma_wait3A_847 = tpu.memref_slice %arg3[%mul3A_846] : memref<160000xi32, #tpu.memory_space<hbm>> -> memref<128xi32, #tpu.memory_space<hbm>>
      tpu.wait_dma2 semaphore(%arg24 : memref<!tpu.dma_semaphore, #tpu.memory_space<semaphore_mem>>) src(%dma_wait3A_847 : memref<128xi32, #tpu.memory_space<hbm>>) dst(%arg7 : memref<128xi32, #tpu.memory_space<vmem>>)
      %mul3A_848 = arith.constant 128 : i32
      %mul3A_849 = arith.muli %add3A_844, %mul3A_848 : i32
      %dma_wait3A_850 = arith.constant 0 : i32
      %dma_wait3A_851 = tpu.memref_slice %arg2[%mul3A_849, %dma_wait3A_850] : memref<160000x8xf32, #tpu.memory_space<hbm>> -> memref<128x8xf32, #tpu.memory_space<hbm>>
      %dma_wait3A_852 = arith.constant 0 : i32
      %dma_wait3A_853 = tpu.memref_slice %arg2[%mul3A_849, %dma_wait3A_852] : memref<160000x8xf32, #tpu.memory_space<hbm>> -> memref<128x8xf32, #tpu.memory_space<hbm>>
      tpu.wait_dma2 semaphore(%arg24 : memref<!tpu.dma_semaphore, #tpu.memory_space<semaphore_mem>>) src(%dma_wait3A_853 : memref<128x8xf32, #tpu.memory_space<hbm>>) dst(%arg15 : memref<128x8xf32, #tpu.memory_space<vmem>>)
      %dma_start3A = arith.constant 0 : i32
      %dma_start3A_854 = arith.constant 0 : i32
      %dma_start3A_855 = tpu.memref_slice %arg22[%dma_start3A, %dma_start3A_854] : memref<10112x8xf32, #tpu.memory_space<vmem_shared>> -> memref<10112x8xf32, #tpu.memory_space<vmem_shared>>
      tpu.enqueue_indirect_dma source(%arg15 : memref<128x8xf32, #tpu.memory_space<vmem>>) target(%dma_start3A_855 : memref<10112x8xf32, #tpu.memory_space<vmem_shared>>) offsets(%arg7 : memref<128xi32, #tpu.memory_space<vmem>>) semaphore(%arg32 : memref<!tpu.dma_semaphore, #tpu.memory_space<semaphore_mem>>) {add = true}
    } else {
    }
    %add3A_744 = arith.constant 34 : i32
    %add3A_745 = arith.addi %mul3A_2, %add3A_744 : i32
    %lt3A_746 = arith.constant 1250 : i32
    %lt3A_747 = arith.cmpi slt, %add3A_745, %lt3A_746 : i32
    %convert_element_type3A_748 = arith.extui %lt3A_747 : i1 to i32
    %cond3A_749 = arith.constant 0 : i32
    %cond3A_750 = arith.cmpi ne, %convert_element_type3A_748, %cond3A_749 : i32
    scf.if %cond3A_750 {
      %add3A_843 = arith.constant 34 : i32
      %add3A_844 = arith.addi %mul3A_2, %add3A_843 : i32
      %mul3A_845 = arith.constant 128 : i32
      %mul3A_846 = arith.muli %add3A_844, %mul3A_845 : i32
      %dma_wait3A = tpu.memref_slice %arg3[%mul3A_846] : memref<160000xi32, #tpu.memory_space<hbm>> -> memref<128xi32, #tpu.memory_space<hbm>>
      %dma_wait3A_847 = tpu.memref_slice %arg3[%mul3A_846] : memref<160000xi32, #tpu.memory_space<hbm>> -> memref<128xi32, #tpu.memory_space<hbm>>
      tpu.wait_dma2 semaphore(%arg25 : memref<!tpu.dma_semaphore, #tpu.memory_space<semaphore_mem>>) src(%dma_wait3A_847 : memref<128xi32, #tpu.memory_space<hbm>>) dst(%arg8 : memref<128xi32, #tpu.memory_space<vmem>>)
      %mul3A_848 = arith.constant 128 : i32
      %mul3A_849 = arith.muli %add3A_844, %mul3A_848 : i32
      %dma_wait3A_850 = arith.constant 0 : i32
      %dma_wait3A_851 = tpu.memref_slice %arg2[%mul3A_849, %dma_wait3A_850] : memref<160000x8xf32, #tpu.memory_space<hbm>> -> memref<128x8xf32, #tpu.memory_space<hbm>>
      %dma_wait3A_852 = arith.constant 0 : i32
      %dma_wait3A_853 = tpu.memref_slice %arg2[%mul3A_849, %dma_wait3A_852] : memref<160000x8xf32, #tpu.memory_space<hbm>> -> memref<128x8xf32, #tpu.memory_space<hbm>>
      tpu.wait_dma2 semaphore(%arg25 : memref<!tpu.dma_semaphore, #tpu.memory_space<semaphore_mem>>) src(%dma_wait3A_853 : memref<128x8xf32, #tpu.memory_space<hbm>>) dst(%arg16 : memref<128x8xf32, #tpu.memory_space<vmem>>)
      %dma_start3A = arith.constant 0 : i32
      %dma_start3A_854 = arith.constant 0 : i32
      %dma_start3A_855 = tpu.memref_slice %arg22[%dma_start3A, %dma_start3A_854] : memref<10112x8xf32, #tpu.memory_space<vmem_shared>> -> memref<10112x8xf32, #tpu.memory_space<vmem_shared>>
      tpu.enqueue_indirect_dma source(%arg16 : memref<128x8xf32, #tpu.memory_space<vmem>>) target(%dma_start3A_855 : memref<10112x8xf32, #tpu.memory_space<vmem_shared>>) offsets(%arg8 : memref<128xi32, #tpu.memory_space<vmem>>) semaphore(%arg33 : memref<!tpu.dma_semaphore, #tpu.memory_space<semaphore_mem>>) {add = true}
    } else {
    }
    %add3A_751 = arith.constant 35 : i32
    %add3A_752 = arith.addi %mul3A_2, %add3A_751 : i32
    %lt3A_753 = arith.constant 1250 : i32
    %lt3A_754 = arith.cmpi slt, %add3A_752, %lt3A_753 : i32
    %convert_element_type3A_755 = arith.extui %lt3A_754 : i1 to i32
    %cond3A_756 = arith.constant 0 : i32
    %cond3A_757 = arith.cmpi ne, %convert_element_type3A_755, %cond3A_756 : i32
    scf.if %cond3A_757 {
      %add3A_843 = arith.constant 35 : i32
      %add3A_844 = arith.addi %mul3A_2, %add3A_843 : i32
      %mul3A_845 = arith.constant 128 : i32
      %mul3A_846 = arith.muli %add3A_844, %mul3A_845 : i32
      %dma_wait3A = tpu.memref_slice %arg3[%mul3A_846] : memref<160000xi32, #tpu.memory_space<hbm>> -> memref<128xi32, #tpu.memory_space<hbm>>
      %dma_wait3A_847 = tpu.memref_slice %arg3[%mul3A_846] : memref<160000xi32, #tpu.memory_space<hbm>> -> memref<128xi32, #tpu.memory_space<hbm>>
      tpu.wait_dma2 semaphore(%arg26 : memref<!tpu.dma_semaphore, #tpu.memory_space<semaphore_mem>>) src(%dma_wait3A_847 : memref<128xi32, #tpu.memory_space<hbm>>) dst(%arg9 : memref<128xi32, #tpu.memory_space<vmem>>)
      %mul3A_848 = arith.constant 128 : i32
      %mul3A_849 = arith.muli %add3A_844, %mul3A_848 : i32
      %dma_wait3A_850 = arith.constant 0 : i32
      %dma_wait3A_851 = tpu.memref_slice %arg2[%mul3A_849, %dma_wait3A_850] : memref<160000x8xf32, #tpu.memory_space<hbm>> -> memref<128x8xf32, #tpu.memory_space<hbm>>
      %dma_wait3A_852 = arith.constant 0 : i32
      %dma_wait3A_853 = tpu.memref_slice %arg2[%mul3A_849, %dma_wait3A_852] : memref<160000x8xf32, #tpu.memory_space<hbm>> -> memref<128x8xf32, #tpu.memory_space<hbm>>
      tpu.wait_dma2 semaphore(%arg26 : memref<!tpu.dma_semaphore, #tpu.memory_space<semaphore_mem>>) src(%dma_wait3A_853 : memref<128x8xf32, #tpu.memory_space<hbm>>) dst(%arg17 : memref<128x8xf32, #tpu.memory_space<vmem>>)
      %dma_start3A = arith.constant 0 : i32
      %dma_start3A_854 = arith.constant 0 : i32
      %dma_start3A_855 = tpu.memref_slice %arg22[%dma_start3A, %dma_start3A_854] : memref<10112x8xf32, #tpu.memory_space<vmem_shared>> -> memref<10112x8xf32, #tpu.memory_space<vmem_shared>>
      tpu.enqueue_indirect_dma source(%arg17 : memref<128x8xf32, #tpu.memory_space<vmem>>) target(%dma_start3A_855 : memref<10112x8xf32, #tpu.memory_space<vmem_shared>>) offsets(%arg9 : memref<128xi32, #tpu.memory_space<vmem>>) semaphore(%arg34 : memref<!tpu.dma_semaphore, #tpu.memory_space<semaphore_mem>>) {add = true}
    } else {
    }
    %add3A_758 = arith.constant 32 : i32
    %add3A_759 = arith.addi %mul3A_2, %add3A_758 : i32
    %lt3A_760 = arith.constant 1250 : i32
    %lt3A_761 = arith.cmpi slt, %add3A_759, %lt3A_760 : i32
    %convert_element_type3A_762 = arith.extui %lt3A_761 : i1 to i32
    %cond3A_763 = arith.constant 0 : i32
    %cond3A_764 = arith.cmpi ne, %convert_element_type3A_762, %cond3A_763 : i32
    scf.if %cond3A_764 {
      %dma_wait3A = arith.constant 0 : i32
      %dma_wait3A_843 = arith.constant 0 : i32
      %dma_wait3A_844 = tpu.memref_slice %arg22[%dma_wait3A, %dma_wait3A_843] : memref<10112x8xf32, #tpu.memory_space<vmem_shared>> -> memref<10112x8xf32, #tpu.memory_space<vmem_shared>>
      tpu.wait_indirect_dma semaphore(%arg31 : memref<!tpu.dma_semaphore, #tpu.memory_space<semaphore_mem>>) src(%arg14 : memref<128x8xf32, #tpu.memory_space<vmem>>) dst(%dma_wait3A_844 : memref<10112x8xf32, #tpu.memory_space<vmem_shared>>)
    } else {
    }
    %add3A_765 = arith.constant 33 : i32
    %add3A_766 = arith.addi %mul3A_2, %add3A_765 : i32
    %lt3A_767 = arith.constant 1250 : i32
    %lt3A_768 = arith.cmpi slt, %add3A_766, %lt3A_767 : i32
    %convert_element_type3A_769 = arith.extui %lt3A_768 : i1 to i32
    %cond3A_770 = arith.constant 0 : i32
    %cond3A_771 = arith.cmpi ne, %convert_element_type3A_769, %cond3A_770 : i32
    scf.if %cond3A_771 {
      %dma_wait3A = arith.constant 0 : i32
      %dma_wait3A_843 = arith.constant 0 : i32
      %dma_wait3A_844 = tpu.memref_slice %arg22[%dma_wait3A, %dma_wait3A_843] : memref<10112x8xf32, #tpu.memory_space<vmem_shared>> -> memref<10112x8xf32, #tpu.memory_space<vmem_shared>>
      tpu.wait_indirect_dma semaphore(%arg32 : memref<!tpu.dma_semaphore, #tpu.memory_space<semaphore_mem>>) src(%arg15 : memref<128x8xf32, #tpu.memory_space<vmem>>) dst(%dma_wait3A_844 : memref<10112x8xf32, #tpu.memory_space<vmem_shared>>)
    } else {
    }
    %add3A_772 = arith.constant 34 : i32
    %add3A_773 = arith.addi %mul3A_2, %add3A_772 : i32
    %lt3A_774 = arith.constant 1250 : i32
    %lt3A_775 = arith.cmpi slt, %add3A_773, %lt3A_774 : i32
    %convert_element_type3A_776 = arith.extui %lt3A_775 : i1 to i32
    %cond3A_777 = arith.constant 0 : i32
    %cond3A_778 = arith.cmpi ne, %convert_element_type3A_776, %cond3A_777 : i32
    scf.if %cond3A_778 {
      %dma_wait3A = arith.constant 0 : i32
      %dma_wait3A_843 = arith.constant 0 : i32
      %dma_wait3A_844 = tpu.memref_slice %arg22[%dma_wait3A, %dma_wait3A_843] : memref<10112x8xf32, #tpu.memory_space<vmem_shared>> -> memref<10112x8xf32, #tpu.memory_space<vmem_shared>>
      tpu.wait_indirect_dma semaphore(%arg33 : memref<!tpu.dma_semaphore, #tpu.memory_space<semaphore_mem>>) src(%arg16 : memref<128x8xf32, #tpu.memory_space<vmem>>) dst(%dma_wait3A_844 : memref<10112x8xf32, #tpu.memory_space<vmem_shared>>)
    } else {
    }
    %add3A_779 = arith.constant 35 : i32
    %add3A_780 = arith.addi %mul3A_2, %add3A_779 : i32
    %lt3A_781 = arith.constant 1250 : i32
    %lt3A_782 = arith.cmpi slt, %add3A_780, %lt3A_781 : i32
    %convert_element_type3A_783 = arith.extui %lt3A_782 : i1 to i32
    %cond3A_784 = arith.constant 0 : i32
    %cond3A_785 = arith.cmpi ne, %convert_element_type3A_783, %cond3A_784 : i32
    scf.if %cond3A_785 {
      %dma_wait3A = arith.constant 0 : i32
      %dma_wait3A_843 = arith.constant 0 : i32
      %dma_wait3A_844 = tpu.memref_slice %arg22[%dma_wait3A, %dma_wait3A_843] : memref<10112x8xf32, #tpu.memory_space<vmem_shared>> -> memref<10112x8xf32, #tpu.memory_space<vmem_shared>>
      tpu.wait_indirect_dma semaphore(%arg34 : memref<!tpu.dma_semaphore, #tpu.memory_space<semaphore_mem>>) src(%arg17 : memref<128x8xf32, #tpu.memory_space<vmem>>) dst(%dma_wait3A_844 : memref<10112x8xf32, #tpu.memory_space<vmem_shared>>)
    } else {
    }
    %add3A_786 = arith.constant 36 : i32
    %add3A_787 = arith.addi %mul3A_2, %add3A_786 : i32
    %lt3A_788 = arith.constant 1250 : i32
    %lt3A_789 = arith.cmpi slt, %add3A_787, %lt3A_788 : i32
    %convert_element_type3A_790 = arith.extui %lt3A_789 : i1 to i32
    %cond3A_791 = arith.constant 0 : i32
    %cond3A_792 = arith.cmpi ne, %convert_element_type3A_790, %cond3A_791 : i32
    scf.if %cond3A_792 {
      %add3A_843 = arith.constant 36 : i32
      %add3A_844 = arith.addi %mul3A_2, %add3A_843 : i32
      %mul3A_845 = arith.constant 128 : i32
      %mul3A_846 = arith.muli %add3A_844, %mul3A_845 : i32
      %dma_wait3A = tpu.memref_slice %arg3[%mul3A_846] : memref<160000xi32, #tpu.memory_space<hbm>> -> memref<128xi32, #tpu.memory_space<hbm>>
      %dma_wait3A_847 = tpu.memref_slice %arg3[%mul3A_846] : memref<160000xi32, #tpu.memory_space<hbm>> -> memref<128xi32, #tpu.memory_space<hbm>>
      tpu.wait_dma2 semaphore(%arg27 : memref<!tpu.dma_semaphore, #tpu.memory_space<semaphore_mem>>) src(%dma_wait3A_847 : memref<128xi32, #tpu.memory_space<hbm>>) dst(%arg10 : memref<128xi32, #tpu.memory_space<vmem>>)
      %mul3A_848 = arith.constant 128 : i32
      %mul3A_849 = arith.muli %add3A_844, %mul3A_848 : i32
      %dma_wait3A_850 = arith.constant 0 : i32
      %dma_wait3A_851 = tpu.memref_slice %arg2[%mul3A_849, %dma_wait3A_850] : memref<160000x8xf32, #tpu.memory_space<hbm>> -> memref<128x8xf32, #tpu.memory_space<hbm>>
      %dma_wait3A_852 = arith.constant 0 : i32
      %dma_wait3A_853 = tpu.memref_slice %arg2[%mul3A_849, %dma_wait3A_852] : memref<160000x8xf32, #tpu.memory_space<hbm>> -> memref<128x8xf32, #tpu.memory_space<hbm>>
      tpu.wait_dma2 semaphore(%arg27 : memref<!tpu.dma_semaphore, #tpu.memory_space<semaphore_mem>>) src(%dma_wait3A_853 : memref<128x8xf32, #tpu.memory_space<hbm>>) dst(%arg18 : memref<128x8xf32, #tpu.memory_space<vmem>>)
      %dma_start3A = arith.constant 0 : i32
      %dma_start3A_854 = arith.constant 0 : i32
      %dma_start3A_855 = tpu.memref_slice %arg22[%dma_start3A, %dma_start3A_854] : memref<10112x8xf32, #tpu.memory_space<vmem_shared>> -> memref<10112x8xf32, #tpu.memory_space<vmem_shared>>
      tpu.enqueue_indirect_dma source(%arg18 : memref<128x8xf32, #tpu.memory_space<vmem>>) target(%dma_start3A_855 : memref<10112x8xf32, #tpu.memory_space<vmem_shared>>) offsets(%arg10 : memref<128xi32, #tpu.memory_space<vmem>>) semaphore(%arg35 : memref<!tpu.dma_semaphore, #tpu.memory_space<semaphore_mem>>) {add = true}
    } else {
    }
    %add3A_793 = arith.constant 37 : i32
    %add3A_794 = arith.addi %mul3A_2, %add3A_793 : i32
    %lt3A_795 = arith.constant 1250 : i32
    %lt3A_796 = arith.cmpi slt, %add3A_794, %lt3A_795 : i32
    %convert_element_type3A_797 = arith.extui %lt3A_796 : i1 to i32
    %cond3A_798 = arith.constant 0 : i32
    %cond3A_799 = arith.cmpi ne, %convert_element_type3A_797, %cond3A_798 : i32
    scf.if %cond3A_799 {
      %add3A_843 = arith.constant 37 : i32
      %add3A_844 = arith.addi %mul3A_2, %add3A_843 : i32
      %mul3A_845 = arith.constant 128 : i32
      %mul3A_846 = arith.muli %add3A_844, %mul3A_845 : i32
      %dma_wait3A = tpu.memref_slice %arg3[%mul3A_846] : memref<160000xi32, #tpu.memory_space<hbm>> -> memref<128xi32, #tpu.memory_space<hbm>>
      %dma_wait3A_847 = tpu.memref_slice %arg3[%mul3A_846] : memref<160000xi32, #tpu.memory_space<hbm>> -> memref<128xi32, #tpu.memory_space<hbm>>
      tpu.wait_dma2 semaphore(%arg28 : memref<!tpu.dma_semaphore, #tpu.memory_space<semaphore_mem>>) src(%dma_wait3A_847 : memref<128xi32, #tpu.memory_space<hbm>>) dst(%arg11 : memref<128xi32, #tpu.memory_space<vmem>>)
      %mul3A_848 = arith.constant 128 : i32
      %mul3A_849 = arith.muli %add3A_844, %mul3A_848 : i32
      %dma_wait3A_850 = arith.constant 0 : i32
      %dma_wait3A_851 = tpu.memref_slice %arg2[%mul3A_849, %dma_wait3A_850] : memref<160000x8xf32, #tpu.memory_space<hbm>> -> memref<128x8xf32, #tpu.memory_space<hbm>>
      %dma_wait3A_852 = arith.constant 0 : i32
      %dma_wait3A_853 = tpu.memref_slice %arg2[%mul3A_849, %dma_wait3A_852] : memref<160000x8xf32, #tpu.memory_space<hbm>> -> memref<128x8xf32, #tpu.memory_space<hbm>>
      tpu.wait_dma2 semaphore(%arg28 : memref<!tpu.dma_semaphore, #tpu.memory_space<semaphore_mem>>) src(%dma_wait3A_853 : memref<128x8xf32, #tpu.memory_space<hbm>>) dst(%arg19 : memref<128x8xf32, #tpu.memory_space<vmem>>)
      %dma_start3A = arith.constant 0 : i32
      %dma_start3A_854 = arith.constant 0 : i32
      %dma_start3A_855 = tpu.memref_slice %arg22[%dma_start3A, %dma_start3A_854] : memref<10112x8xf32, #tpu.memory_space<vmem_shared>> -> memref<10112x8xf32, #tpu.memory_space<vmem_shared>>
      tpu.enqueue_indirect_dma source(%arg19 : memref<128x8xf32, #tpu.memory_space<vmem>>) target(%dma_start3A_855 : memref<10112x8xf32, #tpu.memory_space<vmem_shared>>) offsets(%arg11 : memref<128xi32, #tpu.memory_space<vmem>>) semaphore(%arg36 : memref<!tpu.dma_semaphore, #tpu.memory_space<semaphore_mem>>) {add = true}
    } else {
    }
    %add3A_800 = arith.constant 38 : i32
    %add3A_801 = arith.addi %mul3A_2, %add3A_800 : i32
    %lt3A_802 = arith.constant 1250 : i32
    %lt3A_803 = arith.cmpi slt, %add3A_801, %lt3A_802 : i32
    %convert_element_type3A_804 = arith.extui %lt3A_803 : i1 to i32
    %cond3A_805 = arith.constant 0 : i32
    %cond3A_806 = arith.cmpi ne, %convert_element_type3A_804, %cond3A_805 : i32
    scf.if %cond3A_806 {
      %add3A_843 = arith.constant 38 : i32
      %add3A_844 = arith.addi %mul3A_2, %add3A_843 : i32
      %mul3A_845 = arith.constant 128 : i32
      %mul3A_846 = arith.muli %add3A_844, %mul3A_845 : i32
      %dma_wait3A = tpu.memref_slice %arg3[%mul3A_846] : memref<160000xi32, #tpu.memory_space<hbm>> -> memref<128xi32, #tpu.memory_space<hbm>>
      %dma_wait3A_847 = tpu.memref_slice %arg3[%mul3A_846] : memref<160000xi32, #tpu.memory_space<hbm>> -> memref<128xi32, #tpu.memory_space<hbm>>
      tpu.wait_dma2 semaphore(%arg29 : memref<!tpu.dma_semaphore, #tpu.memory_space<semaphore_mem>>) src(%dma_wait3A_847 : memref<128xi32, #tpu.memory_space<hbm>>) dst(%arg12 : memref<128xi32, #tpu.memory_space<vmem>>)
      %mul3A_848 = arith.constant 128 : i32
      %mul3A_849 = arith.muli %add3A_844, %mul3A_848 : i32
      %dma_wait3A_850 = arith.constant 0 : i32
      %dma_wait3A_851 = tpu.memref_slice %arg2[%mul3A_849, %dma_wait3A_850] : memref<160000x8xf32, #tpu.memory_space<hbm>> -> memref<128x8xf32, #tpu.memory_space<hbm>>
      %dma_wait3A_852 = arith.constant 0 : i32
      %dma_wait3A_853 = tpu.memref_slice %arg2[%mul3A_849, %dma_wait3A_852] : memref<160000x8xf32, #tpu.memory_space<hbm>> -> memref<128x8xf32, #tpu.memory_space<hbm>>
      tpu.wait_dma2 semaphore(%arg29 : memref<!tpu.dma_semaphore, #tpu.memory_space<semaphore_mem>>) src(%dma_wait3A_853 : memref<128x8xf32, #tpu.memory_space<hbm>>) dst(%arg20 : memref<128x8xf32, #tpu.memory_space<vmem>>)
      %dma_start3A = arith.constant 0 : i32
      %dma_start3A_854 = arith.constant 0 : i32
      %dma_start3A_855 = tpu.memref_slice %arg22[%dma_start3A, %dma_start3A_854] : memref<10112x8xf32, #tpu.memory_space<vmem_shared>> -> memref<10112x8xf32, #tpu.memory_space<vmem_shared>>
      tpu.enqueue_indirect_dma source(%arg20 : memref<128x8xf32, #tpu.memory_space<vmem>>) target(%dma_start3A_855 : memref<10112x8xf32, #tpu.memory_space<vmem_shared>>) offsets(%arg12 : memref<128xi32, #tpu.memory_space<vmem>>) semaphore(%arg37 : memref<!tpu.dma_semaphore, #tpu.memory_space<semaphore_mem>>) {add = true}
    } else {
    }
    %add3A_807 = arith.constant 39 : i32
    %add3A_808 = arith.addi %mul3A_2, %add3A_807 : i32
    %lt3A_809 = arith.constant 1250 : i32
    %lt3A_810 = arith.cmpi slt, %add3A_808, %lt3A_809 : i32
    %convert_element_type3A_811 = arith.extui %lt3A_810 : i1 to i32
    %cond3A_812 = arith.constant 0 : i32
    %cond3A_813 = arith.cmpi ne, %convert_element_type3A_811, %cond3A_812 : i32
    scf.if %cond3A_813 {
      %add3A_843 = arith.constant 39 : i32
      %add3A_844 = arith.addi %mul3A_2, %add3A_843 : i32
      %mul3A_845 = arith.constant 128 : i32
      %mul3A_846 = arith.muli %add3A_844, %mul3A_845 : i32
      %dma_wait3A = tpu.memref_slice %arg3[%mul3A_846] : memref<160000xi32, #tpu.memory_space<hbm>> -> memref<128xi32, #tpu.memory_space<hbm>>
      %dma_wait3A_847 = tpu.memref_slice %arg3[%mul3A_846] : memref<160000xi32, #tpu.memory_space<hbm>> -> memref<128xi32, #tpu.memory_space<hbm>>
      tpu.wait_dma2 semaphore(%arg30 : memref<!tpu.dma_semaphore, #tpu.memory_space<semaphore_mem>>) src(%dma_wait3A_847 : memref<128xi32, #tpu.memory_space<hbm>>) dst(%arg13 : memref<128xi32, #tpu.memory_space<vmem>>)
      %mul3A_848 = arith.constant 128 : i32
      %mul3A_849 = arith.muli %add3A_844, %mul3A_848 : i32
      %dma_wait3A_850 = arith.constant 0 : i32
      %dma_wait3A_851 = tpu.memref_slice %arg2[%mul3A_849, %dma_wait3A_850] : memref<160000x8xf32, #tpu.memory_space<hbm>> -> memref<128x8xf32, #tpu.memory_space<hbm>>
      %dma_wait3A_852 = arith.constant 0 : i32
      %dma_wait3A_853 = tpu.memref_slice %arg2[%mul3A_849, %dma_wait3A_852] : memref<160000x8xf32, #tpu.memory_space<hbm>> -> memref<128x8xf32, #tpu.memory_space<hbm>>
      tpu.wait_dma2 semaphore(%arg30 : memref<!tpu.dma_semaphore, #tpu.memory_space<semaphore_mem>>) src(%dma_wait3A_853 : memref<128x8xf32, #tpu.memory_space<hbm>>) dst(%arg21 : memref<128x8xf32, #tpu.memory_space<vmem>>)
      %dma_start3A = arith.constant 0 : i32
      %dma_start3A_854 = arith.constant 0 : i32
      %dma_start3A_855 = tpu.memref_slice %arg22[%dma_start3A, %dma_start3A_854] : memref<10112x8xf32, #tpu.memory_space<vmem_shared>> -> memref<10112x8xf32, #tpu.memory_space<vmem_shared>>
      tpu.enqueue_indirect_dma source(%arg21 : memref<128x8xf32, #tpu.memory_space<vmem>>) target(%dma_start3A_855 : memref<10112x8xf32, #tpu.memory_space<vmem_shared>>) offsets(%arg13 : memref<128xi32, #tpu.memory_space<vmem>>) semaphore(%arg38 : memref<!tpu.dma_semaphore, #tpu.memory_space<semaphore_mem>>) {add = true}
    } else {
    }
    %add3A_814 = arith.constant 36 : i32
    %add3A_815 = arith.addi %mul3A_2, %add3A_814 : i32
    %lt3A_816 = arith.constant 1250 : i32
    %lt3A_817 = arith.cmpi slt, %add3A_815, %lt3A_816 : i32
    %convert_element_type3A_818 = arith.extui %lt3A_817 : i1 to i32
    %cond3A_819 = arith.constant 0 : i32
    %cond3A_820 = arith.cmpi ne, %convert_element_type3A_818, %cond3A_819 : i32
    scf.if %cond3A_820 {
      %dma_wait3A = arith.constant 0 : i32
      %dma_wait3A_843 = arith.constant 0 : i32
      %dma_wait3A_844 = tpu.memref_slice %arg22[%dma_wait3A, %dma_wait3A_843] : memref<10112x8xf32, #tpu.memory_space<vmem_shared>> -> memref<10112x8xf32, #tpu.memory_space<vmem_shared>>
      tpu.wait_indirect_dma semaphore(%arg35 : memref<!tpu.dma_semaphore, #tpu.memory_space<semaphore_mem>>) src(%arg18 : memref<128x8xf32, #tpu.memory_space<vmem>>) dst(%dma_wait3A_844 : memref<10112x8xf32, #tpu.memory_space<vmem_shared>>)
    } else {
    }
    %add3A_821 = arith.constant 37 : i32
    %add3A_822 = arith.addi %mul3A_2, %add3A_821 : i32
    %lt3A_823 = arith.constant 1250 : i32
    %lt3A_824 = arith.cmpi slt, %add3A_822, %lt3A_823 : i32
    %convert_element_type3A_825 = arith.extui %lt3A_824 : i1 to i32
    %cond3A_826 = arith.constant 0 : i32
    %cond3A_827 = arith.cmpi ne, %convert_element_type3A_825, %cond3A_826 : i32
    scf.if %cond3A_827 {
      %dma_wait3A = arith.constant 0 : i32
      %dma_wait3A_843 = arith.constant 0 : i32
      %dma_wait3A_844 = tpu.memref_slice %arg22[%dma_wait3A, %dma_wait3A_843] : memref<10112x8xf32, #tpu.memory_space<vmem_shared>> -> memref<10112x8xf32, #tpu.memory_space<vmem_shared>>
      tpu.wait_indirect_dma semaphore(%arg36 : memref<!tpu.dma_semaphore, #tpu.memory_space<semaphore_mem>>) src(%arg19 : memref<128x8xf32, #tpu.memory_space<vmem>>) dst(%dma_wait3A_844 : memref<10112x8xf32, #tpu.memory_space<vmem_shared>>)
    } else {
    }
    %add3A_828 = arith.constant 38 : i32
    %add3A_829 = arith.addi %mul3A_2, %add3A_828 : i32
    %lt3A_830 = arith.constant 1250 : i32
    %lt3A_831 = arith.cmpi slt, %add3A_829, %lt3A_830 : i32
    %convert_element_type3A_832 = arith.extui %lt3A_831 : i1 to i32
    %cond3A_833 = arith.constant 0 : i32
    %cond3A_834 = arith.cmpi ne, %convert_element_type3A_832, %cond3A_833 : i32
    scf.if %cond3A_834 {
      %dma_wait3A = arith.constant 0 : i32
      %dma_wait3A_843 = arith.constant 0 : i32
      %dma_wait3A_844 = tpu.memref_slice %arg22[%dma_wait3A, %dma_wait3A_843] : memref<10112x8xf32, #tpu.memory_space<vmem_shared>> -> memref<10112x8xf32, #tpu.memory_space<vmem_shared>>
      tpu.wait_indirect_dma semaphore(%arg37 : memref<!tpu.dma_semaphore, #tpu.memory_space<semaphore_mem>>) src(%arg20 : memref<128x8xf32, #tpu.memory_space<vmem>>) dst(%dma_wait3A_844 : memref<10112x8xf32, #tpu.memory_space<vmem_shared>>)
    } else {
    }
    %add3A_835 = arith.constant 39 : i32
    %add3A_836 = arith.addi %mul3A_2, %add3A_835 : i32
    %lt3A_837 = arith.constant 1250 : i32
    %lt3A_838 = arith.cmpi slt, %add3A_836, %lt3A_837 : i32
    %convert_element_type3A_839 = arith.extui %lt3A_838 : i1 to i32
    %cond3A_840 = arith.constant 0 : i32
    %cond3A_841 = arith.cmpi ne, %convert_element_type3A_839, %cond3A_840 : i32
    scf.if %cond3A_841 {
      %dma_wait3A = arith.constant 0 : i32
      %dma_wait3A_843 = arith.constant 0 : i32
      %dma_wait3A_844 = tpu.memref_slice %arg22[%dma_wait3A, %dma_wait3A_843] : memref<10112x8xf32, #tpu.memory_space<vmem_shared>> -> memref<10112x8xf32, #tpu.memory_space<vmem_shared>>
      tpu.wait_indirect_dma semaphore(%arg38 : memref<!tpu.dma_semaphore, #tpu.memory_space<semaphore_mem>>) src(%arg21 : memref<128x8xf32, #tpu.memory_space<vmem>>) dst(%dma_wait3A_844 : memref<10112x8xf32, #tpu.memory_space<vmem_shared>>)
    } else {
    }
    %barrier3A_842 = arith.constant 0 : index
    tpu.barrier barrier_id(%barrier3A_842)
    "tpu.region"() ({
      %run_scoped3A = tpu.sem_alloc : memref<!tpu.dma_semaphore, #tpu.memory_space<semaphore_mem>>
      %dma_start3A = arith.constant 0 : i32
      %dma_start3A_843 = tpu.memref_slice %arg5[%arg0, %mul3A_4, %dma_start3A] : memref<2x10112x8xf32, #tpu.memory_space<hbm>> -> memref<1x632x8xf32, #tpu.memory_space<hbm>>
      %dma_start3A_844 = tpu.memref_squeeze %dma_start3A_843 : memref<1x632x8xf32, #tpu.memory_space<hbm>> -> memref<632x8xf32, #tpu.memory_space<hbm>>
      %dma_start3A_845 = arith.constant 0 : i32
      %dma_start3A_846 = tpu.memref_slice %arg22[%mul3A_4, %dma_start3A_845] : memref<10112x8xf32, #tpu.memory_space<vmem_shared>> -> memref<632x8xf32, #tpu.memory_space<vmem_shared>>
      tpu.enqueue_dma source(%dma_start3A_846 : memref<632x8xf32, #tpu.memory_space<vmem_shared>>) target(%dma_start3A_844 : memref<632x8xf32, #tpu.memory_space<hbm>>) target_semaphore(%run_scoped3A : memref<!tpu.dma_semaphore, #tpu.memory_space<semaphore_mem>>)
      %dma_wait3A = arith.constant 0 : i32
      %dma_wait3A_847 = tpu.memref_slice %arg5[%arg0, %mul3A_4, %dma_wait3A] : memref<2x10112x8xf32, #tpu.memory_space<hbm>> -> memref<1x632x8xf32, #tpu.memory_space<hbm>>
      %dma_wait3A_848 = tpu.memref_squeeze %dma_wait3A_847 : memref<1x632x8xf32, #tpu.memory_space<hbm>> -> memref<632x8xf32, #tpu.memory_space<hbm>>
      %dma_wait3A_849 = arith.constant 0 : i32
      %dma_wait3A_850 = tpu.memref_slice %arg22[%mul3A_4, %dma_wait3A_849] : memref<10112x8xf32, #tpu.memory_space<vmem_shared>> -> memref<632x8xf32, #tpu.memory_space<vmem_shared>>
      tpu.wait_dma2 semaphore(%run_scoped3A : memref<!tpu.dma_semaphore, #tpu.memory_space<semaphore_mem>>) src(%dma_wait3A_850 : memref<632x8xf32, #tpu.memory_space<vmem_shared>>) dst(%dma_wait3A_848 : memref<632x8xf32, #tpu.memory_space<hbm>>)
      tpu.yield
    }) : () -> ()
    return
  }
}

module attributes {stable_mosaic.version = 14 : i64} {
  func.func @_edge_feats_body(%arg0: i32, %arg1: memref<6400x256xf32, #tpu.memory_space<vmem>>, %arg2: memref<3x6400xf32, #tpu.memory_space<vmem>>, %arg3: memref<256x512xbf16, #tpu.memory_space<vmem>>, %arg4: memref<1x512xf32, #tpu.memory_space<vmem>>, %arg5: memref<512x2xbf16, #tpu.memory_space<vmem>>, %arg6: memref<1x2xf32, #tpu.memory_space<vmem>>, %arg7: memref<6400x8xf32, #tpu.memory_space<vmem>>) attributes {dimension_semantics = [#tpu.dimension_semantics<arbitrary>], iteration_bounds = array<i64: 25>, scalar_prefetch = 0 : i64, scratch_operands = 0 : i64, tpu.core_type = #tpu.core_type<tc>, window_params = [{transform_indices = @transform_0, window_bounds = array<i64: 6400, 256>}, {transform_indices = @transform_1, window_bounds = array<i64: 3, 6400>}, {pipeline_mode = #tpu.pipeline_mode<synchronous>, transform_indices = @transform_2, window_bounds = array<i64: 256, 512>}, {pipeline_mode = #tpu.pipeline_mode<synchronous>, transform_indices = @transform_3, window_bounds = array<i64: 1, 512>}, {pipeline_mode = #tpu.pipeline_mode<synchronous>, transform_indices = @transform_4, window_bounds = array<i64: 512, 2>}, {pipeline_mode = #tpu.pipeline_mode<synchronous>, transform_indices = @transform_5, window_bounds = array<i64: 1, 2>}, {transform_indices = @transform_6, window_bounds = array<i64: 6400, 8>}]} {
    %get3A = arith.constant 0 : index
    %get3A_0 = arith.constant 0 : index
    %get3A_1 = vector.load %arg1[%get3A, %get3A_0] : memref<6400x256xf32, #tpu.memory_space<vmem>>, vector<6400x256xf32>
    %convert_element_type3A = arith.truncf %get3A_1 : vector<6400x256xf32> to vector<6400x256xbf16>
    %get3A_2 = arith.constant 0 : index
    %get3A_3 = arith.constant 0 : index
    %get3A_4 = vector.load %arg3[%get3A_2, %get3A_3] : memref<256x512xbf16, #tpu.memory_space<vmem>>, vector<256x512xbf16>
    %dot_general3A = arith.constant dense<0.000000e+00> : vector<6400x512xf32>
    %dot_general3A_5 = tpu.matmul %convert_element_type3A, %get3A_4, %dot_general3A {dimension_numbers = #tpu.dot_dimension_numbers<[1], [0], [0], [1], [0, 0, 1, 1], [], []>, transpose_lhs_hint = false} : vector<6400x256xbf16>, vector<256x512xbf16>, vector<6400x512xf32> -> vector<6400x512xf32>
    %get3A_6 = arith.constant 0 : index
    %get3A_7 = arith.constant 0 : index
    %get3A_8 = vector.load %arg4[%get3A_6, %get3A_7] : memref<1x512xf32, #tpu.memory_space<vmem>>, vector<1x512xf32>
    %add3A = vector.broadcast %get3A_8 : vector<1x512xf32> to vector<6400x512xf32>
    %add3A_9 = arith.addf %dot_general3A_5, %add3A : vector<6400x512xf32>
    %tanh3A = math.tanh %add3A_9 : vector<6400x512xf32>
    %add3A_10 = arith.constant 1.000000e+00 : f32
    %add3A_11 = vector.broadcast %add3A_10 : f32 to vector<6400x512xf32>
    %add3A_12 = arith.addf %add3A_11, %tanh3A : vector<6400x512xf32>
    %mul3A = arith.mulf %add3A_9, %add3A_12 : vector<6400x512xf32>
    %convert_element_type3A_13 = arith.truncf %mul3A : vector<6400x512xf32> to vector<6400x512xbf16>
    %get3A_14 = arith.constant 0 : index
    %get3A_15 = arith.constant 0 : index
    %get3A_16 = vector.load %arg5[%get3A_14, %get3A_15] : memref<512x2xbf16, #tpu.memory_space<vmem>>, vector<512x2xbf16>
    %dot_general3A_17 = arith.constant dense<0.000000e+00> : vector<6400x2xf32>
    %dot_general3A_18 = tpu.matmul %convert_element_type3A_13, %get3A_16, %dot_general3A_17 {dimension_numbers = #tpu.dot_dimension_numbers<[1], [0], [0], [1], [0, 0, 1, 1], [], []>, transpose_lhs_hint = false} : vector<6400x512xbf16>, vector<512x2xbf16>, vector<6400x2xf32> -> vector<6400x2xf32>
    %get3A_19 = arith.constant 0 : index
    %get3A_20 = arith.constant 0 : index
    %get3A_21 = vector.load %arg6[%get3A_19, %get3A_20] : memref<1x2xf32, #tpu.memory_space<vmem>>, vector<1x2xf32>
    %add3A_22 = vector.broadcast %get3A_21 : vector<1x2xf32> to vector<6400x2xf32>
    %add3A_23 = arith.addf %dot_general3A_18, %add3A_22 : vector<6400x2xf32>
    %transpose3A = tpu.transpose %add3A_23, [1, 0] : vector<6400x2xf32> -> vector<2x6400xf32>
    %slice3A = vector.extract_strided_slice %transpose3A {offsets = [0, 0], sizes = [1, 6400], strides = [1, 1]} : vector<2x6400xf32> to vector<1x6400xf32>
    %slice3A_24 = vector.extract_strided_slice %transpose3A {offsets = [1, 0], sizes = [1, 6400], strides = [1, 1]} : vector<2x6400xf32> to vector<1x6400xf32>
    %get3A_25 = arith.constant 0 : index
    %get3A_26 = arith.constant 0 : index
    %get3A_27 = vector.load %arg2[%get3A_25, %get3A_26] : memref<3x6400xf32, #tpu.memory_space<vmem>>, vector<3x6400xf32>
    %slice3A_28 = vector.extract_strided_slice %get3A_27 {offsets = [0, 0], sizes = [1, 6400], strides = [1, 1]} : vector<3x6400xf32> to vector<1x6400xf32>
    %slice3A_29 = vector.extract_strided_slice %get3A_27 {offsets = [1, 0], sizes = [1, 6400], strides = [1, 1]} : vector<3x6400xf32> to vector<1x6400xf32>
    %slice3A_30 = vector.extract_strided_slice %get3A_27 {offsets = [2, 0], sizes = [1, 6400], strides = [1, 1]} : vector<3x6400xf32> to vector<1x6400xf32>
    %mul3A_31 = arith.mulf %slice3A_28, %slice3A_28 : vector<1x6400xf32>
    %mul3A_32 = arith.mulf %slice3A_29, %slice3A_29 : vector<1x6400xf32>
    %add3A_33 = arith.addf %mul3A_31, %mul3A_32 : vector<1x6400xf32>
    %mul3A_34 = arith.mulf %slice3A_30, %slice3A_30 : vector<1x6400xf32>
    %add3A_35 = arith.addf %add3A_33, %mul3A_34 : vector<1x6400xf32>
    %sqrt3A = math.sqrt %add3A_35 : vector<1x6400xf32>
    %max3A = arith.constant 9.99999996E-13 : f32
    %max3A_36 = vector.broadcast %max3A : f32 to vector<1x6400xf32>
    %max3A_37 = arith.maximumf %sqrt3A, %max3A_36 : vector<1x6400xf32>
    %div3A = arith.constant 1.000000e+00 : f32
    %div3A_38 = vector.broadcast %div3A : f32 to vector<1x6400xf32>
    %div3A_39 = arith.divf %div3A_38, %max3A_37 : vector<1x6400xf32>
    %mul3A_40 = arith.mulf %slice3A_28, %div3A_39 : vector<1x6400xf32>
    %mul3A_41 = arith.mulf %slice3A_29, %div3A_39 : vector<1x6400xf32>
    %mul3A_42 = arith.mulf %slice3A_30, %div3A_39 : vector<1x6400xf32>
    %mul3A_43 = arith.constant 0.63078314 : f32
    %mul3A_44 = vector.broadcast %mul3A_43 : f32 to vector<1x6400xf32>
    %mul3A_45 = arith.mulf %mul3A_44, %slice3A_24 : vector<1x6400xf32>
    %mul3A_46 = arith.constant 1.73205078 : f32
    %mul3A_47 = vector.broadcast %mul3A_46 : f32 to vector<1x6400xf32>
    %mul3A_48 = arith.mulf %mul3A_47, %mul3A_40 : vector<1x6400xf32>
    %mul3A_49 = arith.mulf %mul3A_48, %mul3A_42 : vector<1x6400xf32>
    %mul3A_50 = arith.mulf %mul3A_49, %mul3A_45 : vector<1x6400xf32>
    %mul3A_51 = arith.constant 1.73205078 : f32
    %mul3A_52 = vector.broadcast %mul3A_51 : f32 to vector<1x6400xf32>
    %mul3A_53 = arith.mulf %mul3A_52, %mul3A_40 : vector<1x6400xf32>
    %mul3A_54 = arith.mulf %mul3A_53, %mul3A_41 : vector<1x6400xf32>
    %mul3A_55 = arith.mulf %mul3A_54, %mul3A_45 : vector<1x6400xf32>
    %mul3A_56 = arith.mulf %mul3A_41, %mul3A_41 : vector<1x6400xf32>
    %mul3A_57 = arith.mulf %mul3A_40, %mul3A_40 : vector<1x6400xf32>
    %mul3A_58 = arith.mulf %mul3A_42, %mul3A_42 : vector<1x6400xf32>
    %add3A_59 = arith.addf %mul3A_57, %mul3A_58 : vector<1x6400xf32>
    %mul3A_60 = arith.constant 5.000000e-01 : f32
    %mul3A_61 = vector.broadcast %mul3A_60 : f32 to vector<1x6400xf32>
    %mul3A_62 = arith.mulf %mul3A_61, %add3A_59 : vector<1x6400xf32>
    %sub3A = arith.subf %mul3A_56, %mul3A_62 : vector<1x6400xf32>
    %mul3A_63 = arith.mulf %sub3A, %mul3A_45 : vector<1x6400xf32>
    %mul3A_64 = arith.constant 1.73205078 : f32
    %mul3A_65 = vector.broadcast %mul3A_64 : f32 to vector<1x6400xf32>
    %mul3A_66 = arith.mulf %mul3A_65, %mul3A_41 : vector<1x6400xf32>
    %mul3A_67 = arith.mulf %mul3A_66, %mul3A_42 : vector<1x6400xf32>
    %mul3A_68 = arith.mulf %mul3A_67, %mul3A_45 : vector<1x6400xf32>
    %mul3A_69 = arith.mulf %mul3A_42, %mul3A_42 : vector<1x6400xf32>
    %mul3A_70 = arith.mulf %mul3A_40, %mul3A_40 : vector<1x6400xf32>
    %sub3A_71 = arith.subf %mul3A_69, %mul3A_70 : vector<1x6400xf32>
    %mul3A_72 = arith.constant 0.866025388 : f32
    %mul3A_73 = vector.broadcast %mul3A_72 : f32 to vector<1x6400xf32>
    %mul3A_74 = arith.mulf %mul3A_73, %sub3A_71 : vector<1x6400xf32>
    %mul3A_75 = arith.mulf %mul3A_74, %mul3A_45 : vector<1x6400xf32>
    %broadcast_in_dim3A = arith.constant 1.000000e+00 : f32
    %broadcast_in_dim3A_76 = vector.broadcast %broadcast_in_dim3A : f32 to vector<1x6400xf32>
    %broadcast_in_dim3A_77 = arith.constant 0.000000e+00 : f32
    %broadcast_in_dim3A_78 = vector.broadcast %broadcast_in_dim3A_77 : f32 to vector<1x6400xf32>
    %concatenate3A = tpu.concatenate %slice3A, %mul3A_50, %mul3A_55, %mul3A_63, %mul3A_68, %mul3A_75, %broadcast_in_dim3A_76, %broadcast_in_dim3A_78 in 0 : vector<1x6400xf32>, vector<1x6400xf32>, vector<1x6400xf32>, vector<1x6400xf32>, vector<1x6400xf32>, vector<1x6400xf32>, vector<1x6400xf32>, vector<1x6400xf32> -> vector<8x6400xf32>
    %transpose3A_79 = tpu.transpose %concatenate3A, [1, 0] : vector<8x6400xf32> -> vector<6400x8xf32>
    %swap3A = arith.constant 0 : index
    %swap3A_80 = arith.constant 0 : index
    %swap3A_81 = vector.load %arg7[%swap3A, %swap3A_80] : memref<6400x8xf32, #tpu.memory_space<vmem>>, vector<6400x8xf32>
    tpu.vector_store %arg7[%swap3A, %swap3A_80], %transpose3A_79 {strides = array<i32>} : memref<6400x8xf32, #tpu.memory_space<vmem>>, vector<6400x8xf32>,
    return
  }
  func.func @transform_0(%arg0: i32) -> (i32, i32) {
    %c0_i32 = arith.constant 0 : i32
    %c0_i32_0 = arith.constant 0 : i32
    return %arg0, %c0_i32 : i32, i32
  }
  func.func @transform_1(%arg0: i32) -> (i32, i32) {
    %c0_i32 = arith.constant 0 : i32
    %c0_i32_0 = arith.constant 0 : i32
    return %c0_i32, %arg0 : i32, i32
  }
  func.func @transform_2(%arg0: i32) -> (i32, i32) {
    %c0_i32 = arith.constant 0 : i32
    %c0_i32_0 = arith.constant 0 : i32
    %c0_i32_1 = arith.constant 0 : i32
    return %c0_i32, %c0_i32_0 : i32, i32
  }
  func.func @transform_3(%arg0: i32) -> (i32, i32) {
    %c0_i32 = arith.constant 0 : i32
    %c0_i32_0 = arith.constant 0 : i32
    %c0_i32_1 = arith.constant 0 : i32
    return %c0_i32, %c0_i32_0 : i32, i32
  }
  func.func @transform_4(%arg0: i32) -> (i32, i32) {
    %c0_i32 = arith.constant 0 : i32
    %c0_i32_0 = arith.constant 0 : i32
    %c0_i32_1 = arith.constant 0 : i32
    return %c0_i32, %c0_i32_0 : i32, i32
  }
  func.func @transform_5(%arg0: i32) -> (i32, i32) {
    %c0_i32 = arith.constant 0 : i32
    %c0_i32_0 = arith.constant 0 : i32
    %c0_i32_1 = arith.constant 0 : i32
    return %c0_i32, %c0_i32_0 : i32, i32
  }
  func.func @transform_6(%arg0: i32) -> (i32, i32) {
    %c0_i32 = arith.constant 0 : i32
    %c0_i32_0 = arith.constant 0 : i32
    return %arg0, %c0_i32 : i32, i32
  }
}

module attributes {stable_mosaic.version = 14 : i64} {
  func.func @_finish_body(%arg0: memref<2x10112x8xf32, #tpu.memory_space<vmem>>, %arg1: memref<1x10000xi32, #tpu.memory_space<vmem>>, %arg2: memref<64x8xf32, #tpu.memory_space<vmem>>) attributes {dimension_semantics = [], scalar_prefetch = 0 : i64, scratch_operands = 0 : i64, tpu.core_type = #tpu.core_type<tc>} {
    %get3A = arith.constant 0 : index
    %get3A_0 = arith.constant 0 : index
    %get3A_1 = arith.constant 0 : index
    %get3A_2 = vector.load %arg0[%get3A, %get3A_0, %get3A_1] : memref<2x10112x8xf32, #tpu.memory_space<vmem>>, vector<2x10112x8xf32>
    %slice3A = vector.extract_strided_slice %get3A_2 {offsets = [0, 0, 0], sizes = [1, 10112, 8], strides = [1, 1, 1]} : vector<2x10112x8xf32> to vector<1x10112x8xf32>
    %squeeze3A = vector.shape_cast %slice3A : vector<1x10112x8xf32> to vector<10112x8xf32>
    %slice3A_3 = vector.extract_strided_slice %get3A_2 {offsets = [1, 0, 0], sizes = [1, 10112, 8], strides = [1, 1, 1]} : vector<2x10112x8xf32> to vector<1x10112x8xf32>
    %squeeze3A_4 = vector.shape_cast %slice3A_3 : vector<1x10112x8xf32> to vector<10112x8xf32>
    %add3A = arith.addf %squeeze3A, %squeeze3A_4 : vector<10112x8xf32>
    %slice3A_5 = vector.extract_strided_slice %add3A {offsets = [0, 0], sizes = [10000, 8], strides = [1, 1]} : vector<10112x8xf32> to vector<10000x8xf32>
    %slice3A_6 = vector.extract_strided_slice %slice3A_5 {offsets = [0, 6], sizes = [10000, 1], strides = [1, 1]} : vector<10000x8xf32> to vector<10000x1xf32>
    %max3A = arith.constant 1.000000e+00 : f32
    %max3A_7 = vector.broadcast %max3A : f32 to vector<10000x1xf32>
    %max3A_8 = arith.maximumf %slice3A_6, %max3A_7 : vector<10000x1xf32>
    %div3A = vector.broadcast %max3A_8 : vector<10000x1xf32> to vector<10000x8xf32>
    %div3A_9 = arith.divf %slice3A_5, %div3A : vector<10000x8xf32>
    %iota3A = tpu.iota {dimensions = array<i32: 1>} : vector<10000x8xi32>
    %eq3A = arith.constant 7 : i32
    %eq3A_10 = vector.broadcast %eq3A : i32 to vector<10000x8xi32>
    %eq3A_11 = arith.cmpi eq, %iota3A, %eq3A_10 : vector<10000x8xi32>
    %jit3A = arith.constant 1.000000e+00 : f32
    %broadcast_in_dim3A = vector.broadcast %jit3A : f32 to vector<10000x8xf32>
    %select_n3A = arith.select %eq3A_11, %broadcast_in_dim3A, %div3A_9 : vector<10000x8xi1>, vector<10000x8xf32>
    %get3A_12 = arith.constant 0 : index
    %get3A_13 = arith.constant 0 : index
    %get3A_14 = vector.load %arg1[%get3A_12, %get3A_13] : memref<1x10000xi32, #tpu.memory_space<vmem>>, vector<1x10000xi32>
    %iota3A_15 = tpu.iota {dimensions = array<i32: 0>} : vector<64x10000xi32>
    %eq3A_16 = vector.broadcast %get3A_14 : vector<1x10000xi32> to vector<64x10000xi32>
    %eq3A_17 = arith.cmpi eq, %eq3A_16, %iota3A_15 : vector<64x10000xi32>
    %convert_element_type3A = arith.extui %eq3A_17 : vector<64x10000xi1> to vector<64x10000xi32>
    %convert_element_type3A_18 = arith.sitofp %convert_element_type3A : vector<64x10000xi32> to vector<64x10000xf32>
    %dot_general3A = arith.constant dense<0.000000e+00> : vector<64x8xf32>
    %dot_general3A_19 = tpu.matmul %convert_element_type3A_18, %select_n3A, %dot_general3A {dimension_numbers = #tpu.dot_dimension_numbers<[1], [0], [0], [1], [0, 0, 1, 1], [], []>, transpose_lhs_hint = false} : vector<64x10000xf32>, vector<10000x8xf32>, vector<64x8xf32> -> vector<64x8xf32>
    %slice3A_20 = vector.extract_strided_slice %dot_general3A_19 {offsets = [0, 7], sizes = [64, 1], strides = [1, 1]} : vector<64x8xf32> to vector<64x1xf32>
    %max3A_21 = arith.constant 1.000000e+00 : f32
    %max3A_22 = vector.broadcast %max3A_21 : f32 to vector<64x1xf32>
    %max3A_23 = arith.maximumf %slice3A_20, %max3A_22 : vector<64x1xf32>
    %div3A_24 = vector.broadcast %max3A_23 : vector<64x1xf32> to vector<64x8xf32>
    %div3A_25 = arith.divf %dot_general3A_19, %div3A_24 : vector<64x8xf32>
    %swap3A = arith.constant 0 : index
    %swap3A_26 = arith.constant 0 : index
    %swap3A_27 = vector.load %arg2[%swap3A, %swap3A_26] : memref<64x8xf32, #tpu.memory_space<vmem>>, vector<64x8xf32>
    tpu.vector_store %arg2[%swap3A, %swap3A_26], %div3A_25 {strides = array<i32>} : memref<64x8xf32, #tpu.memory_space<vmem>>, vector<64x8xf32>,
    return
  }
}

</mosaic_0001>

<sc_bundles>
// kernel: kernel.5.cloned.1.call-start
scs
__scs_entry_jumppad:
0x0: {  	(pc) =	sbr.rel $0x88, $3  }
0x1: {  	(tag) =	ssettag $0x0;
	lr =	simm.s32 $0x1  }
0x2: {  	[smem:$0x3F95] =	sst lr;
	_ =	strace $0xD0000000  }
0x3: {  	_ = 	snop  }
0x4: {  	_ = 	snop  }
0x5: {  	_ = 	snop  }
0x6: {  	_ = 	snop  }
0x7: {  	_ = 	snop  }
__scs_overlays_trampoline_lowered:
0x8: {  	[smem:$0x3FA4] =	sst s0  }
0x9: {  	[smem:$0x3FA5] =	sst s1  }
0xa: {  	[smem:$0x3FA6] =	sst s2  }
0xb: {  	[smem:$0x3FA7] =	sst s3  }
0xc: {  	[smem:$0x3FA8] =	sst s4  }
0xd: {  	[smem:$0x3FA9] =	sst s5  }
0xe: {  	[smem:$0x3FAA] =	sst s6  }
0xf: {  	[smem:$0x3FAB] =	sst s7  }
0x10: {  	[smem:$0x3FAC] =	sst s8  }
0x11: {  	[smem:$0x3FAD] =	sst s9;
	s0 =	simm.s32 @!p0 $0x0  }
0x12: {  	s1 =	sld [smem:$0x3F93];
	s0 =	simm.s32 @p0 $0x1  }
0x13: {  	[smem:$0x3FAE] =	sst s0;
	s0 =	simm.s32 @!p1 $0x0  }
0x14: {  	s2 =	sld [smem:$0x3F92];
	s0 =	simm.s32 @p1 $0x1  }
0x15: {  	[smem:$0x3FAF] =	sst s0;
	s0 =	simm.s32 @!p2 $0x0  }
0x16: {  	s3 =	sld [smem:$0x3FDB];
	s0 =	simm.s32 @p2 $0x1  }
0x17: {  	s4 =	simm.s32 $0x1BF5;
	[smem:$0x3FB1] =	sst s0  }
0x18: {  	s0 =	sld [smem:$0x3F94];
	_ =	swait.ge [sflag:s4], $0x0  }
0x19: {  	s7 =	sld [smem:$0x3F95]  }
0x1a: {  	s8 =	sadd.s32 $0xFFFFE003, lr  }
0x1b: {  	s9 =	sadd.s32 $0xFFFFFEF7, lr;
	s5 =	simm.s32 $0xFFFFFFFF;
	p2 =	slt.u32 s8, $0xFFFFF086  }
0x1c: {  	p1 =	slt.u32 s9, $0xF7A;
	s5 =	simm.s32 @!p2 $0x0  }
0x1d: {  	s5 =	simm.s32 @p1 $0x1;
	p0 =	seq.s32 s7, s2  }
0x1e: {  	s7 =	smul.u32 @!p0 $0xF7A, s2;
	p2 =	seq.s32 @!p0 s5, $0x0  }
0x1f: {  	s9 =	smul.u32 $0xF7A, s1;
	s8 =	simm.s32 @!p0 $0x1BF5;
	p2 =	por !p2, p0  }
0x20: {  	[sflag:s8] =	ssyncset.s32 @!p0 $0xFFFFF086;
	s6 =	sadd.s32 @!p0 s3, s7;
	s7 =	simm.s32 @!p0 $0x108  }
0x21: {  	s3 =	sadd.s32 s3, s9;
	s6 =	sadd.s32 @!p0 $0x88, s6;
	s7 =	simm.s32 @p2 $0x1082  }
0x22: {  	[simem:s7], [sflag:s8] =	dma.local @!p0 [hbm:s6], $0xF7A  }
0x23: {  	s9 =	sor.u32 $0xD0000000, s2;
	s6 =	simm.s32 $0x108;
	_ =	swait.ge @!p0 [sflag:s8], $0x0  }
0x24: {  	s3 =	sadd.s32 $0x88, s3;
	s6 =	simm.s32 @!p1 $0x1082;
	[sflag:s4] =	ssyncset.s32 $0xFFFFF086  }
0x25: {  	[simem:s6], [sflag:s4] =	dma.local [hbm:s3], $0xF7A  }
0x26: {  	[smem:$0x3F95] =	sst s1;
	(tag) =	ssettag s2;
	_ =	strace s9  }
0x27: {  	s1 =	sld [smem:$0x3FA5]  }
0x28: {  	s2 =	sld [smem:$0x3FA6]  }
0x29: {  	s4 =	sld [smem:$0x3FA8]  }
0x2a: {  	p0 =	seq.s32 s5, $0x0;
	s5 =	sld [smem:$0x3FA9]  }
0x2b: {  	s6 =	sld [smem:$0x3FAA]  }
0x2c: {  	s7 =	sld [smem:$0x3FAB]  }
0x2d: {  	s3 =	simm.s32 $0x108;
	s8 =	sld [smem:$0x3FAC]  }
0x2e: {  	s3 =	simm.s32 @!p0 $0x1082;
	s9 =	sld [smem:$0x3FAD]  }
0x2f: {  	lr =	sadd.s32 s0, s3;
	s0 =	sld [smem:$0x3FA4]  }
0x30: {  	s3 =	sld [smem:$0x3FA7]  }
0x31: {  	[smem:$0x3FB0] =	sst s10  }
0x32: {  	s10 =	sld [smem:$0x3FAE];
	_ =	sdelay $0x3  }
0x33: {  	p0 =	seq.s32 s10, $0x1;
	s10 =	sld [smem:$0x3FB0];
	_ =	sdelay $0x3  }
0x34: {  	[smem:$0x3FB0] =	sst s10  }
0x35: {  	s10 =	sld [smem:$0x3FAF];
	_ =	sdelay $0x3  }
0x36: {  	p1 =	seq.s32 s10, $0x1;
	s10 =	sld [smem:$0x3FB0];
	_ =	sdelay $0x3  }
0x37: {  	[smem:$0x3FB0] =	sst s10  }
0x38: {  	s10 =	sld [smem:$0x3FB1]  }
0x39: {  	_ = 	snop;
	(pc) =	sbr.ind lr, $3  }
0x3a: {  	_ = 	snop  }
0x3b: {  	_ = 	snop  }
0x3c: {  	p2 =	seq.s32 s10, $0x1;
	s10 =	sld [smem:$0x3FB0]  }
0x3d: {  	_ =	shalt  }
0x3e: {  	_ =	shalt  }
0x3f: {  	_ =	shalt  }
0x40: {  	_ =	shalt  }
0x41: {  	_ =	shalt  }
0x42: {  	_ =	shalt  }
0x43: {  	_ =	shalt  }
0x44: {  	_ =	shalt  }
0x45: {  	_ =	shalt  }
0x46: {  	_ =	shalt  }
0x47: {  	_ =	shalt  }
0x48: {  	_ =	shalt  }
0x49: {  	_ =	shalt  }
0x4a: {  	_ =	shalt  }
0x4b: {  	_ =	shalt  }
0x4c: {  	_ =	shalt  }
0x4d: {  	_ =	shalt  }
0x4e: {  	_ =	shalt  }
0x4f: {  	_ =	shalt  }
0x50: {  	_ =	shalt  }
0x51: {  	_ =	shalt  }
0x52: {  	_ =	shalt  }
0x53: {  	_ =	shalt  }
0x54: {  	_ =	shalt  }
0x55: {  	_ =	shalt  }
0x56: {  	_ =	shalt  }
0x57: {  	_ =	shalt  }
0x58: {  	_ =	shalt  }
0x59: {  	_ =	shalt  }
0x5a: {  	_ =	shalt  }
0x5b: {  	_ =	shalt  }
0x5c: {  	_ =	shalt  }
0x5d: {  	_ =	shalt  }
0x5e: {  	_ =	shalt  }
0x5f: {  	_ =	shalt  }
0x60: {  	_ =	shalt  }
0x61: {  	_ =	shalt  }
0x62: {  	_ =	shalt  }
0x63: {  	_ =	shalt  }
0x64: {  	_ =	shalt  }
0x65: {  	_ =	shalt  }
0x66: {  	_ =	shalt  }
0x67: {  	_ =	shalt  }
0x68: {  	_ =	shalt  }
0x69: {  	_ =	shalt  }
0x6a: {  	_ =	shalt  }
0x6b: {  	_ =	shalt  }
0x6c: {  	_ =	shalt  }
0x6d: {  	_ =	shalt  }
0x6e: {  	_ =	shalt  }
0x6f: {  	_ =	shalt  }
0x70: {  	_ =	shalt  }
0x71: {  	_ =	shalt  }
0x72: {  	_ =	shalt  }
0x73: {  	_ =	shalt  }
0x74: {  	_ =	shalt  }
0x75: {  	_ =	shalt  }
0x76: {  	_ =	shalt  }
0x77: {  	_ =	shalt  }
0x78: {  	_ =	shalt  }
0x79: {  	_ =	shalt  }
0x7a: {  	_ =	shalt  }
0x7b: {  	_ =	shalt  }
0x7c: {  	_ =	shalt  }
0x7d: {  	_ =	shalt  }
0x7e: {  	_ =	shalt  }
0x7f: {  	_ =	shalt  }
0x80: {  	_ =	shalt  }
0x81: {  	_ =	shalt  }
0x82: {  	_ =	shalt  }
0x83: {  	_ =	shalt  }
0x84: {  	_ =	shalt  }
0x85: {  	_ =	shalt  }
0x86: {  	_ =	shalt  }
0x87: {  	_ =	shalt  }
.Lfunc_end0:
.L_simem_size_0:
called_computation_lowered:
.L_overlay_start_0:
0x88: {  	s2 =	sld [smem:$0x3FD9]  }
0x89: {  	s3 =	sld [smem:$0x3FFE];
	_ =	sdelay $0x1  }
0x8a: {  	s1 =	srdreg.scid  }
0x8b: {  	s0 =	sand.u32 $0x1, s1  }
0x8c: {  	s17 =	sshll.u32 s0, $0xA;
	s2 =	sadd.s32 s3, s2  }
0x8d: {  	s2 =	sadd.s32 s2, s17  }
0x8e: {  	[smem:$0x3FBC] =	sst s2  }
0x8f: {  	_ = 	snop  }
0x90: {  	s2 =	sld [smem:$0x3FC7];
	(tm) =	ssettm $0x1  }
0x91: {  	s18 =	sld [smem:$0x3FFB];
	_ =	sdelay $0x3  }
0x92: {  	_ =	strace s18  }
0x93: {  	s3 =	sld [smem:$0x3FFC];
	_ =	sdelay $0x3  }
0x94: {  	_ =	strace s3  }
0x95: {  	s3 =	sld [smem:$0x3FFD];
	_ =	sdelay $0x3  }
0x96: {  	_ =	strace s3  }
0x97: {  	_ =	strace $0x8FFFFFFF  }
0x98: {  	s19 =	sld [smem:$0x3FDB];
	_ =	sdelay $0x1  }
0x99: {  	s4 =	simm.s32 $_scs_section_size  }
0x9a: {  	s5 =	simm.s32 $_size__tile_overlayer_lowered;
	s6 =	simm.s32 $_tile_overlayer_lowered  }
0x9b: {  	s22 =	simm.s32 $0x1BFF;
	s21 =	sshll.u32 s6, $0x1;
	s3 =	sadd.s32 s4, s19  }
0x9c: {  	s7 =	simm.s32 $0x0;
	s20 =	sshll.u32 s5, $0x1;
	s5 =	sadd.s32 s21, s3  }
0x9d: {  	[timem:s7], [sflag:s22] =	dma.local [hbm:s5], s20  }
0x9e: {  	_ =	swait.ge [sflag:s22], s20  }
0x9f: {  	s4 =	ssub.s32 $0x0, s20;
	[sflag:s22] =	ssyncset.done $0x0  }
0xa0: {  	[sflag:s22] =	ssyncadd.s32 s4;
	_ =	sdelay $0x1  }
0xa1: {  	s23 =	simm.s32 $0x1B8B  }
0xa2: {  	_ =	swait.ge [sflag:s23], $0x1  }
0xa3: {  	[sflag:s23] =	ssyncset.done $0x0  }
0xa4: {  	s25 =	simm.s32 $0x1B8E;
	s24 =	sld [smem:$0x3FFE];
	[sflag:s23] =	ssyncadd.s32 $0xFFFFFFFF  }
0xa5: {  	s26 =	simm.s32 $execute0_lowered;
	[smem:$0x3FD2] =	sst s25  }
0xa6: {  	s5 =	sshll.u32 s26, $0x1;
	_ =	strace $0x80000046;
	[dreg:$0x1] =	wrdreg $0xFFFFFFFF  }
0xa7: {  	s28 =	simm.s32 $_size_execute0_lowered;
	s3 =	sadd.s32 s3, s5;
	[dreg:$0x0] =	wrdreg $0x0  }
0xa8: {  	s5 =	sshll.u32 s28, $0x1;
	[dreg:$0x2] =	wrdreg s3  }
0xa9: {  	[dreg:$0x3] =	wrdreg s5  }
0xaa: {  	[dreg:$0x4] =	wrdreg $0xC0  }
0xab: {  	_ =	task [dreg:s7], $0x5FFFF  }
0xac: {  	[dreg:$0x1] =	wrdreg $0xFFFFFFFF  }
0xad: {  	[dreg:$0x0] =	wrdreg $0x60  }
0xae: {  	[dreg:$0x2] =	wrdreg s24  }
0xaf: {  	[dreg:$0x3] =	wrdreg s2  }
0xb0: {  	[dreg:$0x4] =	wrdreg $0x24000  }
0xb1: {  	[dreg:$0x5] =	wrdreg $0x9  }
0xb2: {  	_ =	task.clear_ibuf [dreg:s7], $0x6FFFF;
	_ =	strace $0x90000046  }
0xb3: {  	s29 =	simm.s32 $0x9;
	_ =	strace $0x80000048  }
0xb4: {  	_ =	swait.ge [sflag:s29], $0x1  }
0xb5: {  	[sflag:s29] =	ssyncadd.s32 $0xFFFFFFFF  }
0xb6: {  	_ =	strace $0x90000048  }
0xb7: {  	_ =	sfence  }
0xb8: {  	s30 =	sld [smem:$0x0];
	_ =	sdelay $0x2  }
0xb9: {  	s31 =	sshll.u32 s1, $0xD;
	s1 =	sshrl.u32 s1, $0x2  }
0xba: {  	s3 =	sand.u32 $0x4000, s31;
	s1 =	sadd.s32 s1, s30  }
0xbb: {  	s0 =	sor.u32 s3, s0;
	s1 =	sshll.u32 s1, $0x11  }
0xbc: {  	s0 =	sor.u32 s1, s0  }
0xbd: {  	s0 =	sadd.s32 $0x8F2B, s0  }
0xbe: {  	[sflag:s0] =	ssyncadd.remote.s32 $0x1  }
0xbf: {  	_ =	sfence.sel $0xFFFF  }
0xc0: {  	[dreg:$0x0] =	wrdreg $0xFFFFFFFF;
	(pc) =	sbr.abs _section_cstart, $3  }
0xc1: {  	[dreg:$0x1] =	wrdreg $0xFFFFFFFF  }
0xc2: {  	_ =	task.clear_ibuf [dreg:s7], $0x2FFFF;
	_ =	strace $0x9FFFFFFF  }
0xc3: {  	(tm) =	ssettm $0x7FFFFFFF  }
tec
execute0_lowered:
.L_overlay_start_1:
0x0: {  	(tag) =	ssettag $0x1  }
0x1: {  	s1 =	stileid.u32;
	s0 =	srdreg.scid  }
0x2: {  	s0 =	sand.u32 $0x1, s0;
	s1 =	sshll.u32 s1, $0x1  }
0x3: {  	s2 =	sor.u32 s0, s1;
	s25 =	ssub.s32 $0x2, s0;
	s4 =	smul.u32 $0x13C00, s0  }
0x4: {  	s8 =	rddreg [dreg:$0x1];
	s14 =	smul.u32 $0x28, s2;
	s26 =	sshrl.u32 s25, $0x1  }
0x5: {  	[smem:$0x7C0] =	sst s2;
	s2 =	smul.u32 $0x280, s2;
	s0 =	ssub.s32 s25, s26  }
0x6: {  	s3 =	sor.u32 $0x1, s14;
	[smem:$0x7FC] =	sst s0  }
0x7: {  	s29 =	sadd.s32 s8, s2;
	[smem:$0x7C1] =	sst s3  }
0x8: {  	s2 =	sor.u32 $0x2, s14;
	s5 =	sor.u32 $0x4, s14;
	[dreg:$0x4] =	wrdreg s29  }
0x9: {  	s11 =	sor.u32 $0x5, s14;
	s12 =	sor.u32 $0x6, s14;
	[smem:$0x7C4] =	sst s2  }
0xa: {  	s13 =	sor.u32 $0x7, s14;
	s19 =	sadd.s32 $0x8, s14;
	[smem:$0x7C7] =	sst s5  }
0xb: {  	s20 =	sadd.s32 $0x9, s14;
	s21 =	sadd.s32 $0xA, s14;
	[smem:$0x7CA] =	sst s11  }
0xc: {  	s26 =	sadd.s32 $0xB, s14;
	s28 =	sadd.s32 $0x14, s14;
	[smem:$0x7CC] =	sst s12  }
0xd: {  	s31 =	sadd.s32 $0x17, s14;
	s30 =	sadd.s32 $0x19, s14;
	[smem:$0x7CD] =	sst s13  }
0xe: {  	s3 =	sshll.u32 s3, $0x4;
	s0 =	sshll.u32 s2, $0x4;
	[smem:$0x7D0] =	sst s19  }
0xf: {  	s7 =	sshll.u32 s5, $0x4;
	s15 =	sshll.u32 s12, $0x4;
	[smem:$0x7D2] =	sst s20  }
0x10: {  	s16 =	sshll.u32 s13, $0x4;
	[smem:$0x7D3] =	sst s21;
	s22 =	sshll.u32 s20, $0x4  }
0x11: {  	s23 =	sshll.u32 s21, $0x4;
	[smem:$0x7D6] =	sst s26;
	s29 =	sadd.s32 $0xC, s14  }
0x12: {  	s20 =	sadd.s32 $0xE, s14;
	s1 =	sadd.s32 s8, s3;
	[smem:$0x7D8] =	sst s29  }
0x13: {  	s21 =	sadd.s32 $0x12, s14;
	s3 =	sor.u32 $0x3, s14;
	[dreg:$0x5] =	wrdreg s1  }
0x14: {  	s0 =	sadd.s32 s8, s0;
	s10 =	sadd.s32 s8, s7;
	[smem:$0x7C6] =	sst s3  }
0x15: {  	s17 =	sadd.s32 s8, s15;
	s18 =	sadd.s32 s8, s16;
	[dreg:$0x6] =	wrdreg s0  }
0x16: {  	s24 =	sadd.s32 s8, s22;
	s25 =	sadd.s32 s8, s23;
	[dreg:$0x8] =	wrdreg s10  }
0x17: {  	s2 =	sshll.u32 s29, $0x4;
	s7 =	sadd.s32 $0xF, s14;
	[dreg:$0xa] =	wrdreg s17  }
0x18: {  	s23 =	sadd.s32 $0x11, s14;
	s22 =	sadd.s32 $0x13, s14;
	[dreg:$0xb] =	wrdreg s18  }
0x19: {  	s15 =	sshll.u32 s21, $0x4;
	s6 =	sshll.u32 s3, $0x4;
	[dreg:$0xd] =	wrdreg s24  }
0x1a: {  	s0 =	sshll.u32 s11, $0x4;
	[dreg:$0xe] =	wrdreg s25;
	s1 =	sadd.s32 $0xD, s14  }
0x1b: {  	s5 =	sadd.s32 s8, s2;
	[smem:$0x7DD] =	sst s7;
	s10 =	sshll.u32 s20, $0x4  }
0x1c: {  	s13 =	sshll.u32 s23, $0x4;
	s16 =	sshll.u32 s22, $0x4;
	[smem:$0x7D9] =	sst s1  }
0x1d: {  	s17 =	sadd.s32 s8, s15;
	s25 =	sadd.s32 $0x15, s14;
	[dreg:$0x10] =	wrdreg s5  }
0x1e: {  	s9 =	sadd.s32 s8, s6;
	s0 =	sadd.s32 s8, s0;
	[dreg:$0x16] =	wrdreg s17  }
0x1f: {  	s3 =	sshll.u32 s1, $0x4;
	s1 =	sshll.u32 s7, $0x4;
	[dreg:$0x7] =	wrdreg s9  }
0x20: {  	s18 =	sadd.s32 s8, s16;
	s24 =	sshll.u32 s25, $0x4;
	[dreg:$0x9] =	wrdreg s0  }
0x21: {  	s17 =	sadd.s32 $0x1A, s14;
	s6 =	sadd.s32 s8, s3;
	[dreg:$0x17] =	wrdreg s18  }
0x22: {  	s0 =	sshll.u32 s19, $0x4;
	s9 =	sadd.s32 $0x10, s14;
	[dreg:$0x11] =	wrdreg s6  }
0x23: {  	s11 =	sadd.s32 s8, s1;
	s19 =	sshll.u32 s28, $0x4;
	[smem:$0x7DE] =	sst s9  }
0x24: {  	s3 =	sadd.s32 s8, s24;
	s18 =	sadd.s32 $0x1B, s14;
	[dreg:$0x13] =	wrdreg s11  }
0x25: {  	s0 =	sadd.s32 s8, s0;
	s2 =	sshll.u32 s9, $0x4;
	[dreg:$0x19] =	wrdreg s3  }
0x26: {  	s6 =	sshll.u32 s31, $0x4;
	s9 =	sshll.u32 s30, $0x4;
	[dreg:$0xc] =	wrdreg s0  }
0x27: {  	s0 =	sshll.u32 s26, $0x4;
	s12 =	sadd.s32 s8, s2;
	s26 =	sadd.s32 $0x16, s14  }
0x28: {  	s11 =	sadd.s32 s8, s9;
	s0 =	sadd.s32 s8, s0;
	[dreg:$0x14] =	wrdreg s12  }
0x29: {  	s29 =	sshll.u32 s26, $0x4;
	[dreg:$0x1d] =	wrdreg s11;
	s12 =	sshll.u32 s17, $0x4  }
0x2a: {  	s11 =	sadd.s32 $0x21, s14;
	[dreg:$0xf] =	wrdreg s0;
	s0 =	sadd.s32 s8, s10  }
0x2b: {  	s5 =	sadd.s32 s8, s29;
	s29 =	sadd.s32 $0x18, s14;
	[dreg:$0x12] =	wrdreg s0  }
0x2c: {  	s9 =	sshll.u32 s11, $0x4;
	s0 =	sadd.s32 s8, s13;
	[dreg:$0x1a] =	wrdreg s5  }
0x2d: {  	s7 =	sshll.u32 s29, $0x4;
	s13 =	sshll.u32 s18, $0x4;
	[dreg:$0x15] =	wrdreg s0  }
0x2e: {  	s0 =	sadd.s32 s8, s19;
	s10 =	sadd.s32 s8, s7;
	s19 =	sadd.s32 $0x1C, s14  }
0x2f: {  	s16 =	sadd.s32 s8, s13;
	s13 =	sadd.s32 $0x1D, s14;
	[dreg:$0x18] =	wrdreg s0  }
0x30: {  	s0 =	sadd.s32 s8, s6;
	[dreg:$0x1c] =	wrdreg s10;
	s15 =	sshll.u32 s19, $0x4  }
0x31: {  	[dreg:$0x1f] =	wrdreg s16;
	s16 =	sadd.s32 $0x1E, s14;
	s1 =	sshll.u32 s13, $0x4  }
0x32: {  	s10 =	sadd.s32 $0x20, s14;
	[dreg:$0x1b] =	wrdreg s0;
	s0 =	sadd.s32 s8, s12  }
0x33: {  	s24 =	sadd.s32 s8, s15;
	s15 =	sadd.s32 $0x1F, s14;
	s2 =	sshll.u32 s16, $0x4  }
0x34: {  	s12 =	sadd.s32 $0x22, s14;
	s7 =	sshll.u32 s10, $0x4;
	[dreg:$0x1e] =	wrdreg s0  }
0x35: {  	[smem:$0x7B4] =	sst s24;
	s3 =	sshll.u32 s15, $0x4;
	s0 =	sadd.s32 s8, s1  }
0x36: {  	s5 =	sadd.s32 s8, s2;
	s24 =	sshll.u32 s12, $0x4;
	[smem:$0x7B5] =	sst s0  }
0x37: {  	s1 =	sadd.s32 s8, s9;
	s9 =	sadd.s32 $0x24, s14;
	[smem:$0x7B6] =	sst s5  }
0x38: {  	s6 =	sadd.s32 s8, s3;
	s0 =	sadd.s32 s8, s7;
	[smem:$0x7B9] =	sst s1  }
0x39: {  	s2 =	sadd.s32 s8, s24;
	[smem:$0x7B7] =	sst s6;
	s6 =	sadd.s32 $0x23, s14  }
0x3a: {  	s7 =	sadd.s32 $0x25, s14;
	[smem:$0x7B8] =	sst s0;
	s3 =	sshll.u32 s6, $0x4  }
0x3b: {  	s5 =	sshll.u32 s9, $0x4;
	[smem:$0x7BA] =	sst s2;
	s0 =	sadd.s32 s8, s3  }
0x3c: {  	s24 =	sshll.u32 s7, $0x4;
	s3 =	sadd.s32 s8, s5;
	[smem:$0x7BB] =	sst s0  }
0x3d: {  	s5 =	sadd.s32 s8, s24;
	[smem:$0x7BC] =	sst s3;
	s3 =	sadd.s32 $0x26, s14  }
0x3e: {  	[smem:$0x7BD] =	sst s5;
	s5 =	sadd.s32 $0x27, s14;
	s1 =	sshll.u32 s3, $0x4  }
0x3f: {  	s14 =	stileid.u32;
	s2 =	sshll.u32 s5, $0x4;
	s0 =	sadd.s32 s8, s1  }
0x40: {  	s14 =	smul.u32 $0x13C0, s14;
	s2 =	sadd.s32 s8, s2;
	[smem:$0x7BE] =	sst s0  }
0x41: {  	[smem:$0x7BF] =	sst s2  }
0x42: {  	s0 =	sadd.s32 s14, s4;
	s2 =	rddreg [dreg:$0x0];
	s4 =	sshrl.u32 s14, $0x3  }
0x43: {  	s8 =	sadd.s32 s4, s2  }
0x44: {  	s0 =	sshrl.u32 s0, $0x3;
	[smem:$0x7F9] =	sst s8  }
0x45: {  	s8 =	sadd.s32 s0, s2;
	s0 =	sadd.s32 $0x271400, s2;
	s2 =	sld [smem:$0x7C1]  }
0x46: {  	_ = 	snop  }
0x47: {  	s4 =	sld [smem:$0x7C0]  }
0x48: {  	s2 =	sshll.u32 s2, $0x7  }
0x49: {  	s2 =	sadd.s32 s0, s2  }
0x4a: {  	s1 =	smul.u32 $0x1400, s4;
	[smem:$0x7C3] =	sst s2  }
0x4b: {  	s2 =	sld [smem:$0x7C4]  }
0x4c: {  	s1 =	sadd.s32 s0, s1  }
0x4d: {  	[smem:$0x7C2] =	sst s1  }
0x4e: {  	s1 =	sshll.u32 s2, $0x7;
	s2 =	sld [smem:$0x7C6]  }
0x4f: {  	s1 =	sadd.s32 s0, s1  }
0x50: {  	[smem:$0x7C5] =	sst s1  }
0x51: {  	s1 =	sshll.u32 s2, $0x7;
	s2 =	sld [smem:$0x7C7];
	_ =	sdelay $0x2  }
0x52: {  	s2 =	sshll.u32 s2, $0x7  }
0x53: {  	s2 =	sadd.s32 s0, s2  }
0x54: {  	[smem:$0x7C9] =	sst s2  }
0x55: {  	s2 =	sld [smem:$0x7CA]  }
0x56: {  	s1 =	sadd.s32 s0, s1  }
0x57: {  	[smem:$0x7C8] =	sst s1  }
0x58: {  	s1 =	sshll.u32 s2, $0x7;
	s2 =	sld [smem:$0x7CC]  }
0x59: {  	s1 =	sadd.s32 s0, s1  }
0x5a: {  	[smem:$0x7CB] =	sst s1  }
0x5b: {  	s1 =	sshll.u32 s2, $0x7;
	s2 =	sld [smem:$0x7CD];
	_ =	sdelay $0x2  }
0x5c: {  	s2 =	sshll.u32 s2, $0x7  }
0x5d: {  	s2 =	sadd.s32 s0, s2  }
0x5e: {  	[smem:$0x7CF] =	sst s2  }
0x5f: {  	s2 =	sld [smem:$0x7D0]  }
0x60: {  	s1 =	sadd.s32 s0, s1  }
0x61: {  	[smem:$0x7CE] =	sst s1  }
0x62: {  	s1 =	sshll.u32 s2, $0x7;
	s2 =	sld [smem:$0x7D2]  }
0x63: {  	s1 =	sadd.s32 s0, s1  }
0x64: {  	[smem:$0x7D1] =	sst s1  }
0x65: {  	s1 =	sshll.u32 s2, $0x7;
	s2 =	sld [smem:$0x7D3];
	_ =	sdelay $0x2  }
0x66: {  	s2 =	sshll.u32 s2, $0x7  }
0x67: {  	s2 =	sadd.s32 s0, s2  }
0x68: {  	[smem:$0x7D5] =	sst s2  }
0x69: {  	s2 =	sld [smem:$0x7D6]  }
0x6a: {  	s1 =	sadd.s32 s0, s1  }
0x6b: {  	[smem:$0x7D4] =	sst s1  }
0x6c: {  	s1 =	sshll.u32 s2, $0x7;
	s2 =	sld [smem:$0x7D8]  }
0x6d: {  	s1 =	sadd.s32 s0, s1  }
0x6e: {  	[smem:$0x7D7] =	sst s1  }
0x6f: {  	s1 =	sshll.u32 s2, $0x7;
	s2 =	sld [smem:$0x7D9];
	_ =	sdelay $0x1  }
0x70: {  	s1 =	sadd.s32 s0, s1  }
0x71: {  	s20 =	sshll.u32 s20, $0x7;
	[smem:$0x7DA] =	sst s1;
	s2 =	sshll.u32 s2, $0x7  }
0x72: {  	s1 =	sadd.s32 s0, s20;
	s20 =	sld [smem:$0x7DE];
	s2 =	sadd.s32 s0, s2  }
0x73: {  	[smem:$0x7DB] =	sst s2  }
0x74: {  	s21 =	sshll.u32 s21, $0x7;
	s2 =	sld [smem:$0x7DD]  }
0x75: {  	s11 =	sshll.u32 s11, $0x7;
	s10 =	sshll.u32 s10, $0x7;
	s24 =	simm.s32 $0x0  }
0x76: {  	[smem:$0x7FF] =	sst s24;
	p0 =	seq.s32 s4, $0x1F;
	s4 =	simm.s32 $0x5  }
0x77: {  	[smem:$0x7DC] =	sst s1;
	s1 =	sshll.u32 s2, $0x7;
	s2 =	sshll.u32 s20, $0x7  }
0x78: {  	s20 =	sshll.u32 s23, $0x7;
	s23 =	sshll.u32 s22, $0x7;
	s22 =	sshll.u32 s26, $0x7  }
0x79: {  	s26 =	sshll.u32 s29, $0x7;
	s29 =	sshll.u32 s30, $0x7;
	s1 =	sadd.s32 s0, s1  }
0x7a: {  	s30 =	simm.s32 $0xC00;
	s2 =	sadd.s32 s0, s2;
	[smem:$0x7DF] =	sst s1  }
0x7b: {  	[smem:$0x7E0] =	sst s2;
	s1 =	sadd.s32 s0, s20;
	s2 =	sadd.s32 s0, s23  }
0x7c: {  	s20 =	sshll.u32 s28, $0x7;
	s23 =	sadd.s32 s0, s22;
	[smem:$0x7E1] =	sst s1  }
0x7d: {  	s22 =	sshll.u32 s19, $0x7;
	s1 =	sadd.s32 s0, s21;
	[smem:$0x7E3] =	sst s2  }
0x7e: {  	s21 =	sshll.u32 s25, $0x7;
	[smem:$0x7E6] =	sst s23;
	s25 =	sshll.u32 s31, $0x7  }
0x7f: {  	s2 =	sadd.s32 s0, s29;
	s23 =	sadd.s32 s0, s22;
	[smem:$0x7E2] =	sst s1  }
0x80: {  	s29 =	sshll.u32 s15, $0x7;
	s31 =	simm.s32 $0x200;
	[smem:$0x7E9] =	sst s2  }
0x81: {  	s1 =	sadd.s32 s0, s20;
	s20 =	sshll.u32 s17, $0x7;
	[smem:$0x7EC] =	sst s23  }
0x82: {  	s2 =	sadd.s32 s0, s29;
	s17 =	sshll.u32 s9, $0x7;
	[smem:$0x7E4] =	sst s1  }
0x83: {  	s1 =	sadd.s32 s0, s21;
	s21 =	sshll.u32 s18, $0x7;
	[smem:$0x7EF] =	sst s2  }
0x84: {  	s18 =	sshll.u32 s7, $0x7;
	[smem:$0x7E5] =	sst s1;
	s1 =	sadd.s32 s0, s25  }
0x85: {  	s25 =	sshll.u32 s13, $0x7;
	s19 =	sadd.s32 s0, s18;
	[smem:$0x7E7] =	sst s1  }
0x86: {  	s13 =	sshll.u32 s12, $0x7;
	s1 =	sadd.s32 s0, s26;
	[smem:$0x7F5] =	sst s19  }
0x87: {  	s23 =	stileid.u32;
	s15 =	sadd.s32 s0, s13;
	[smem:$0x7E8] =	sst s1  }
0x88: {  	s9 =	simm.s32 $0x11;
	s7 =	simm.s32 $0x7;
	[smem:$0x7F2] =	sst s15  }
0x89: {  	s1 =	sadd.s32 s0, s20;
	s20 =	sshll.u32 s3, $0x7;
	s3 =	rddreg [dreg:$0x2]  }
0x8a: {  	s18 =	simm.s32 $0x1400;
	[smem:$0x7EA] =	sst s1;
	s1 =	sadd.s32 s0, s21  }
0x8b: {  	s26 =	sshll.u32 s16, $0x7;
	[smem:$0x7EB] =	sst s1;
	s1 =	sadd.s32 s0, s25  }
0x8c: {  	s16 =	sshll.u32 s6, $0x7;
	[smem:$0x7ED] =	sst s1;
	s1 =	sadd.s32 s0, s26  }
0x8d: {  	s19 =	simm.s32 $0x280;
	[smem:$0x7EE] =	sst s1;
	s1 =	sadd.s32 s0, s10  }
0x8e: {  	s6 =	simm.s32 $0x8;
	[smem:$0x7F0] =	sst s1;
	s1 =	sadd.s32 s0, s11  }
0x8f: {  	s13 =	simm.s32 $0xD;
	[smem:$0x7F1] =	sst s1;
	s1 =	sadd.s32 s0, s16  }
0x90: {  	s21 =	sshll.u32 s5, $0x7;
	[smem:$0x7F3] =	sst s1;
	s1 =	sadd.s32 s0, s17  }
0x91: {  	s22 =	sadd.s32 s14, s3;
	[smem:$0x7F4] =	sst s1;
	s1 =	sadd.s32 s0, s20  }
0x92: {  	s5 =	simm.s32 $0x6;
	s0 =	sadd.s32 s0, s21;
	[smem:$0x7F6] =	sst s1  }
0x93: {  	s14 =	simm.s32 $0xE;
	s26 =	sadd.s32 $0x2C00, s8;
	[smem:$0x7F7] =	sst s0  }
0x94: {  	s11 =	simm.s32 $0x80;
	_ =	strace $0x80000047;
	[smem:$0x7F8] =	sst s22  }
.Ltmp0:
0x95: {  	s17 =	simm.s32 $0x180;
	s25 =	sld [smem:$0x7F9];
	(pc) =	sbr.rel .LBB2_1-.Ltmp0, $4  }
0x96: {  	s20 =	simm.s32 $0x1;
	s0 =	sshll.u32 s23, $0x6;
	s29 =	sld [smem:$0x7FC]  }
0x97: {  	s21 =	simm.s32 $0x2;
	s28 =	sor.u32 $0x1C11, s0;
	[smem:$0x7FB] =	sst s26  }
0x98: {  	s23 =	simm.s32 $0x4;
	[smem:$0x7FD] =	sst s28;
	s1 =	sadd.s32 $0x400, s25  }
0x99: {  	s22 =	simm.s32 $0x3;
	s8 =	smax.u32 s29, $0x1;
	[smem:$0x7FA] =	sst s1  }
.LBB2_3:
0x9a: {  	_ =	swait.ge [sflag:s16], $0x400  }
0x9b: {  	[sflag:s16] =	ssyncset.done $0x0  }
0x9c: {  	[sflag:s16] =	ssyncadd.s32 $0xFFFFFC00  }
0x9d: {  	_ =	swait.ge [sflag:s28], $0x400  }
0x9e: {  	[sflag:s28] =	ssyncset.done $0x0  }
0x9f: {  	[sflag:s28] =	ssyncadd.s32 $0xFFFFFC00  }
0xa0: {  	[bflag:$0x0] =	sbarrier.arrive $0xFFFF  }
0xa1: {  	s28 =	sld [smem:$0x7FD]  }
0xa2: {  	s29 =	sld [smem:$0x7FB]  }
0xa3: {  	s8 =	sadd.s32 $0xFFFFFFFF, s8;
	s1 =	sld [smem:$0x7B3]  }
0xa4: {  	p1 =	sne.s32 s8, $0x0  }
.Ltmp1:
0xa5: {  	_ = 	snop;
	(pc) =	sbr.rel @!p1 .LBB2_4-.Ltmp1, $4  }
0xa6: {  	[hbm:s29], [sflag:s28] =	dma.local [spmem:s1], $0x278  }
0xa7: {  	_ =	swait.ge [sflag:s9], $0x278  }
0xa8: {  	[sflag:s9] =	ssyncset.done $0x0  }
0xa9: {  	[sflag:s9] =	ssyncadd.s32 $0xFFFFFD88  }
.LBB2_1:
0xaa: {  	s15 =	sld [smem:$0x7F8];
	_ =	sdelay $0x1  }
0xab: {  	s16 =	sld [smem:$0x7FA]  }
0xac: {  	s1 =	sshrl.u32 s15, $0x3  }
0xad: {  	[smem:$0x7B3] =	sst s1  }
0xae: {  	[spmem:s1], [sflag:s28] =	dma.local [hbm:s16], $0x278  }
0xaf: {  	_ =	swait.ge [sflag:s9], $0x278  }
0xb0: {  	[sflag:s9] =	ssyncset.done $0x0;
	s1 =	rddreg [dreg:$0x4]  }
0xb1: {  	s2 =	sld [smem:$0x7C2];
	[sflag:s9] =	ssyncadd.s32 $0xFFFFFD88  }
0xb2: {  	[tilespmem:s24], [sflag:$0x1] =	stream.linear.gather [hbm4b:s1+s24], $0x80, $0x38;
	[tilespmem:$0x37C0] =	vst v63  }
0xb3: {  	s12 =	simm.s32 $0x400;
	s10 =	rddreg [dreg:$0x5]  }
0xb4: {  	[tilespmem:s12], [sflag:$0x1] =	stream.linear.gather [hbm4b:s2+s24], $0x400, $0x38;
	[tilespmem:$0x37C0] =	vst v63  }
0xb5: {  	s15 =	sld [smem:$0x7C3]  }
0xb6: {  	[tilespmem:s11], [sflag:$0x2] =	stream.linear.gather [hbm4b:s10+s24], $0x80, $0x38;
	[tilespmem:$0x37C0] =	vst v63  }
0xb7: {  	s25 =	simm.s32 $0x800;
	s26 =	rddreg [dreg:$0x6]  }
0xb8: {  	[tilespmem:s25], [sflag:$0x2] =	stream.linear.gather [hbm4b:s15+s24], $0x400, $0x38;
	[tilespmem:$0x37C0] =	vst v63  }
0xb9: {  	s28 =	simm.s32 $0x100;
	s29 =	sld [smem:$0x7C5]  }
0xba: {  	[tilespmem:s28], [sflag:$0x3] =	stream.linear.gather [hbm4b:s26+s24], $0x80, $0x38;
	[tilespmem:$0x37C0] =	vst v63  }
0xbb: {  	s0 =	rddreg [dreg:$0x7]  }
0xbc: {  	[tilespmem:s30], [sflag:$0x3] =	stream.linear.gather [hbm4b:s29+s24], $0x400, $0x38;
	[tilespmem:$0x37C0] =	vst v63  }
0xbd: {  	s1 =	sld [smem:$0x7C8]  }
0xbe: {  	[tilespmem:s17], [sflag:$0x4] =	stream.linear.gather [hbm4b:s0+s24], $0x80, $0x38;
	[tilespmem:$0x37C0] =	vst v63  }
0xbf: {  	s0 =	simm.s32 $0x1000  }
0xc0: {  	[tilespmem:s0], [sflag:$0x4] =	stream.linear.gather [hbm4b:s1+s24], $0x400, $0x38;
	[tilespmem:$0x37C0] =	vst v63  }
0xc1: {  	[bflag:$0x0] =	sbarrier.arrive $0xFFFF  }
0xc2: {  	s2 =	rddreg [dreg:$0x8]  }
0xc3: {  	s10 =	sld [smem:$0x7C9]  }
0xc4: {  	[tilespmem:s31], [sflag:$0x5] =	stream.linear.gather [hbm4b:s2+s24], $0x80, $0x38;
	[tilespmem:$0x37C0] =	vst v63  }
0xc5: {  	s15 =	rddreg [dreg:$0x9]  }
0xc6: {  	[tilespmem:s18], [sflag:$0x5] =	stream.linear.gather [hbm4b:s10+s24], $0x400, $0x38;
	[tilespmem:$0x37C0] =	vst v63  }
0xc7: {  	s26 =	sld [smem:$0x7CB]  }
0xc8: {  	[tilespmem:s19], [sflag:$0x6] =	stream.linear.gather [hbm4b:s15+s24], $0x80, $0x38;
	[tilespmem:$0x37C0] =	vst v63  }
0xc9: {  	s29 =	rddreg [dreg:$0xa];
	s15 =	simm.s32 $0x1800  }
0xca: {  	[tilespmem:s15], [sflag:$0x6] =	stream.linear.gather [hbm4b:s26+s24], $0x400, $0x38;
	[tilespmem:$0x37C0] =	vst v63  }
0xcb: {  	s1 =	sld [smem:$0x7CE];
	s10 =	simm.s32 $0x300  }
0xcc: {  	[tilespmem:s10], [sflag:$0x7] =	stream.linear.gather [hbm4b:s29+s24], $0x80, $0x38;
	[tilespmem:$0x37C0] =	vst v63  }
0xcd: {  	s2 =	rddreg [dreg:$0xb];
	s26 =	simm.s32 $0x1C00  }
0xce: {  	[tilespmem:s26], [sflag:$0x7] =	stream.linear.gather [hbm4b:s1+s24], $0x400, $0x38;
	[tilespmem:$0x37C0] =	vst v63  }
0xcf: {  	s29 =	sld [smem:$0x7CF];
	s1 =	simm.s32 $0x380  }
0xd0: {  	[tilespmem:s1], [sflag:$0x8] =	stream.linear.gather [hbm4b:s2+s24], $0x80, $0x38;
	[tilespmem:$0x37C0] =	vst v63  }
0xd1: {  	s2 =	simm.s32 $0x2000  }
0xd2: {  	[tilespmem:s2], [sflag:$0x8] =	stream.linear.gather [hbm4b:s29+s24], $0x400, $0x38;
	[tilespmem:$0x37C0] =	vst v63  }
0xd3: {  	_ =	swait.ge [sflag:s20], $0x80  }
0xd4: {  	[sflag:s20] =	ssyncset.done $0x0  }
0xd5: {  	[sflag:s20] =	ssyncadd.s32 $0xFFFFFF80  }
0xd6: {  	_ =	swait.ge [sflag:s20], $0x400  }
0xd7: {  	[sflag:s20] =	ssyncset.done $0x0  }
0xd8: {  	[sflag:s20] =	ssyncadd.s32 $0xFFFFFC00  }
0xd9: {  	[spmem:s3] =	stream.indirect.scatter.add.f32 [tilespmem:s12], [sflag:$0x9], $0x8, s24, s11, $0xb8;
	[tilespmem:$0x37C0] =	vst v63  }
0xda: {  	_ =	swait.ge [sflag:s21], $0x80  }
0xdb: {  	[sflag:s21] =	ssyncset.done $0x0  }
0xdc: {  	[sflag:s21] =	ssyncadd.s32 $0xFFFFFF80  }
0xdd: {  	_ =	swait.ge [sflag:s21], $0x400  }
0xde: {  	[sflag:s21] =	ssyncset.done $0x0  }
0xdf: {  	[sflag:s21] =	ssyncadd.s32 $0xFFFFFC00  }
0xe0: {  	[spmem:s3] =	stream.indirect.scatter.add.f32 [tilespmem:s25], [sflag:$0xA], $0x8, s11, s11, $0xb8;
	[tilespmem:$0x37C0] =	vst v63  }
0xe1: {  	_ =	swait.ge [sflag:s22], $0x80  }
0xe2: {  	[sflag:s22] =	ssyncset.done $0x0  }
0xe3: {  	[sflag:s22] =	ssyncadd.s32 $0xFFFFFF80  }
0xe4: {  	_ =	swait.ge [sflag:s22], $0x400  }
0xe5: {  	[sflag:s22] =	ssyncset.done $0x0  }
0xe6: {  	[sflag:s22] =	ssyncadd.s32 $0xFFFFFC00  }
0xe7: {  	[spmem:s3] =	stream.indirect.scatter.add.f32 [tilespmem:s30], [sflag:$0xB], $0x8, s28, s11, $0xb8;
	[tilespmem:$0x37C0] =	vst v63  }
0xe8: {  	_ =	swait.ge [sflag:s23], $0x80  }
0xe9: {  	[sflag:s23] =	ssyncset.done $0x0  }
0xea: {  	[sflag:s23] =	ssyncadd.s32 $0xFFFFFF80  }
0xeb: {  	_ =	swait.ge [sflag:s23], $0x400  }
0xec: {  	[sflag:s23] =	ssyncset.done $0x0  }
0xed: {  	s29 =	simm.s32 $0x9;
	[sflag:s23] =	ssyncadd.s32 $0xFFFFFC00  }
0xee: {  	[spmem:s3] =	stream.indirect.scatter.add.f32 [tilespmem:s0], [sflag:$0xC], $0x8, s17, s11, $0xb8;
	[tilespmem:$0x37C0] =	vst v63  }
0xef: {  	_ =	swait.ge [sflag:s29], $0x400  }
0xf0: {  	[sflag:s29] =	ssyncset.done $0x0  }
0xf1: {  	s0 =	simm.s32 $0xA;
	[sflag:s29] =	ssyncadd.s32 $0xFFFFFC00  }
0xf2: {  	_ =	swait.ge [sflag:s0], $0x400  }
0xf3: {  	[sflag:s0] =	ssyncset.done $0x0  }
0xf4: {  	s29 =	simm.s32 $0xB;
	[sflag:s0] =	ssyncadd.s32 $0xFFFFFC00  }
0xf5: {  	_ =	swait.ge [sflag:s29], $0x400  }
0xf6: {  	[sflag:s29] =	ssyncset.done $0x0  }
0xf7: {  	s0 =	simm.s32 $0xC;
	[sflag:s29] =	ssyncadd.s32 $0xFFFFFC00  }
0xf8: {  	_ =	swait.ge [sflag:s0], $0x400  }
0xf9: {  	[sflag:s0] =	ssyncset.done $0x0;
	s29 =	rddreg [dreg:$0xc]  }
0xfa: {  	[sflag:s0] =	ssyncadd.s32 $0xFFFFFC00;
	s0 =	sld [smem:$0x7D1]  }
0xfb: {  	[tilespmem:s24], [sflag:$0x1] =	stream.linear.gather [hbm4b:s29+s24], $0x80, $0x38;
	[tilespmem:$0x37C0] =	vst v63  }
0xfc: {  	s29 =	rddreg [dreg:$0xd]  }
0xfd: {  	[tilespmem:s12], [sflag:$0x1] =	stream.linear.gather [hbm4b:s0+s24], $0x400, $0x38;
	[tilespmem:$0x37C0] =	vst v63  }
0xfe: {  	s0 =	sld [smem:$0x7D4]  }
0xff: {  	[tilespmem:s11], [sflag:$0x2] =	stream.linear.gather [hbm4b:s29+s24], $0x80, $0x38;
	[tilespmem:$0x37C0] =	vst v63  }
0x100: {  	_ = 	snop  }
0x101: {  	[tilespmem:s25], [sflag:$0x2] =	stream.linear.gather [hbm4b:s0+s24], $0x400, $0x38;
	[tilespmem:$0x37C0] =	vst v63  }
0x102: {  	s16 =	simm.s32 @!p0 $0x0;
	s28 =	simm.s32 @!p0 $0x100;
	s29 =	rddreg [dreg:$0xe]  }
0x103: {  	[tilespmem:s28], [sflag:$0x3] =	stream.linear.gather @!p0 [hbm4b:s29+s16], $0x80, $0x38;
	[tilespmem:$0x37C0] =	vst v63  }
0x104: {  	s29 =	sld [smem:$0x7D5];
	_ =	sdelay $0x1  }
0x105: {  	s28 =	simm.s32 @!p0 $0xC00  }
0x106: {  	[tilespmem:s28], [sflag:$0x3] =	stream.linear.gather @!p0 [hbm4b:s29+s16], $0x400, $0x38;
	[tilespmem:$0x37C0] =	vst v63  }
0x107: {  	s28 =	simm.s32 @!p0 $0x180;
	s29 =	rddreg [dreg:$0xf]  }
0x108: {  	[tilespmem:s28], [sflag:$0x4] =	stream.linear.gather @!p0 [hbm4b:s29+s16], $0x80, $0x38;
	[tilespmem:$0x37C0] =	vst v63  }
0x109: {  	s29 =	sld [smem:$0x7D7];
	_ =	sdelay $0x1  }
0x10a: {  	s28 =	simm.s32 @!p0 $0x1000  }
0x10b: {  	[tilespmem:s28], [sflag:$0x4] =	stream.linear.gather @!p0 [hbm4b:s29+s16], $0x400, $0x38;
	[tilespmem:$0x37C0] =	vst v63  }
0x10c: {  	_ =	swait.ge [sflag:s4], $0x80  }
0x10d: {  	[sflag:s4] =	ssyncset.done $0x0  }
0x10e: {  	[sflag:s4] =	ssyncadd.s32 $0xFFFFFF80  }
0x10f: {  	_ =	swait.ge [sflag:s4], $0x400  }
0x110: {  	[sflag:s4] =	ssyncset.done $0x0  }
0x111: {  	[sflag:s4] =	ssyncadd.s32 $0xFFFFFC00  }
0x112: {  	[spmem:s3] =	stream.indirect.scatter.add.f32 [tilespmem:s18], [sflag:$0xD], $0x8, s31, s11, $0xb8;
	[tilespmem:$0x37C0] =	vst v63  }
0x113: {  	_ =	swait.ge [sflag:s5], $0x80  }
0x114: {  	[sflag:s5] =	ssyncset.done $0x0  }
0x115: {  	[sflag:s5] =	ssyncadd.s32 $0xFFFFFF80  }
0x116: {  	_ =	swait.ge [sflag:s5], $0x400  }
0x117: {  	[sflag:s5] =	ssyncset.done $0x0  }
0x118: {  	[sflag:s5] =	ssyncadd.s32 $0xFFFFFC00  }
0x119: {  	[spmem:s3] =	stream.indirect.scatter.add.f32 [tilespmem:s15], [sflag:$0xE], $0x8, s19, s11, $0xb8;
	[tilespmem:$0x37C0] =	vst v63  }
0x11a: {  	_ =	swait.ge [sflag:s7], $0x80  }
0x11b: {  	[sflag:s7] =	ssyncset.done $0x0  }
0x11c: {  	[sflag:s7] =	ssyncadd.s32 $0xFFFFFF80  }
0x11d: {  	_ =	swait.ge [sflag:s7], $0x400  }
0x11e: {  	[sflag:s7] =	ssyncset.done $0x0  }
0x11f: {  	[sflag:s7] =	ssyncadd.s32 $0xFFFFFC00  }
0x120: {  	[spmem:s3] =	stream.indirect.scatter.add.f32 [tilespmem:s26], [sflag:$0xF], $0x8, s10, s11, $0xb8;
	[tilespmem:$0x37C0] =	vst v63  }
0x121: {  	_ =	swait.ge [sflag:s6], $0x80  }
0x122: {  	[sflag:s6] =	ssyncset.done $0x0  }
0x123: {  	[sflag:s6] =	ssyncadd.s32 $0xFFFFFF80  }
0x124: {  	_ =	swait.ge [sflag:s6], $0x400  }
0x125: {  	[sflag:s6] =	ssyncset.done $0x0  }
0x126: {  	[sflag:s6] =	ssyncadd.s32 $0xFFFFFC00  }
0x127: {  	[spmem:s3] =	stream.indirect.scatter.add.f32 [tilespmem:s2], [sflag:$0x10], $0x8, s1, s11, $0xb8;
	[tilespmem:$0x37C0] =	vst v63  }
0x128: {  	_ =	swait.ge [sflag:s13], $0x400  }
0x129: {  	[sflag:s13] =	ssyncset.done $0x0  }
0x12a: {  	[sflag:s13] =	ssyncadd.s32 $0xFFFFFC00  }
0x12b: {  	_ =	swait.ge [sflag:s14], $0x400  }
0x12c: {  	[sflag:s14] =	ssyncset.done $0x0  }
0x12d: {  	s26 =	simm.s32 $0xF;
	[sflag:s14] =	ssyncadd.s32 $0xFFFFFC00  }
0x12e: {  	_ =	swait.ge [sflag:s26], $0x400  }
0x12f: {  	[sflag:s26] =	ssyncset.done $0x0  }
0x130: {  	s29 =	simm.s32 $0x10;
	[sflag:s26] =	ssyncadd.s32 $0xFFFFFC00  }
0x131: {  	_ =	swait.ge [sflag:s29], $0x400  }
0x132: {  	[sflag:s29] =	ssyncset.done $0x0  }
0x133: {  	s28 =	simm.s32 @!p0 $0x200;
	[sflag:s29] =	ssyncadd.s32 $0xFFFFFC00;
	s29 =	rddreg [dreg:$0x10]  }
0x134: {  	[tilespmem:s28], [sflag:$0x5] =	stream.linear.gather @!p0 [hbm4b:s29+s16], $0x80, $0x38;
	[tilespmem:$0x37C0] =	vst v63  }
0x135: {  	s29 =	sld [smem:$0x7DA];
	_ =	sdelay $0x1  }
0x136: {  	s28 =	simm.s32 @!p0 $0x1400  }
0x137: {  	[tilespmem:s28], [sflag:$0x5] =	stream.linear.gather @!p0 [hbm4b:s29+s16], $0x400, $0x38;
	[tilespmem:$0x37C0] =	vst v63  }
0x138: {  	s28 =	simm.s32 @!p0 $0x280;
	s29 =	rddreg [dreg:$0x11]  }
0x139: {  	[tilespmem:s28], [sflag:$0x6] =	stream.linear.gather @!p0 [hbm4b:s29+s16], $0x80, $0x38;
	[tilespmem:$0x37C0] =	vst v63  }
0x13a: {  	s29 =	sld [smem:$0x7DB];
	_ =	sdelay $0x1  }
0x13b: {  	s28 =	simm.s32 @!p0 $0x1800  }
0x13c: {  	[tilespmem:s28], [sflag:$0x6] =	stream.linear.gather @!p0 [hbm4b:s29+s16], $0x400, $0x38;
	[tilespmem:$0x37C0] =	vst v63  }
0x13d: {  	s28 =	simm.s32 @!p0 $0x300;
	s29 =	rddreg [dreg:$0x12]  }
0x13e: {  	[tilespmem:s28], [sflag:$0x7] =	stream.linear.gather @!p0 [hbm4b:s29+s16], $0x80, $0x38;
	[tilespmem:$0x37C0] =	vst v63  }
0x13f: {  	s29 =	sld [smem:$0x7DC];
	_ =	sdelay $0x1  }
0x140: {  	s28 =	simm.s32 @!p0 $0x1C00  }
0x141: {  	[tilespmem:s28], [sflag:$0x7] =	stream.linear.gather @!p0 [hbm4b:s29+s16], $0x400, $0x38;
	[tilespmem:$0x37C0] =	vst v63  }
0x142: {  	s28 =	simm.s32 @!p0 $0x380;
	s29 =	rddreg [dreg:$0x13]  }
0x143: {  	[tilespmem:s28], [sflag:$0x8] =	stream.linear.gather @!p0 [hbm4b:s29+s16], $0x80, $0x38;
	[tilespmem:$0x37C0] =	vst v63  }
0x144: {  	s29 =	sld [smem:$0x7DF];
	_ =	sdelay $0x1  }
0x145: {  	s28 =	simm.s32 @!p0 $0x2000  }
0x146: {  	[tilespmem:s28], [sflag:$0x8] =	stream.linear.gather @!p0 [hbm4b:s29+s16], $0x400, $0x38;
	[tilespmem:$0x37C0] =	vst v63  }
0x147: {  	_ =	swait.ge [sflag:s20], $0x80  }
0x148: {  	[sflag:s20] =	ssyncset.done $0x0  }
0x149: {  	[sflag:s20] =	ssyncadd.s32 $0xFFFFFF80  }
0x14a: {  	_ =	swait.ge [sflag:s20], $0x400  }
0x14b: {  	[sflag:s20] =	ssyncset.done $0x0  }
0x14c: {  	[sflag:s20] =	ssyncadd.s32 $0xFFFFFC00  }
0x14d: {  	[spmem:s3] =	stream.indirect.scatter.add.f32 [tilespmem:s12], [sflag:$0x9], $0x8, s24, s11, $0xb8;
	[tilespmem:$0x37C0] =	vst v63  }
0x14e: {  	_ =	swait.ge [sflag:s21], $0x80  }
0x14f: {  	[sflag:s21] =	ssyncset.done $0x0  }
.Ltmp2:
0x150: {  	[sflag:s21] =	ssyncadd.s32 $0xFFFFFF80;
	(pc) =	sbr.rel @p0 .LBB2_3-.Ltmp2, $4  }
0x151: {  	_ =	swait.ge [sflag:s21], $0x400  }
0x152: {  	[sflag:s21] =	ssyncset.done $0x0  }
0x153: {  	s16 =	simm.s32 $0x9;
	s28 =	simm.s32 $0xA;
	[sflag:s21] =	ssyncadd.s32 $0xFFFFFC00  }
0x154: {  	[spmem:s3] =	stream.indirect.scatter.add.f32 [tilespmem:s25], [sflag:$0xA], $0x8, s11, s11, $0xb8;
	[tilespmem:$0x37C0] =	vst v63  }
0x155: {  	_ =	swait.ge [sflag:s22], $0x80  }
0x156: {  	[sflag:s22] =	ssyncset.done $0x0  }
0x157: {  	[sflag:s22] =	ssyncadd.s32 $0xFFFFFF80  }
0x158: {  	_ =	swait.ge [sflag:s22], $0x400  }
0x159: {  	[sflag:s22] =	ssyncset.done $0x0  }
0x15a: {  	s1 =	simm.s32 $0x100;
	s0 =	simm.s32 $0xC00;
	[sflag:s22] =	ssyncadd.s32 $0xFFFFFC00  }
0x15b: {  	[spmem:s3] =	stream.indirect.scatter.add.f32 [tilespmem:s0], [sflag:$0xB], $0x8, s1, s11, $0xb8;
	[tilespmem:$0x37C0] =	vst v63  }
0x15c: {  	_ =	swait.ge [sflag:s23], $0x80  }
0x15d: {  	[sflag:s23] =	ssyncset.done $0x0  }
0x15e: {  	[sflag:s23] =	ssyncadd.s32 $0xFFFFFF80  }
0x15f: {  	_ =	swait.ge [sflag:s23], $0x400  }
0x160: {  	s17 =	simm.s32 $0x1000;
	[sflag:s23] =	ssyncset.done $0x0  }
0x161: {  	s30 =	simm.s32 $0x180;
	s26 =	simm.s32 $0x9;
	[sflag:s23] =	ssyncadd.s32 $0xFFFFFC00  }
0x162: {  	[spmem:s3] =	stream.indirect.scatter.add.f32 [tilespmem:s17], [sflag:$0xC], $0x8, s30, s11, $0xb8;
	[tilespmem:$0x37C0] =	vst v63  }
0x163: {  	_ =	swait.ge [sflag:s26], $0x400  }
0x164: {  	[sflag:s26] =	ssyncset.done $0x0  }
0x165: {  	s25 =	simm.s32 $0xA;
	[sflag:s26] =	ssyncadd.s32 $0xFFFFFC00  }
0x166: {  	_ =	swait.ge [sflag:s25], $0x400  }
0x167: {  	[sflag:s25] =	ssyncset.done $0x0  }
0x168: {  	s10 =	simm.s32 $0xB;
	[sflag:s25] =	ssyncadd.s32 $0xFFFFFC00  }
0x169: {  	_ =	swait.ge [sflag:s10], $0x400  }
0x16a: {  	[sflag:s10] =	ssyncset.done $0x0  }
0x16b: {  	s12 =	simm.s32 $0xC;
	[sflag:s10] =	ssyncadd.s32 $0xFFFFFC00  }
0x16c: {  	_ =	swait.ge [sflag:s12], $0x400  }
0x16d: {  	[sflag:s12] =	ssyncset.done $0x0;
	s16 =	rddreg [dreg:$0x14]  }
0x16e: {  	s15 =	sld [smem:$0x7E0];
	[sflag:s12] =	ssyncadd.s32 $0xFFFFFC00  }
0x16f: {  	[tilespmem:s24], [sflag:$0x1] =	stream.linear.gather [hbm4b:s16+s24], $0x80, $0x38;
	[tilespmem:$0x37C0] =	vst v63  }
0x170: {  	s29 =	simm.s32 $0x400;
	s0 =	rddreg [dreg:$0x15]  }
0x171: {  	[tilespmem:s29], [sflag:$0x1] =	stream.linear.gather [hbm4b:s15+s24], $0x400, $0x38;
	[tilespmem:$0x37C0] =	vst v63  }
0x172: {  	s2 =	sld [smem:$0x7E1]  }
0x173: {  	[tilespmem:s11], [sflag:$0x2] =	stream.linear.gather [hbm4b:s0+s24], $0x80, $0x38;
	[tilespmem:$0x37C0] =	vst v63  }
0x174: {  	s13 =	simm.s32 $0x800;
	s14 =	rddreg [dreg:$0x16]  }
0x175: {  	[tilespmem:s13], [sflag:$0x2] =	stream.linear.gather [hbm4b:s2+s24], $0x400, $0x38;
	[tilespmem:$0x37C0] =	vst v63  }
0x176: {  	s1 =	simm.s32 $0x100;
	s15 =	sld [smem:$0x7E2]  }
0x177: {  	[tilespmem:s1], [sflag:$0x3] =	stream.linear.gather [hbm4b:s14+s24], $0x80, $0x38;
	[tilespmem:$0x37C0] =	vst v63  }
0x178: {  	s29 =	simm.s32 $0xC00;
	s2 =	sld [smem:$0x7E3]  }
0x179: {  	[tilespmem:s29], [sflag:$0x3] =	stream.linear.gather [hbm4b:s15+s24], $0x400, $0x38;
	[tilespmem:$0x37C0] =	vst v63  }
0x17a: {  	s1 =	rddreg [dreg:$0x17]  }
0x17b: {  	[tilespmem:s30], [sflag:$0x4] =	stream.linear.gather [hbm4b:s1+s24], $0x80, $0x38;
	[tilespmem:$0x37C0] =	vst v63  }
0x17c: {  	_ = 	snop  }
0x17d: {  	[tilespmem:s17], [sflag:$0x4] =	stream.linear.gather [hbm4b:s2+s24], $0x400, $0x38;
	[tilespmem:$0x37C0] =	vst v63  }
0x17e: {  	_ =	swait.ge [sflag:s4], $0x80  }
0x17f: {  	[sflag:s4] =	ssyncset.done $0x0  }
0x180: {  	[sflag:s4] =	ssyncadd.s32 $0xFFFFFF80  }
0x181: {  	_ =	swait.ge [sflag:s4], $0x400  }
0x182: {  	[sflag:s4] =	ssyncset.done $0x0  }
0x183: {  	s19 =	simm.s32 $0x1400;
	s18 =	simm.s32 $0x200;
	[sflag:s4] =	ssyncadd.s32 $0xFFFFFC00  }
0x184: {  	[spmem:s3] =	stream.indirect.scatter.add.f32 [tilespmem:s19], [sflag:$0xD], $0x8, s18, s11, $0xb8;
	[tilespmem:$0x37C0] =	vst v63  }
0x185: {  	_ =	swait.ge [sflag:s5], $0x80  }
0x186: {  	[sflag:s5] =	ssyncset.done $0x0  }
0x187: {  	[sflag:s5] =	ssyncadd.s32 $0xFFFFFF80  }
0x188: {  	_ =	swait.ge [sflag:s5], $0x400  }
0x189: {  	[sflag:s5] =	ssyncset.done $0x0  }
0x18a: {  	s9 =	simm.s32 $0x280;
	s15 =	simm.s32 $0x1800;
	[sflag:s5] =	ssyncadd.s32 $0xFFFFFC00  }
0x18b: {  	[spmem:s3] =	stream.indirect.scatter.add.f32 [tilespmem:s15], [sflag:$0xE], $0x8, s9, s11, $0xb8;
	[tilespmem:$0x37C0] =	vst v63  }
0x18c: {  	_ =	swait.ge [sflag:s7], $0x80  }
0x18d: {  	[sflag:s7] =	ssyncset.done $0x0  }
0x18e: {  	[sflag:s7] =	ssyncadd.s32 $0xFFFFFF80  }
0x18f: {  	_ =	swait.ge [sflag:s7], $0x400  }
0x190: {  	[sflag:s7] =	ssyncset.done $0x0  }
0x191: {  	s13 =	simm.s32 $0x300;
	s14 =	simm.s32 $0x1C00;
	[sflag:s7] =	ssyncadd.s32 $0xFFFFFC00  }
0x192: {  	[spmem:s3] =	stream.indirect.scatter.add.f32 [tilespmem:s14], [sflag:$0xF], $0x8, s13, s11, $0xb8;
	[tilespmem:$0x37C0] =	vst v63  }
0x193: {  	_ =	swait.ge [sflag:s6], $0x80  }
0x194: {  	[sflag:s6] =	ssyncset.done $0x0  }
0x195: {  	[sflag:s6] =	ssyncadd.s32 $0xFFFFFF80  }
0x196: {  	_ =	swait.ge [sflag:s6], $0x400  }
0x197: {  	s28 =	simm.s32 $0xD;
	[sflag:s6] =	ssyncset.done $0x0  }
0x198: {  	s2 =	simm.s32 $0x2000;
	s15 =	simm.s32 $0x380;
	[sflag:s6] =	ssyncadd.s32 $0xFFFFFC00  }
0x199: {  	[spmem:s3] =	stream.indirect.scatter.add.f32 [tilespmem:s2], [sflag:$0x10], $0x8, s15, s11, $0xb8;
	[tilespmem:$0x37C0] =	vst v63  }
0x19a: {  	_ =	swait.ge [sflag:s28], $0x400  }
0x19b: {  	[sflag:s28] =	ssyncset.done $0x0  }
0x19c: {  	s29 =	simm.s32 $0xE;
	[sflag:s28] =	ssyncadd.s32 $0xFFFFFC00  }
0x19d: {  	_ =	swait.ge [sflag:s29], $0x400  }
0x19e: {  	[sflag:s29] =	ssyncset.done $0x0  }
0x19f: {  	s16 =	simm.s32 $0xF;
	[sflag:s29] =	ssyncadd.s32 $0xFFFFFC00  }
0x1a0: {  	_ =	swait.ge [sflag:s16], $0x400  }
0x1a1: {  	[sflag:s16] =	ssyncset.done $0x0  }
0x1a2: {  	s28 =	simm.s32 $0x10;
	[sflag:s16] =	ssyncadd.s32 $0xFFFFFC00  }
0x1a3: {  	_ =	swait.ge [sflag:s28], $0x400  }
0x1a4: {  	[sflag:s28] =	ssyncset.done $0x0;
	s29 =	rddreg [dreg:$0x18]  }
0x1a5: {  	s15 =	sld [smem:$0x7E4];
	[sflag:s28] =	ssyncadd.s32 $0xFFFFFC00  }
0x1a6: {  	[tilespmem:s18], [sflag:$0x5] =	stream.linear.gather [hbm4b:s29+s24], $0x80, $0x38;
	[tilespmem:$0x37C0] =	vst v63  }
0x1a7: {  	_ = 	snop  }
0x1a8: {  	[tilespmem:s19], [sflag:$0x5] =	stream.linear.gather [hbm4b:s15+s24], $0x400, $0x38;
	[tilespmem:$0x37C0] =	vst v63  }
0x1a9: {  	s15 =	rddreg [dreg:$0x19]  }
0x1aa: {  	[tilespmem:s9], [sflag:$0x6] =	stream.linear.gather [hbm4b:s15+s24], $0x80, $0x38;
	[tilespmem:$0x37C0] =	vst v63  }
0x1ab: {  	s15 =	sld [smem:$0x7E5];
	_ =	sdelay $0x1  }
0x1ac: {  	s0 =	simm.s32 $0x1800  }
0x1ad: {  	[tilespmem:s0], [sflag:$0x6] =	stream.linear.gather [hbm4b:s15+s24], $0x400, $0x38;
	[tilespmem:$0x37C0] =	vst v63  }
0x1ae: {  	s15 =	rddreg [dreg:$0x1a]  }
0x1af: {  	s13 =	simm.s32 $0x300;
	s0 =	sld [smem:$0x7E6]  }
0x1b0: {  	[tilespmem:s13], [sflag:$0x7] =	stream.linear.gather [hbm4b:s15+s24], $0x80, $0x38;
	[tilespmem:$0x37C0] =	vst v63  }
0x1b1: {  	s1 =	simm.s32 $0x1C00;
	s15 =	sld [smem:$0x7E7]  }
0x1b2: {  	[tilespmem:s1], [sflag:$0x7] =	stream.linear.gather [hbm4b:s0+s24], $0x400, $0x38;
	[tilespmem:$0x37C0] =	vst v63  }
0x1b3: {  	s14 =	simm.s32 $0x380;
	s1 =	rddreg [dreg:$0x1b]  }
0x1b4: {  	[tilespmem:s14], [sflag:$0x8] =	stream.linear.gather [hbm4b:s1+s24], $0x80, $0x38;
	[tilespmem:$0x37C0] =	vst v63  }
0x1b5: {  	s2 =	simm.s32 $0x2000  }
0x1b6: {  	[tilespmem:s2], [sflag:$0x8] =	stream.linear.gather [hbm4b:s15+s24], $0x400, $0x38;
	[tilespmem:$0x37C0] =	vst v63  }
0x1b7: {  	_ =	swait.ge [sflag:s20], $0x80  }
0x1b8: {  	[sflag:s20] =	ssyncset.done $0x0  }
0x1b9: {  	[sflag:s20] =	ssyncadd.s32 $0xFFFFFF80  }
0x1ba: {  	_ =	swait.ge [sflag:s20], $0x400  }
0x1bb: {  	[sflag:s20] =	ssyncset.done $0x0  }
0x1bc: {  	s1 =	simm.s32 $0x400;
	[sflag:s20] =	ssyncadd.s32 $0xFFFFFC00  }
0x1bd: {  	[spmem:s3] =	stream.indirect.scatter.add.f32 [tilespmem:s1], [sflag:$0x9], $0x8, s24, s11, $0xb8;
	[tilespmem:$0x37C0] =	vst v63  }
0x1be: {  	_ =	swait.ge [sflag:s21], $0x80  }
0x1bf: {  	[sflag:s21] =	ssyncset.done $0x0  }
0x1c0: {  	[sflag:s21] =	ssyncadd.s32 $0xFFFFFF80  }
0x1c1: {  	_ =	swait.ge [sflag:s21], $0x400  }
0x1c2: {  	[sflag:s21] =	ssyncset.done $0x0  }
0x1c3: {  	s0 =	simm.s32 $0x800;
	[sflag:s21] =	ssyncadd.s32 $0xFFFFFC00  }
0x1c4: {  	[spmem:s3] =	stream.indirect.scatter.add.f32 [tilespmem:s0], [sflag:$0xA], $0x8, s11, s11, $0xb8;
	[tilespmem:$0x37C0] =	vst v63  }
0x1c5: {  	_ =	swait.ge [sflag:s22], $0x80  }
0x1c6: {  	[sflag:s22] =	ssyncset.done $0x0  }
0x1c7: {  	[sflag:s22] =	ssyncadd.s32 $0xFFFFFF80  }
0x1c8: {  	_ =	swait.ge [sflag:s22], $0x400  }
0x1c9: {  	[sflag:s22] =	ssyncset.done $0x0  }
0x1ca: {  	s29 =	simm.s32 $0xC00;
	s15 =	simm.s32 $0x100;
	[sflag:s22] =	ssyncadd.s32 $0xFFFFFC00  }
0x1cb: {  	[spmem:s3] =	stream.indirect.scatter.add.f32 [tilespmem:s29], [sflag:$0xB], $0x8, s15, s11, $0xb8;
	[tilespmem:$0x37C0] =	vst v63  }
0x1cc: {  	_ =	swait.ge [sflag:s23], $0x80  }
0x1cd: {  	[sflag:s23] =	ssyncset.done $0x0  }
0x1ce: {  	[sflag:s23] =	ssyncadd.s32 $0xFFFFFF80  }
0x1cf: {  	_ =	swait.ge [sflag:s23], $0x400  }
0x1d0: {  	[sflag:s23] =	ssyncset.done $0x0  }
0x1d1: {  	[sflag:s23] =	ssyncadd.s32 $0xFFFFFC00  }
0x1d2: {  	[spmem:s3] =	stream.indirect.scatter.add.f32 [tilespmem:s17], [sflag:$0xC], $0x8, s30, s11, $0xb8;
	[tilespmem:$0x37C0] =	vst v63  }
0x1d3: {  	_ =	swait.ge [sflag:s26], $0x400  }
0x1d4: {  	[sflag:s26] =	ssyncset.done $0x0  }
0x1d5: {  	[sflag:s26] =	ssyncadd.s32 $0xFFFFFC00  }
0x1d6: {  	_ =	swait.ge [sflag:s25], $0x400  }
0x1d7: {  	[sflag:s25] =	ssyncset.done $0x0  }
0x1d8: {  	[sflag:s25] =	ssyncadd.s32 $0xFFFFFC00  }
0x1d9: {  	_ =	swait.ge [sflag:s10], $0x400  }
0x1da: {  	[sflag:s10] =	ssyncset.done $0x0  }
0x1db: {  	[sflag:s10] =	ssyncadd.s32 $0xFFFFFC00  }
0x1dc: {  	_ =	swait.ge [sflag:s12], $0x400  }
0x1dd: {  	[sflag:s12] =	ssyncset.done $0x0  }
0x1de: {  	s2 =	rddreg [dreg:$0x1c];
	[sflag:s12] =	ssyncadd.s32 $0xFFFFFC00  }
0x1df: {  	[tilespmem:s24], [sflag:$0x1] =	stream.linear.gather [hbm4b:s2+s24], $0x80, $0x38;
	[tilespmem:$0x37C0] =	vst v63  }
0x1e0: {  	s2 =	sld [smem:$0x7E8];
	_ =	sdelay $0x2  }
0x1e1: {  	[tilespmem:s1], [sflag:$0x1] =	stream.linear.gather [hbm4b:s2+s24], $0x400, $0x38;
	[tilespmem:$0x37C0] =	vst v63  }
0x1e2: {  	s1 =	rddreg [dreg:$0x1d]  }
0x1e3: {  	s2 =	sld [smem:$0x7E9]  }
0x1e4: {  	[tilespmem:s11], [sflag:$0x2] =	stream.linear.gather [hbm4b:s1+s24], $0x80, $0x38;
	[tilespmem:$0x37C0] =	vst v63  }
0x1e5: {  	s1 =	sld [smem:$0x7EA]  }
0x1e6: {  	[tilespmem:s0], [sflag:$0x2] =	stream.linear.gather [hbm4b:s2+s24], $0x400, $0x38;
	[tilespmem:$0x37C0] =	vst v63  }
0x1e7: {  	s0 =	rddreg [dreg:$0x1e]  }
0x1e8: {  	[tilespmem:s15], [sflag:$0x3] =	stream.linear.gather [hbm4b:s0+s24], $0x80, $0x38;
	[tilespmem:$0x37C0] =	vst v63  }
0x1e9: {  	s2 =	simm.s32 $0xC00;
	s15 =	rddreg [dreg:$0x1f]  }
0x1ea: {  	[tilespmem:s2], [sflag:$0x3] =	stream.linear.gather [hbm4b:s1+s24], $0x400, $0x38;
	[tilespmem:$0x37C0] =	vst v63  }
0x1eb: {  	s0 =	sld [smem:$0x7EB]  }
0x1ec: {  	[tilespmem:s30], [sflag:$0x4] =	stream.linear.gather [hbm4b:s15+s24], $0x80, $0x38;
	[tilespmem:$0x37C0] =	vst v63  }
0x1ed: {  	_ = 	snop  }
0x1ee: {  	[tilespmem:s17], [sflag:$0x4] =	stream.linear.gather [hbm4b:s0+s24], $0x400, $0x38;
	[tilespmem:$0x37C0] =	vst v63  }
0x1ef: {  	_ =	swait.ge [sflag:s4], $0x80  }
0x1f0: {  	[sflag:s4] =	ssyncset.done $0x0  }
0x1f1: {  	[sflag:s4] =	ssyncadd.s32 $0xFFFFFF80  }
0x1f2: {  	_ =	swait.ge [sflag:s4], $0x400  }
0x1f3: {  	[sflag:s4] =	ssyncset.done $0x0  }
0x1f4: {  	[sflag:s4] =	ssyncadd.s32 $0xFFFFFC00  }
0x1f5: {  	[spmem:s3] =	stream.indirect.scatter.add.f32 [tilespmem:s19], [sflag:$0xD], $0x8, s18, s11, $0xb8;
	[tilespmem:$0x37C0] =	vst v63  }
0x1f6: {  	_ =	swait.ge [sflag:s5], $0x80  }
0x1f7: {  	[sflag:s5] =	ssyncset.done $0x0  }
0x1f8: {  	[sflag:s5] =	ssyncadd.s32 $0xFFFFFF80  }
0x1f9: {  	_ =	swait.ge [sflag:s5], $0x400  }
0x1fa: {  	[sflag:s5] =	ssyncset.done $0x0  }
0x1fb: {  	s31 =	simm.s32 $0x1800;
	s19 =	simm.s32 $0x280;
	[sflag:s5] =	ssyncadd.s32 $0xFFFFFC00  }
0x1fc: {  	[spmem:s3] =	stream.indirect.scatter.add.f32 [tilespmem:s31], [sflag:$0xE], $0x8, s19, s11, $0xb8;
	[tilespmem:$0x37C0] =	vst v63  }
0x1fd: {  	_ =	swait.ge [sflag:s7], $0x80  }
0x1fe: {  	[sflag:s7] =	ssyncset.done $0x0  }
0x1ff: {  	[sflag:s7] =	ssyncadd.s32 $0xFFFFFF80  }
0x200: {  	_ =	swait.ge [sflag:s7], $0x400  }
0x201: {  	[sflag:s7] =	ssyncset.done $0x0  }
0x202: {  	s1 =	simm.s32 $0x300;
	s2 =	simm.s32 $0x1C00;
	[sflag:s7] =	ssyncadd.s32 $0xFFFFFC00  }
0x203: {  	[spmem:s3] =	stream.indirect.scatter.add.f32 [tilespmem:s2], [sflag:$0xF], $0x8, s1, s11, $0xb8;
	[tilespmem:$0x37C0] =	vst v63  }
0x204: {  	_ =	swait.ge [sflag:s6], $0x80  }
0x205: {  	[sflag:s6] =	ssyncset.done $0x0  }
0x206: {  	[sflag:s6] =	ssyncadd.s32 $0xFFFFFF80  }
0x207: {  	_ =	swait.ge [sflag:s6], $0x400  }
0x208: {  	s13 =	simm.s32 $0xD;
	[sflag:s6] =	ssyncset.done $0x0  }
0x209: {  	s15 =	simm.s32 $0x2000;
	s0 =	simm.s32 $0x380;
	[sflag:s6] =	ssyncadd.s32 $0xFFFFFC00  }
0x20a: {  	[spmem:s3] =	stream.indirect.scatter.add.f32 [tilespmem:s15], [sflag:$0x10], $0x8, s0, s11, $0xb8;
	[tilespmem:$0x37C0] =	vst v63  }
0x20b: {  	_ =	swait.ge [sflag:s13], $0x400  }
0x20c: {  	[sflag:s13] =	ssyncset.done $0x0  }
0x20d: {  	s14 =	simm.s32 $0xE;
	[sflag:s13] =	ssyncadd.s32 $0xFFFFFC00  }
0x20e: {  	_ =	swait.ge [sflag:s14], $0x400  }
0x20f: {  	[sflag:s14] =	ssyncset.done $0x0  }
0x210: {  	[sflag:s14] =	ssyncadd.s32 $0xFFFFFC00  }
0x211: {  	_ =	swait.ge [sflag:s16], $0x400  }
0x212: {  	[sflag:s16] =	ssyncset.done $0x0  }
0x213: {  	[sflag:s16] =	ssyncadd.s32 $0xFFFFFC00  }
0x214: {  	_ =	swait.ge [sflag:s28], $0x400  }
0x215: {  	s29 =	sld [smem:$0x7B4]  }
0x216: {  	[sflag:s28] =	ssyncset.done $0x0  }
0x217: {  	[sflag:s28] =	ssyncadd.s32 $0xFFFFFC00  }
0x218: {  	[tilespmem:s18], [sflag:$0x5] =	stream.linear.gather [hbm4b:s29+s24], $0x80, $0x38;
	[tilespmem:$0x37C0] =	vst v63  }
0x219: {  	s29 =	sld [smem:$0x7EC];
	_ =	sdelay $0x1  }
0x21a: {  	s18 =	simm.s32 $0x1400  }
0x21b: {  	[tilespmem:s18], [sflag:$0x5] =	stream.linear.gather [hbm4b:s29+s24], $0x400, $0x38;
	[tilespmem:$0x37C0] =	vst v63  }
0x21c: {  	s29 =	sld [smem:$0x7B5];
	_ =	sdelay $0x2  }
0x21d: {  	[tilespmem:s19], [sflag:$0x6] =	stream.linear.gather [hbm4b:s29+s24], $0x80, $0x38;
	[tilespmem:$0x37C0] =	vst v63  }
0x21e: {  	s29 =	sld [smem:$0x7ED];
	_ =	sdelay $0x2  }
0x21f: {  	[tilespmem:s31], [sflag:$0x6] =	stream.linear.gather [hbm4b:s29+s24], $0x400, $0x38;
	[tilespmem:$0x37C0] =	vst v63  }
0x220: {  	s29 =	sld [smem:$0x7B6];
	_ =	sdelay $0x2  }
0x221: {  	[tilespmem:s1], [sflag:$0x7] =	stream.linear.gather [hbm4b:s29+s24], $0x80, $0x38;
	[tilespmem:$0x37C0] =	vst v63  }
0x222: {  	s1 =	sld [smem:$0x7EE];
	_ =	sdelay $0x2  }
0x223: {  	[tilespmem:s2], [sflag:$0x7] =	stream.linear.gather [hbm4b:s1+s24], $0x400, $0x38;
	[tilespmem:$0x37C0] =	vst v63  }
0x224: {  	s1 =	sld [smem:$0x7B7];
	_ =	sdelay $0x1  }
0x225: {  	s2 =	sld [smem:$0x7EF]  }
0x226: {  	[tilespmem:s0], [sflag:$0x8] =	stream.linear.gather [hbm4b:s1+s24], $0x80, $0x38;
	[tilespmem:$0x37C0] =	vst v63  }
0x227: {  	_ = 	snop  }
0x228: {  	[tilespmem:s15], [sflag:$0x8] =	stream.linear.gather [hbm4b:s2+s24], $0x400, $0x38;
	[tilespmem:$0x37C0] =	vst v63  }
0x229: {  	_ =	swait.ge [sflag:s20], $0x80  }
0x22a: {  	[sflag:s20] =	ssyncset.done $0x0  }
0x22b: {  	[sflag:s20] =	ssyncadd.s32 $0xFFFFFF80  }
0x22c: {  	_ =	swait.ge [sflag:s20], $0x400  }
0x22d: {  	[sflag:s20] =	ssyncset.done $0x0  }
0x22e: {  	s15 =	simm.s32 $0x400;
	[sflag:s20] =	ssyncadd.s32 $0xFFFFFC00  }
0x22f: {  	[spmem:s3] =	stream.indirect.scatter.add.f32 [tilespmem:s15], [sflag:$0x9], $0x8, s24, s11, $0xb8;
	[tilespmem:$0x37C0] =	vst v63  }
0x230: {  	_ =	swait.ge [sflag:s21], $0x80  }
0x231: {  	[sflag:s21] =	ssyncset.done $0x0  }
0x232: {  	[sflag:s21] =	ssyncadd.s32 $0xFFFFFF80  }
0x233: {  	_ =	swait.ge [sflag:s21], $0x400  }
0x234: {  	[sflag:s21] =	ssyncset.done $0x0  }
0x235: {  	s1 =	simm.s32 $0x800;
	[sflag:s21] =	ssyncadd.s32 $0xFFFFFC00  }
0x236: {  	[spmem:s3] =	stream.indirect.scatter.add.f32 [tilespmem:s1], [sflag:$0xA], $0x8, s11, s11, $0xb8;
	[tilespmem:$0x37C0] =	vst v63  }
0x237: {  	_ =	swait.ge [sflag:s22], $0x80  }
0x238: {  	[sflag:s22] =	ssyncset.done $0x0  }
0x239: {  	[sflag:s22] =	ssyncadd.s32 $0xFFFFFF80  }
0x23a: {  	_ =	swait.ge [sflag:s22], $0x400  }
0x23b: {  	[sflag:s22] =	ssyncset.done $0x0  }
0x23c: {  	s29 =	simm.s32 $0xC00;
	s2 =	simm.s32 $0x100;
	[sflag:s22] =	ssyncadd.s32 $0xFFFFFC00  }
0x23d: {  	[spmem:s3] =	stream.indirect.scatter.add.f32 [tilespmem:s29], [sflag:$0xB], $0x8, s2, s11, $0xb8;
	[tilespmem:$0x37C0] =	vst v63  }
0x23e: {  	_ =	swait.ge [sflag:s23], $0x80  }
0x23f: {  	[sflag:s23] =	ssyncset.done $0x0  }
0x240: {  	[sflag:s23] =	ssyncadd.s32 $0xFFFFFF80  }
0x241: {  	_ =	swait.ge [sflag:s23], $0x400  }
0x242: {  	[sflag:s23] =	ssyncset.done $0x0  }
0x243: {  	[sflag:s23] =	ssyncadd.s32 $0xFFFFFC00  }
0x244: {  	[spmem:s3] =	stream.indirect.scatter.add.f32 [tilespmem:s17], [sflag:$0xC], $0x8, s30, s11, $0xb8;
	[tilespmem:$0x37C0] =	vst v63  }
0x245: {  	_ =	swait.ge [sflag:s26], $0x400  }
0x246: {  	[sflag:s26] =	ssyncset.done $0x0  }
0x247: {  	[sflag:s26] =	ssyncadd.s32 $0xFFFFFC00  }
0x248: {  	_ =	swait.ge [sflag:s25], $0x400  }
0x249: {  	[sflag:s25] =	ssyncset.done $0x0  }
0x24a: {  	[sflag:s25] =	ssyncadd.s32 $0xFFFFFC00  }
0x24b: {  	_ =	swait.ge [sflag:s10], $0x400  }
0x24c: {  	[sflag:s10] =	ssyncset.done $0x0  }
0x24d: {  	[sflag:s10] =	ssyncadd.s32 $0xFFFFFC00  }
0x24e: {  	_ =	swait.ge [sflag:s12], $0x400  }
0x24f: {  	s17 =	sld [smem:$0x7B8]  }
0x250: {  	[sflag:s12] =	ssyncset.done $0x0  }
0x251: {  	s0 =	sld [smem:$0x7F0];
	[sflag:s12] =	ssyncadd.s32 $0xFFFFFC00  }
0x252: {  	[tilespmem:s24], [sflag:$0x1] =	stream.linear.gather [hbm4b:s17+s24], $0x80, $0x38;
	[tilespmem:$0x37C0] =	vst v63  }
0x253: {  	s17 =	sld [smem:$0x7B9]  }
0x254: {  	[tilespmem:s15], [sflag:$0x1] =	stream.linear.gather [hbm4b:s0+s24], $0x400, $0x38;
	[tilespmem:$0x37C0] =	vst v63  }
0x255: {  	s0 =	sld [smem:$0x7F1]  }
0x256: {  	[tilespmem:s11], [sflag:$0x2] =	stream.linear.gather [hbm4b:s17+s24], $0x80, $0x38;
	[tilespmem:$0x37C0] =	vst v63  }
0x257: {  	_ = 	snop  }
0x258: {  	[tilespmem:s1], [sflag:$0x2] =	stream.linear.gather [hbm4b:s0+s24], $0x400, $0x38;
	[tilespmem:$0x37C0] =	vst v63  }
0x259: {  	s1 =	sld [smem:$0x7BA];
	_ =	sdelay $0x1  }
0x25a: {  	s15 =	sld [smem:$0x7F2]  }
0x25b: {  	[tilespmem:s2], [sflag:$0x3] =	stream.linear.gather [hbm4b:s1+s24], $0x80, $0x38;
	[tilespmem:$0x37C0] =	vst v63  }
0x25c: {  	s17 =	simm.s32 $0xC00;
	s0 =	sld [smem:$0x7BB]  }
0x25d: {  	[tilespmem:s17], [sflag:$0x3] =	stream.linear.gather [hbm4b:s15+s24], $0x400, $0x38;
	[tilespmem:$0x37C0] =	vst v63  }
0x25e: {  	s1 =	sld [smem:$0x7F3]  }
0x25f: {  	[tilespmem:s30], [sflag:$0x4] =	stream.linear.gather [hbm4b:s0+s24], $0x80, $0x38;
	[tilespmem:$0x37C0] =	vst v63  }
0x260: {  	s15 =	simm.s32 $0x1000  }
0x261: {  	[tilespmem:s15], [sflag:$0x4] =	stream.linear.gather [hbm4b:s1+s24], $0x400, $0x38;
	[tilespmem:$0x37C0] =	vst v63  }
0x262: {  	_ =	swait.ge [sflag:s4], $0x80  }
0x263: {  	[sflag:s4] =	ssyncset.done $0x0  }
0x264: {  	[sflag:s4] =	ssyncadd.s32 $0xFFFFFF80  }
0x265: {  	_ =	swait.ge [sflag:s4], $0x400  }
0x266: {  	[sflag:s4] =	ssyncset.done $0x0  }
0x267: {  	s31 =	simm.s32 $0x200;
	[sflag:s4] =	ssyncadd.s32 $0xFFFFFC00  }
0x268: {  	[spmem:s3] =	stream.indirect.scatter.add.f32 [tilespmem:s18], [sflag:$0xD], $0x8, s31, s11, $0xb8;
	[tilespmem:$0x37C0] =	vst v63  }
0x269: {  	_ =	swait.ge [sflag:s5], $0x80  }
0x26a: {  	[sflag:s5] =	ssyncset.done $0x0  }
0x26b: {  	[sflag:s5] =	ssyncadd.s32 $0xFFFFFF80  }
0x26c: {  	_ =	swait.ge [sflag:s5], $0x400  }
0x26d: {  	[sflag:s5] =	ssyncset.done $0x0  }
0x26e: {  	s2 =	simm.s32 $0x1800;
	[sflag:s5] =	ssyncadd.s32 $0xFFFFFC00  }
0x26f: {  	[spmem:s3] =	stream.indirect.scatter.add.f32 [tilespmem:s2], [sflag:$0xE], $0x8, s19, s11, $0xb8;
	[tilespmem:$0x37C0] =	vst v63  }
0x270: {  	_ =	swait.ge [sflag:s7], $0x80  }
0x271: {  	[sflag:s7] =	ssyncset.done $0x0  }
0x272: {  	[sflag:s7] =	ssyncadd.s32 $0xFFFFFF80  }
0x273: {  	_ =	swait.ge [sflag:s7], $0x400  }
0x274: {  	[sflag:s7] =	ssyncset.done $0x0  }
0x275: {  	s0 =	simm.s32 $0x300;
	s1 =	simm.s32 $0x1C00;
	[sflag:s7] =	ssyncadd.s32 $0xFFFFFC00  }
0x276: {  	[spmem:s3] =	stream.indirect.scatter.add.f32 [tilespmem:s1], [sflag:$0xF], $0x8, s0, s11, $0xb8;
	[tilespmem:$0x37C0] =	vst v63  }
0x277: {  	_ =	swait.ge [sflag:s6], $0x80  }
0x278: {  	[sflag:s6] =	ssyncset.done $0x0  }
0x279: {  	[sflag:s6] =	ssyncadd.s32 $0xFFFFFF80  }
0x27a: {  	_ =	swait.ge [sflag:s6], $0x400  }
0x27b: {  	[sflag:s6] =	ssyncset.done $0x0  }
0x27c: {  	s17 =	simm.s32 $0x2000;
	s30 =	simm.s32 $0x380;
	[sflag:s6] =	ssyncadd.s32 $0xFFFFFC00  }
0x27d: {  	[spmem:s3] =	stream.indirect.scatter.add.f32 [tilespmem:s17], [sflag:$0x10], $0x8, s30, s11, $0xb8;
	[tilespmem:$0x37C0] =	vst v63  }
0x27e: {  	_ =	swait.ge [sflag:s13], $0x400  }
0x27f: {  	[sflag:s13] =	ssyncset.done $0x0  }
0x280: {  	[sflag:s13] =	ssyncadd.s32 $0xFFFFFC00  }
0x281: {  	_ =	swait.ge [sflag:s14], $0x400  }
0x282: {  	[sflag:s14] =	ssyncset.done $0x0  }
0x283: {  	[sflag:s14] =	ssyncadd.s32 $0xFFFFFC00  }
0x284: {  	_ =	swait.ge [sflag:s16], $0x400  }
0x285: {  	[sflag:s16] =	ssyncset.done $0x0  }
0x286: {  	[sflag:s16] =	ssyncadd.s32 $0xFFFFFC00  }
0x287: {  	_ =	swait.ge [sflag:s28], $0x400  }
0x288: {  	s29 =	sld [smem:$0x7BC]  }
0x289: {  	[sflag:s28] =	ssyncset.done $0x0  }
0x28a: {  	[sflag:s28] =	ssyncadd.s32 $0xFFFFFC00  }
0x28b: {  	[tilespmem:s31], [sflag:$0x5] =	stream.linear.gather [hbm4b:s29+s24], $0x80, $0x38;
	[tilespmem:$0x37C0] =	vst v63  }
0x28c: {  	s29 =	sld [smem:$0x7F4];
	_ =	sdelay $0x2  }
0x28d: {  	[tilespmem:s18], [sflag:$0x5] =	stream.linear.gather [hbm4b:s29+s24], $0x400, $0x38;
	[tilespmem:$0x37C0] =	vst v63  }
0x28e: {  	s29 =	sld [smem:$0x7BD];
	_ =	sdelay $0x2  }
0x28f: {  	[tilespmem:s19], [sflag:$0x6] =	stream.linear.gather [hbm4b:s29+s24], $0x80, $0x38;
	[tilespmem:$0x37C0] =	vst v63  }
0x290: {  	s29 =	sld [smem:$0x7F5];
	_ =	sdelay $0x2  }
0x291: {  	[tilespmem:s2], [sflag:$0x6] =	stream.linear.gather [hbm4b:s29+s24], $0x400, $0x38;
	[tilespmem:$0x37C0] =	vst v63  }
0x292: {  	s2 =	sld [smem:$0x7BE];
	_ =	sdelay $0x2  }
0x293: {  	[tilespmem:s0], [sflag:$0x7] =	stream.linear.gather [hbm4b:s2+s24], $0x80, $0x38;
	[tilespmem:$0x37C0] =	vst v63  }
0x294: {  	s0 =	sld [smem:$0x7F6];
	_ =	sdelay $0x2  }
0x295: {  	[tilespmem:s1], [sflag:$0x7] =	stream.linear.gather [hbm4b:s0+s24], $0x400, $0x38;
	[tilespmem:$0x37C0] =	vst v63  }
0x296: {  	s1 =	sld [smem:$0x7BF];
	_ =	sdelay $0x1  }
0x297: {  	s2 =	sld [smem:$0x7F7]  }
0x298: {  	[tilespmem:s30], [sflag:$0x8] =	stream.linear.gather [hbm4b:s1+s24], $0x80, $0x38;
	[tilespmem:$0x37C0] =	vst v63  }
0x299: {  	_ = 	snop  }
0x29a: {  	[tilespmem:s17], [sflag:$0x8] =	stream.linear.gather [hbm4b:s2+s24], $0x400, $0x38;
	[tilespmem:$0x37C0] =	vst v63  }
0x29b: {  	_ =	swait.ge [sflag:s20], $0x80  }
0x29c: {  	[sflag:s20] =	ssyncset.done $0x0  }
0x29d: {  	[sflag:s20] =	ssyncadd.s32 $0xFFFFFF80  }
0x29e: {  	_ =	swait.ge [sflag:s20], $0x400  }
0x29f: {  	[sflag:s20] =	ssyncset.done $0x0  }
0x2a0: {  	s17 =	simm.s32 $0x400;
	[sflag:s20] =	ssyncadd.s32 $0xFFFFFC00  }
0x2a1: {  	[spmem:s3] =	stream.indirect.scatter.add.f32 [tilespmem:s17], [sflag:$0x9], $0x8, s24, s11, $0xb8;
	[tilespmem:$0x37C0] =	vst v63  }
0x2a2: {  	_ =	swait.ge [sflag:s21], $0x80  }
0x2a3: {  	[sflag:s21] =	ssyncset.done $0x0  }
0x2a4: {  	[sflag:s21] =	ssyncadd.s32 $0xFFFFFF80  }
0x2a5: {  	_ =	swait.ge [sflag:s21], $0x400  }
0x2a6: {  	[sflag:s21] =	ssyncset.done $0x0  }
0x2a7: {  	s29 =	simm.s32 $0x800;
	[sflag:s21] =	ssyncadd.s32 $0xFFFFFC00  }
0x2a8: {  	[spmem:s3] =	stream.indirect.scatter.add.f32 [tilespmem:s29], [sflag:$0xA], $0x8, s11, s11, $0xb8;
	[tilespmem:$0x37C0] =	vst v63  }
0x2a9: {  	_ =	swait.ge [sflag:s22], $0x80  }
0x2aa: {  	[sflag:s22] =	ssyncset.done $0x0  }
0x2ab: {  	[sflag:s22] =	ssyncadd.s32 $0xFFFFFF80  }
0x2ac: {  	_ =	swait.ge [sflag:s22], $0x400  }
0x2ad: {  	[sflag:s22] =	ssyncset.done $0x0  }
0x2ae: {  	s17 =	simm.s32 $0xC00;
	s29 =	simm.s32 $0x100;
	[sflag:s22] =	ssyncadd.s32 $0xFFFFFC00  }
0x2af: {  	[spmem:s3] =	stream.indirect.scatter.add.f32 [tilespmem:s17], [sflag:$0xB], $0x8, s29, s11, $0xb8;
	[tilespmem:$0x37C0] =	vst v63  }
0x2b0: {  	_ =	swait.ge [sflag:s23], $0x80  }
0x2b1: {  	[sflag:s23] =	ssyncset.done $0x0  }
0x2b2: {  	[sflag:s23] =	ssyncadd.s32 $0xFFFFFF80  }
0x2b3: {  	_ =	swait.ge [sflag:s23], $0x400  }
0x2b4: {  	[sflag:s23] =	ssyncset.done $0x0  }
0x2b5: {  	s17 =	simm.s32 $0x180;
	[sflag:s23] =	ssyncadd.s32 $0xFFFFFC00  }
0x2b6: {  	[spmem:s3] =	stream.indirect.scatter.add.f32 [tilespmem:s15], [sflag:$0xC], $0x8, s17, s11, $0xb8;
	[tilespmem:$0x37C0] =	vst v63  }
0x2b7: {  	_ =	swait.ge [sflag:s26], $0x400  }
0x2b8: {  	[sflag:s26] =	ssyncset.done $0x0  }
0x2b9: {  	[sflag:s26] =	ssyncadd.s32 $0xFFFFFC00  }
0x2ba: {  	_ =	swait.ge [sflag:s25], $0x400  }
0x2bb: {  	[sflag:s25] =	ssyncset.done $0x0  }
0x2bc: {  	[sflag:s25] =	ssyncadd.s32 $0xFFFFFC00  }
0x2bd: {  	_ =	swait.ge [sflag:s10], $0x400  }
0x2be: {  	[sflag:s10] =	ssyncset.done $0x0  }
0x2bf: {  	[sflag:s10] =	ssyncadd.s32 $0xFFFFFC00  }
0x2c0: {  	_ =	swait.ge [sflag:s12], $0x400  }
0x2c1: {  	[sflag:s12] =	ssyncset.done $0x0  }
0x2c2: {  	[sflag:s12] =	ssyncadd.s32 $0xFFFFFC00  }
0x2c3: {  	_ =	swait.ge [sflag:s4], $0x80  }
0x2c4: {  	[sflag:s4] =	ssyncset.done $0x0  }
0x2c5: {  	[sflag:s4] =	ssyncadd.s32 $0xFFFFFF80  }
0x2c6: {  	_ =	swait.ge [sflag:s4], $0x400  }
0x2c7: {  	[sflag:s4] =	ssyncset.done $0x0  }
0x2c8: {  	[sflag:s4] =	ssyncadd.s32 $0xFFFFFC00  }
0x2c9: {  	[spmem:s3] =	stream.indirect.scatter.add.f32 [tilespmem:s18], [sflag:$0xD], $0x8, s31, s11, $0xb8;
	[tilespmem:$0x37C0] =	vst v63  }
0x2ca: {  	_ =	swait.ge [sflag:s5], $0x80  }
0x2cb: {  	[sflag:s5] =	ssyncset.done $0x0  }
0x2cc: {  	[sflag:s5] =	ssyncadd.s32 $0xFFFFFF80  }
0x2cd: {  	_ =	swait.ge [sflag:s5], $0x400  }
0x2ce: {  	[sflag:s5] =	ssyncset.done $0x0  }
0x2cf: {  	s25 =	simm.s32 $0x1800;
	[sflag:s5] =	ssyncadd.s32 $0xFFFFFC00  }
0x2d0: {  	[spmem:s3] =	stream.indirect.scatter.add.f32 [tilespmem:s25], [sflag:$0xE], $0x8, s19, s11, $0xb8;
	[tilespmem:$0x37C0] =	vst v63  }
0x2d1: {  	_ =	swait.ge [sflag:s7], $0x80  }
0x2d2: {  	[sflag:s7] =	ssyncset.done $0x0  }
0x2d3: {  	[sflag:s7] =	ssyncadd.s32 $0xFFFFFF80  }
0x2d4: {  	_ =	swait.ge [sflag:s7], $0x400  }
0x2d5: {  	[sflag:s7] =	ssyncset.done $0x0  }
0x2d6: {  	s0 =	simm.s32 $0x1C00;
	s26 =	simm.s32 $0x300;
	[sflag:s7] =	ssyncadd.s32 $0xFFFFFC00  }
0x2d7: {  	[spmem:s3] =	stream.indirect.scatter.add.f32 [tilespmem:s0], [sflag:$0xF], $0x8, s26, s11, $0xb8;
	[tilespmem:$0x37C0] =	vst v63  }
0x2d8: {  	_ =	swait.ge [sflag:s6], $0x80  }
0x2d9: {  	[sflag:s6] =	ssyncset.done $0x0  }
0x2da: {  	[sflag:s6] =	ssyncadd.s32 $0xFFFFFF80  }
0x2db: {  	_ =	swait.ge [sflag:s6], $0x400  }
0x2dc: {  	[sflag:s6] =	ssyncset.done $0x0  }
0x2dd: {  	s1 =	simm.s32 $0x2000;
	s29 =	simm.s32 $0x380;
	[sflag:s6] =	ssyncadd.s32 $0xFFFFFC00  }
0x2de: {  	[spmem:s3] =	stream.indirect.scatter.add.f32 [tilespmem:s1], [sflag:$0x10], $0x8, s29, s11, $0xb8;
	[tilespmem:$0x37C0] =	vst v63  }
0x2df: {  	_ =	swait.ge [sflag:s13], $0x400  }
.Ltmp3:
0x2e0: {  	[sflag:s13] =	ssyncset.done $0x0;
	(pc) =	sbr.rel .LBB2_3-.Ltmp3, $4  }
0x2e1: {  	[sflag:s13] =	ssyncadd.s32 $0xFFFFFC00  }
0x2e2: {  	_ =	swait.ge [sflag:s14], $0x400  }
0x2e3: {  	[sflag:s14] =	ssyncset.done $0x0  }
0x2e4: {  	s9 =	simm.s32 $0x11;
	s30 =	simm.s32 $0xC00;
	[sflag:s14] =	ssyncadd.s32 $0xFFFFFC00  }
.LBB2_4:
0x2e5: {  	_ =	sfence.sel $0x180000  }
0x2e6: {  	[bflag:$0x0] =	sbarrier.arrive $0xFFFF  }
0x2e7: {  	_ =	strace $0x90000047  }
0x2e8: {  	s0 =	stileid.u32;
	[bflag:$0x2] =	sbarrier.arrive $0xFFFF  }
0x2e9: {  	p0 =	sne.s32 s0, $0x0;
	s0 =	rddreg [dreg:$0x3]  }
0x2ea: {  	s0 =	sadd.s32 @!p0 $0x100000, s0  }
0x2eb: {  	[sflag:s0] =	ssyncadd.tile.s32 @!p0 $0x1;
	_ =	shalt  }
.Lfunc_end2:
_tile_overlayer_lowered:
.L_overlay_start_2:
0x2ec: {  	(tag) =	ssettag $0x2  }
0x2ed: {  	s0 =	rddreg [dreg:$0x0];
	s2 =	stileid.u32  }
0x2ee: {  	s1 =	rddreg [dreg:$0x1];
	p0 =	sne.s32 s2, $0x0  }
0x2ef: {  	s3 =	rddreg [dreg:$0x2];
	[bflag:$0x3] =	sbarrier.arrive $0xFFFF;
	s2 =	simm.s32 @!p0 $0x1C11  }
0x2f0: {  	[timem:s3], [sflag:s2] =	dma.local @!p0 [hbm:s0], s1  }
0x2f1: {  	s0 =	simm.s32 @!p0 $0x11  }
0x2f2: {  	_ =	swait.ge @!p0 [sflag:s0], s1  }
0x2f3: {  	s1 =	ssub.s32 @!p0 $0x0, s1;
	[sflag:s0] =	ssyncset.done @!p0 $0x0  }
0x2f4: {  	[sflag:s0] =	ssyncadd.s32 @!p0 s1  }
0x2f5: {  	[bflag:$0x3] =	sbarrier.arrive $0xFFFF  }
0x2f6: {  	_ =	shalt  }

</sc_bundles>
